<compile_context>
chip_gen: v7x
topology: tpu7x:2x2x1
jax: 0.10.2.dev20260603
libtpu: 0.0.44.dev20260713+nightly
codegen_flags: <defaults>
</compile_context>

<pallas_src>
import jax
import jax.numpy as jnp
from jax import lax
from jax.experimental import pallas as pl
from jax.experimental.pallas import tpu as pltpu
from jax.experimental.pallas import tpu_sc as plsc

_B, _L, _V, _H = 16384, 50, 100000, 256
_CLAMP = 127.0

_NC, _NS = 2, 16
_NW = _NC * _NS
_NBAG = 2 * _B
_BPW = _NBAG // _NW
_CBAG = 128
_NCH = _BPW // _CBAG
_NVR = _H // 16
_NSPL = 4


def _bag_body(idx_ref, emb_ref, out_ref, idx_v, buf_v, acc_v, sem0, sem1):
    cid = lax.axis_index("c")
    sid = lax.axis_index("s")
    wid = sid * _NC + cid
    zero = jnp.zeros((16,), jnp.float32)

    def chunk(c, carry):
        pltpu.sync_copy(idx_ref.at[wid * _NCH + c], idx_v)

        @plsc.parallel_loop(0, _CBAG, unroll=2)
        def _(r):
            for j in range(_NVR):
                acc_v[r, pl.ds(16 * j, 16)] = zero

        mhi = jnp.int32(-65536)

        def accum_pair(k):
            @plsc.parallel_loop(0, _CBAG, unroll=4)
            def _(r):
                for j in range(_NVR // 2):
                    v0 = buf_v[2 * k, r, pl.ds(16 * j, 16)]
                    v1 = buf_v[2 * k + 1, r, pl.ds(16 * j, 16)]
                    a = (lax.bitcast_convert_type(v0 << 16, jnp.float32)
                         + lax.bitcast_convert_type(v1 << 16, jnp.float32))
                    b = (lax.bitcast_convert_type(v0 & mhi, jnp.float32)
                         + lax.bitcast_convert_type(v1 & mhi, jnp.float32))
                    plsc.addupdate(acc_v.at[r, pl.ds(32 * j, 16)], a)
                    plsc.addupdate(acc_v.at[r, pl.ds(32 * j + 16, 16)], b)

        def gath(q, k, sem):
            pltpu.async_copy(emb_ref.at[idx_v.at[2 * q]],
                             buf_v.at[2 * k], sem)
            pltpu.async_copy(emb_ref.at[idx_v.at[2 * q + 1]],
                             buf_v.at[2 * k + 1], sem)

        def waitg(q, k, sem):
            pltpu.make_async_copy(emb_ref.at[idx_v.at[2 * q]],
                                  buf_v.at[2 * k], sem).wait()
            pltpu.make_async_copy(emb_ref.at[idx_v.at[2 * q + 1]],
                                  buf_v.at[2 * k + 1], sem).wait()

        _NQ = _L // 2
        gath(0, 0, sem0)

        def pos(i, cc):
            q0 = 2 * i

            @pl.when(q0 + 1 < _NQ)
            def _():
                gath(q0 + 1, 1, sem1)

            waitg(q0, 0, sem0)
            accum_pair(0)

            @pl.when(q0 + 2 < _NQ)
            def _():
                gath(q0 + 2, 0, sem0)

            @pl.when(q0 + 1 < _NQ)
            def _():
                waitg(q0 + 1, 1, sem1)
                accum_pair(1)

            return cc

        lax.fori_loop(0, (_NQ + 1) // 2, pos, 0)
        pltpu.sync_copy(acc_v,
                        out_ref.at[pl.ds(wid * _BPW + c * _CBAG, _CBAG), :])
        return carry

    lax.fori_loop(0, _NCH, chunk, 0)


_bag = pl.kernel(
    _bag_body,
    out_type=jax.ShapeDtypeStruct((_NBAG, _H), jnp.float32),
    mesh=plsc.VectorSubcoreMesh(
        core_axis_name="c", subcore_axis_name="s",
        num_cores=_NC, num_subcores=_NS,
    ),
    scratch_types=[
        pltpu.VMEM((_L, _CBAG), jnp.int32),
        pltpu.VMEM((4, _CBAG, _H // 2), jnp.int32),
        pltpu.VMEM((_CBAG, _H), jnp.float32),
        pltpu.SemaphoreType.DMA,
        pltpu.SemaphoreType.DMA,
    ],
)

_BLK = 2048


def _mlp_body(accw_ref, accb_ref, stm_ref, b1_ref, w1_ref, c1_ref,
              w2_ref, c2_ref, w3_ref, c3_ref, y_ref):
    white = stm_ref[...] == 0
    aw = accw_ref[...] + b1_ref[...]
    ab = accb_ref[...] + b1_ref[...]
    astm = jnp.where(white, aw, ab)
    anstm = jnp.where(white, ab, aw)
    x = jnp.clip(jnp.concatenate([astm, anstm], axis=1), 0.0, _CLAMP)
    h = lax.dot_general(x, w1_ref[...], (((1,), (1,)), ((), ())),
                        preferred_element_type=jnp.float32,
                        precision=lax.Precision.HIGHEST) + c1_ref[...]
    h = jnp.clip(h, 0.0, _CLAMP)
    h = lax.dot_general(h, w2_ref[...], (((1,), (1,)), ((), ())),
                        preferred_element_type=jnp.float32,
                        precision=lax.Precision.HIGHEST) + c2_ref[...]
    h = jnp.clip(h, 0.0, _CLAMP)
    yv = jnp.sum(h * w3_ref[...], axis=1, keepdims=True) + c3_ref[0, 0]
    y_ref[...] = yv


def _mlp(acc_w, acc_b, stm, b1, fc1_w, fc1_b, fc2_w, fc2_b, out_w, out_b):
    grid = (_B // _BLK,)
    return pl.pallas_call(
        _mlp_body,
        grid=grid,
        in_specs=[
            pl.BlockSpec((_BLK, _H), lambda i: (i, 0)),
            pl.BlockSpec((_BLK, _H), lambda i: (i, 0)),
            pl.BlockSpec((_BLK, 1), lambda i: (i, 0)),
            pl.BlockSpec((1, _H), lambda i: (0, 0)),
            pl.BlockSpec((32, 2 * _H), lambda i: (0, 0)),
            pl.BlockSpec((1, 32), lambda i: (0, 0)),
            pl.BlockSpec((32, 32), lambda i: (0, 0)),
            pl.BlockSpec((1, 32), lambda i: (0, 0)),
            pl.BlockSpec((1, 32), lambda i: (0, 0)),
            pl.BlockSpec((1, 1), lambda i: (0, 0)),
        ],
        out_specs=pl.BlockSpec((_BLK, 1), lambda i: (i, 0)),
        out_shape=jax.ShapeDtypeStruct((_B, 1), jnp.float32),
    )(acc_w, acc_b, stm, b1.reshape(1, _H),
      fc1_w, fc1_b.reshape(1, 32), fc2_w, fc2_b.reshape(1, 32), out_w,
      out_b.reshape(1, 1))[:, 0]


def kernel(feats_w, feats_b, stm, emb, b1, fc1_w, fc1_b, fc2_w, fc2_b,
           out_w, out_b):
    feats = jnp.concatenate([feats_w, feats_b], axis=0)
    idx = feats.reshape(_NW * _NCH, _CBAG, _L).transpose(0, 2, 1)
    idx = idx.astype(jnp.int32)
    emb_bf = emb.astype(jnp.bfloat16)
    emb_bf = emb_bf.reshape(_V + 1, _H // 32, 2, 16)
    emb_bf = emb_bf.transpose(0, 1, 3, 2).reshape(_V + 1, _H // 2, 2)
    emb_i32 = lax.bitcast_convert_type(emb_bf, jnp.int32)
    acc = _bag(idx, emb_i32)
    return _mlp(acc[:_B], acc[_B:], stm.reshape(_B, 1), b1,
                fc1_w, fc1_b, fc2_w, fc2_b, out_w, out_b)

# --- scband reference (transcript-rebuilt; emitter-appended) ---
"""Pipeline reference for scband-nnue-net-83330955477167 (READ-ONLY COPY).

The authoritative reference and input builder live on the scoring server;
editing this copy changes nothing except your own understanding.
"""

import jax, jax.numpy as jnp
import numpy as np

B, L, V, H = 16384, 50, 100000, 256
H1, H2 = 32, 32
CLAMP = 127.0


def setup_inputs(seed: int = 0) -> dict:
    key = jax.random.key(seed)
    ks = jax.random.split(key, 8)
    feats_w = jax.random.randint(ks[0], (B, L), 0, V)
    feats_b = jax.random.randint(ks[1], (B, L), 0, V)
    stm = jax.random.randint(ks[2], (B,), 0, 2)
    emb = jax.random.uniform(ks[3], (V + 1, H), minval=-0.01, maxval=0.01, dtype=jnp.float32)
    b1 = jnp.zeros((H,), dtype=jnp.float32)
    fc1_w = jax.random.uniform(ks[4], (H1, 2 * H), minval=-0.01, maxval=0.01, dtype=jnp.float32)
    fc1_b = jnp.zeros((H1,), dtype=jnp.float32)
    fc2_w = jax.random.uniform(ks[5], (H2, H1), minval=-0.01, maxval=0.01, dtype=jnp.float32)
    fc2_b = jnp.zeros((H2,), dtype=jnp.float32)
    out_w = jax.random.uniform(ks[6], (1, H2), minval=-0.001, maxval=0.001, dtype=jnp.float32)
    out_b = jnp.zeros((1,), dtype=jnp.float32)
    return {
        'feats_w': feats_w, 'feats_b': feats_b, 'stm': stm,
        'emb': emb, 'b1': b1,
        'fc1_w': fc1_w, 'fc1_b': fc1_b,
        'fc2_w': fc2_w, 'fc2_b': fc2_b,
        'out_w': out_w, 'out_b': out_b,
    }


def clamp_relu(x):
    return jnp.clip(x, 0.0, CLAMP)


def reference(feats_w, feats_b, stm, emb, b1, fc1_w, fc1_b, fc2_w, fc2_b, out_w, out_b):
    acc_w = b1 + jnp.take(emb, feats_w, axis=0).sum(axis=1)
    acc_b = b1 + jnp.take(emb, feats_b, axis=0).sum(axis=1)
    stm_is_white = (stm == 0)[:, None]
    acc_stm = jnp.where(stm_is_white, acc_w, acc_b)
    acc_nstm = jnp.where(stm_is_white, acc_b, acc_w)
    x = jnp.concatenate([acc_stm, acc_nstm], axis=1)
    x = clamp_relu(x)
    h = clamp_relu(x @ fc1_w.T + fc1_b)
    h = clamp_relu(h @ fc2_w.T + fc2_b)
    y = (h @ out_w.T + out_b)[:, 0]
    return y

if __name__ == "__main__":
    import jax
    _d = setup_inputs()
    print(jax.jit(kernel)(*tuple(_d.values())))

</pallas_src>

<mosaic_0001>
#map = affine_map<(d0, d1) -> (0, 0, 0)>
#map1 = affine_map<(d0, d1) -> (0, 0)>
module attributes {stable_mosaic.version = 14 : i64} {
  func.func @_bag_body(%arg0: i32, %arg1: i32, %arg2: memref<256x50x128xi32, #tpu.memory_space<hbm>>, %arg3: memref<100001x128xi32, #tpu.memory_space<hbm>>, %arg4: memref<32768x256xf32, #tpu.memory_space<hbm>>, %arg5: memref<50x128xi32, #tpu.memory_space<vmem>>, %arg6: memref<4x128x128xi32, #tpu.memory_space<vmem>>, %arg7: memref<128x256xf32, #tpu.memory_space<vmem>>, %arg8: memref<!tpu.dma_semaphore, #tpu.memory_space<semaphore_mem>>, %arg9: memref<!tpu.dma_semaphore, #tpu.memory_space<semaphore_mem>>) attributes {dimension_semantics = [#tpu.dimension_semantics<core_parallel>, #tpu.dimension_semantics<subcore_parallel>], iteration_bounds = array<i64: 2, 16>, scalar_prefetch = 0 : i64, scratch_operands = 5 : i64, tpu.core_type = #tpu.core_type<sc_vector_subcore>, window_params = [{transform_indices = #map}, {transform_indices = #map1}, {transform_indices = #map1}]} {
    %mul3A = arith.constant 2 : i32
    %mul3A_0 = arith.muli %arg1, %mul3A : i32
    %add3A = arith.addi %mul3A_0, %arg0 : i32
    %broadcast_in_dim3A = arith.constant 0.000000e+00 : f32
    %broadcast_in_dim3A_1 = vector.broadcast %broadcast_in_dim3A : f32 to vector<16xf32>
    %scan3A = arith.constant 0 : i32
    %scan3A_2 = arith.constant 0 : i32
    %scan3A_3 = arith.constant 8 : i32
    %scan3A_4 = arith.addi %scan3A_2, %scan3A_3 : i32
    %scan3A_5 = arith.constant 1 : i32
    scf.for %scan3A_7 = %scan3A_2 to %scan3A_4 step %scan3A_5  : i32 {
      %mul3A_8 = arith.constant 8 : i32
      %mul3A_9 = arith.muli %add3A, %mul3A_8 : i32
      %add3A_10 = arith.addi %mul3A_9, %scan3A_7 : i32
      "tpu.region"() ({
        %run_scoped3A = tpu.sem_alloc : memref<!tpu.dma_semaphore, #tpu.memory_space<semaphore_mem>>
        %dma_start3A_48 = arith.constant 0 : i32
        %dma_start3A_49 = arith.constant 0 : i32
        %dma_start3A_50 = tpu.memref_slice %arg2[%add3A_10, %dma_start3A_48, %dma_start3A_49] : memref<256x50x128xi32, #tpu.memory_space<hbm>> -> memref<1x50x128xi32, #tpu.memory_space<hbm>>
        %dma_start3A_51 = tpu.memref_squeeze %dma_start3A_50 : memref<1x50x128xi32, #tpu.memory_space<hbm>> -> memref<50x128xi32, #tpu.memory_space<hbm>>
        %dma_start3A_52 = arith.constant 0 : i32
        %dma_start3A_53 = arith.constant 0 : i32
        %dma_start3A_54 = tpu.memref_slice %arg2[%add3A_10, %dma_start3A_52, %dma_start3A_53] : memref<256x50x128xi32, #tpu.memory_space<hbm>> -> memref<1x50x128xi32, #tpu.memory_space<hbm>>
        %dma_start3A_55 = tpu.memref_squeeze %dma_start3A_54 : memref<1x50x128xi32, #tpu.memory_space<hbm>> -> memref<50x128xi32, #tpu.memory_space<hbm>>
        tpu.enqueue_dma source(%dma_start3A_55 : memref<50x128xi32, #tpu.memory_space<hbm>>) target(%arg5 : memref<50x128xi32, #tpu.memory_space<vmem>>) target_semaphore(%run_scoped3A : memref<!tpu.dma_semaphore, #tpu.memory_space<semaphore_mem>>)
        %dma_wait3A = arith.constant 0 : i32
        %dma_wait3A_56 = arith.constant 0 : i32
        %dma_wait3A_57 = tpu.memref_slice %arg2[%add3A_10, %dma_wait3A, %dma_wait3A_56] : memref<256x50x128xi32, #tpu.memory_space<hbm>> -> memref<1x50x128xi32, #tpu.memory_space<hbm>>
        %dma_wait3A_58 = tpu.memref_squeeze %dma_wait3A_57 : memref<1x50x128xi32, #tpu.memory_space<hbm>> -> memref<50x128xi32, #tpu.memory_space<hbm>>
        %dma_wait3A_59 = arith.constant 0 : i32
        %dma_wait3A_60 = arith.constant 0 : i32
        %dma_wait3A_61 = tpu.memref_slice %arg2[%add3A_10, %dma_wait3A_59, %dma_wait3A_60] : memref<256x50x128xi32, #tpu.memory_space<hbm>> -> memref<1x50x128xi32, #tpu.memory_space<hbm>>
        %dma_wait3A_62 = tpu.memref_squeeze %dma_wait3A_61 : memref<1x50x128xi32, #tpu.memory_space<hbm>> -> memref<50x128xi32, #tpu.memory_space<hbm>>
        tpu.wait_dma2 semaphore(%run_scoped3A : memref<!tpu.dma_semaphore, #tpu.memory_space<semaphore_mem>>) src(%dma_wait3A_62 : memref<50x128xi32, #tpu.memory_space<hbm>>) dst(%arg5 : memref<50x128xi32, #tpu.memory_space<vmem>>)
        tpu.yield
      }) : () -> ()
      %parallel_loop3A = arith.constant 0 : i32
      %parallel_loop3A_11 = arith.constant 128 : i32
      %parallel_loop3A_12 = arith.constant 1 : i32
      scf.for %parallel_loop3A_48 = %parallel_loop3A to %parallel_loop3A_11 step %parallel_loop3A_12  : i32 {
        %parallel_loop3A_49 = arith.index_cast %parallel_loop3A_48 : i32 to index
        %parallel_loop3A_50 = arith.constant 0 : index
        %parallel_loop3A_51 = tpu.vector_load %arg7[%parallel_loop3A_49, %parallel_loop3A_50] {strides = array<i32>} : memref<128x256xf32, #tpu.memory_space<vmem>>, vector<1x16xf32>,
        %parallel_loop3A_52 = vector.shape_cast %parallel_loop3A_51 : vector<1x16xf32> to vector<16xf32>
        %parallel_loop3A_53 = vector.shape_cast %broadcast_in_dim3A_1 : vector<16xf32> to vector<1x16xf32>
        tpu.vector_store %arg7[%parallel_loop3A_49, %parallel_loop3A_50], %parallel_loop3A_53 {strides = array<i32>} : memref<128x256xf32, #tpu.memory_space<vmem>>, vector<1x16xf32>,
        %parallel_loop3A_54 = arith.index_cast %parallel_loop3A_48 : i32 to index
        %parallel_loop3A_55 = arith.constant 16 : index
        %parallel_loop3A_56 = tpu.vector_load %arg7[%parallel_loop3A_54, %parallel_loop3A_55] {strides = array<i32>} : memref<128x256xf32, #tpu.memory_space<vmem>>, vector<1x16xf32>,
        %parallel_loop3A_57 = vector.shape_cast %parallel_loop3A_56 : vector<1x16xf32> to vector<16xf32>
        %parallel_loop3A_58 = vector.shape_cast %broadcast_in_dim3A_1 : vector<16xf32> to vector<1x16xf32>
        tpu.vector_store %arg7[%parallel_loop3A_54, %parallel_loop3A_55], %parallel_loop3A_58 {strides = array<i32>} : memref<128x256xf32, #tpu.memory_space<vmem>>, vector<1x16xf32>,
        %parallel_loop3A_59 = arith.index_cast %parallel_loop3A_48 : i32 to index
        %parallel_loop3A_60 = arith.constant 32 : index
        %parallel_loop3A_61 = tpu.vector_load %arg7[%parallel_loop3A_59, %parallel_loop3A_60] {strides = array<i32>} : memref<128x256xf32, #tpu.memory_space<vmem>>, vector<1x16xf32>,
        %parallel_loop3A_62 = vector.shape_cast %parallel_loop3A_61 : vector<1x16xf32> to vector<16xf32>
        %parallel_loop3A_63 = vector.shape_cast %broadcast_in_dim3A_1 : vector<16xf32> to vector<1x16xf32>
        tpu.vector_store %arg7[%parallel_loop3A_59, %parallel_loop3A_60], %parallel_loop3A_63 {strides = array<i32>} : memref<128x256xf32, #tpu.memory_space<vmem>>, vector<1x16xf32>,
        %parallel_loop3A_64 = arith.index_cast %parallel_loop3A_48 : i32 to index
        %parallel_loop3A_65 = arith.constant 48 : index
        %parallel_loop3A_66 = tpu.vector_load %arg7[%parallel_loop3A_64, %parallel_loop3A_65] {strides = array<i32>} : memref<128x256xf32, #tpu.memory_space<vmem>>, vector<1x16xf32>,
        %parallel_loop3A_67 = vector.shape_cast %parallel_loop3A_66 : vector<1x16xf32> to vector<16xf32>
        %parallel_loop3A_68 = vector.shape_cast %broadcast_in_dim3A_1 : vector<16xf32> to vector<1x16xf32>
        tpu.vector_store %arg7[%parallel_loop3A_64, %parallel_loop3A_65], %parallel_loop3A_68 {strides = array<i32>} : memref<128x256xf32, #tpu.memory_space<vmem>>, vector<1x16xf32>,
        %parallel_loop3A_69 = arith.index_cast %parallel_loop3A_48 : i32 to index
        %parallel_loop3A_70 = arith.constant 64 : index
        %parallel_loop3A_71 = tpu.vector_load %arg7[%parallel_loop3A_69, %parallel_loop3A_70] {strides = array<i32>} : memref<128x256xf32, #tpu.memory_space<vmem>>, vector<1x16xf32>,
        %parallel_loop3A_72 = vector.shape_cast %parallel_loop3A_71 : vector<1x16xf32> to vector<16xf32>
        %parallel_loop3A_73 = vector.shape_cast %broadcast_in_dim3A_1 : vector<16xf32> to vector<1x16xf32>
        tpu.vector_store %arg7[%parallel_loop3A_69, %parallel_loop3A_70], %parallel_loop3A_73 {strides = array<i32>} : memref<128x256xf32, #tpu.memory_space<vmem>>, vector<1x16xf32>,
        %parallel_loop3A_74 = arith.index_cast %parallel_loop3A_48 : i32 to index
        %parallel_loop3A_75 = arith.constant 80 : index
        %parallel_loop3A_76 = tpu.vector_load %arg7[%parallel_loop3A_74, %parallel_loop3A_75] {strides = array<i32>} : memref<128x256xf32, #tpu.memory_space<vmem>>, vector<1x16xf32>,
        %parallel_loop3A_77 = vector.shape_cast %parallel_loop3A_76 : vector<1x16xf32> to vector<16xf32>
        %parallel_loop3A_78 = vector.shape_cast %broadcast_in_dim3A_1 : vector<16xf32> to vector<1x16xf32>
        tpu.vector_store %arg7[%parallel_loop3A_74, %parallel_loop3A_75], %parallel_loop3A_78 {strides = array<i32>} : memref<128x256xf32, #tpu.memory_space<vmem>>, vector<1x16xf32>,
        %parallel_loop3A_79 = arith.index_cast %parallel_loop3A_48 : i32 to index
        %parallel_loop3A_80 = arith.constant 96 : index
        %parallel_loop3A_81 = tpu.vector_load %arg7[%parallel_loop3A_79, %parallel_loop3A_80] {strides = array<i32>} : memref<128x256xf32, #tpu.memory_space<vmem>>, vector<1x16xf32>,
        %parallel_loop3A_82 = vector.shape_cast %parallel_loop3A_81 : vector<1x16xf32> to vector<16xf32>
        %parallel_loop3A_83 = vector.shape_cast %broadcast_in_dim3A_1 : vector<16xf32> to vector<1x16xf32>
        tpu.vector_store %arg7[%parallel_loop3A_79, %parallel_loop3A_80], %parallel_loop3A_83 {strides = array<i32>} : memref<128x256xf32, #tpu.memory_space<vmem>>, vector<1x16xf32>,
        %parallel_loop3A_84 = arith.index_cast %parallel_loop3A_48 : i32 to index
        %parallel_loop3A_85 = arith.constant 112 : index
        %parallel_loop3A_86 = tpu.vector_load %arg7[%parallel_loop3A_84, %parallel_loop3A_85] {strides = array<i32>} : memref<128x256xf32, #tpu.memory_space<vmem>>, vector<1x16xf32>,
        %parallel_loop3A_87 = vector.shape_cast %parallel_loop3A_86 : vector<1x16xf32> to vector<16xf32>
        %parallel_loop3A_88 = vector.shape_cast %broadcast_in_dim3A_1 : vector<16xf32> to vector<1x16xf32>
        tpu.vector_store %arg7[%parallel_loop3A_84, %parallel_loop3A_85], %parallel_loop3A_88 {strides = array<i32>} : memref<128x256xf32, #tpu.memory_space<vmem>>, vector<1x16xf32>,
        %parallel_loop3A_89 = arith.index_cast %parallel_loop3A_48 : i32 to index
        %parallel_loop3A_90 = arith.constant 128 : index
        %parallel_loop3A_91 = tpu.vector_load %arg7[%parallel_loop3A_89, %parallel_loop3A_90] {strides = array<i32>} : memref<128x256xf32, #tpu.memory_space<vmem>>, vector<1x16xf32>,
        %parallel_loop3A_92 = vector.shape_cast %parallel_loop3A_91 : vector<1x16xf32> to vector<16xf32>
        %parallel_loop3A_93 = vector.shape_cast %broadcast_in_dim3A_1 : vector<16xf32> to vector<1x16xf32>
        tpu.vector_store %arg7[%parallel_loop3A_89, %parallel_loop3A_90], %parallel_loop3A_93 {strides = array<i32>} : memref<128x256xf32, #tpu.memory_space<vmem>>, vector<1x16xf32>,
        %parallel_loop3A_94 = arith.index_cast %parallel_loop3A_48 : i32 to index
        %parallel_loop3A_95 = arith.constant 144 : index
        %parallel_loop3A_96 = tpu.vector_load %arg7[%parallel_loop3A_94, %parallel_loop3A_95] {strides = array<i32>} : memref<128x256xf32, #tpu.memory_space<vmem>>, vector<1x16xf32>,
        %parallel_loop3A_97 = vector.shape_cast %parallel_loop3A_96 : vector<1x16xf32> to vector<16xf32>
        %parallel_loop3A_98 = vector.shape_cast %broadcast_in_dim3A_1 : vector<16xf32> to vector<1x16xf32>
        tpu.vector_store %arg7[%parallel_loop3A_94, %parallel_loop3A_95], %parallel_loop3A_98 {strides = array<i32>} : memref<128x256xf32, #tpu.memory_space<vmem>>, vector<1x16xf32>,
        %parallel_loop3A_99 = arith.index_cast %parallel_loop3A_48 : i32 to index
        %parallel_loop3A_100 = arith.constant 160 : index
        %parallel_loop3A_101 = tpu.vector_load %arg7[%parallel_loop3A_99, %parallel_loop3A_100] {strides = array<i32>} : memref<128x256xf32, #tpu.memory_space<vmem>>, vector<1x16xf32>,
        %parallel_loop3A_102 = vector.shape_cast %parallel_loop3A_101 : vector<1x16xf32> to vector<16xf32>
        %parallel_loop3A_103 = vector.shape_cast %broadcast_in_dim3A_1 : vector<16xf32> to vector<1x16xf32>
        tpu.vector_store %arg7[%parallel_loop3A_99, %parallel_loop3A_100], %parallel_loop3A_103 {strides = array<i32>} : memref<128x256xf32, #tpu.memory_space<vmem>>, vector<1x16xf32>,
        %parallel_loop3A_104 = arith.index_cast %parallel_loop3A_48 : i32 to index
        %parallel_loop3A_105 = arith.constant 176 : index
        %parallel_loop3A_106 = tpu.vector_load %arg7[%parallel_loop3A_104, %parallel_loop3A_105] {strides = array<i32>} : memref<128x256xf32, #tpu.memory_space<vmem>>, vector<1x16xf32>,
        %parallel_loop3A_107 = vector.shape_cast %parallel_loop3A_106 : vector<1x16xf32> to vector<16xf32>
        %parallel_loop3A_108 = vector.shape_cast %broadcast_in_dim3A_1 : vector<16xf32> to vector<1x16xf32>
        tpu.vector_store %arg7[%parallel_loop3A_104, %parallel_loop3A_105], %parallel_loop3A_108 {strides = array<i32>} : memref<128x256xf32, #tpu.memory_space<vmem>>, vector<1x16xf32>,
        %parallel_loop3A_109 = arith.index_cast %parallel_loop3A_48 : i32 to index
        %parallel_loop3A_110 = arith.constant 192 : index
        %parallel_loop3A_111 = tpu.vector_load %arg7[%parallel_loop3A_109, %parallel_loop3A_110] {strides = array<i32>} : memref<128x256xf32, #tpu.memory_space<vmem>>, vector<1x16xf32>,
        %parallel_loop3A_112 = vector.shape_cast %parallel_loop3A_111 : vector<1x16xf32> to vector<16xf32>
        %parallel_loop3A_113 = vector.shape_cast %broadcast_in_dim3A_1 : vector<16xf32> to vector<1x16xf32>
        tpu.vector_store %arg7[%parallel_loop3A_109, %parallel_loop3A_110], %parallel_loop3A_113 {strides = array<i32>} : memref<128x256xf32, #tpu.memory_space<vmem>>, vector<1x16xf32>,
        %parallel_loop3A_114 = arith.index_cast %parallel_loop3A_48 : i32 to index
        %parallel_loop3A_115 = arith.constant 208 : index
        %parallel_loop3A_116 = tpu.vector_load %arg7[%parallel_loop3A_114, %parallel_loop3A_115] {strides = array<i32>} : memref<128x256xf32, #tpu.memory_space<vmem>>, vector<1x16xf32>,
        %parallel_loop3A_117 = vector.shape_cast %parallel_loop3A_116 : vector<1x16xf32> to vector<16xf32>
        %parallel_loop3A_118 = vector.shape_cast %broadcast_in_dim3A_1 : vector<16xf32> to vector<1x16xf32>
        tpu.vector_store %arg7[%parallel_loop3A_114, %parallel_loop3A_115], %parallel_loop3A_118 {strides = array<i32>} : memref<128x256xf32, #tpu.memory_space<vmem>>, vector<1x16xf32>,
        %parallel_loop3A_119 = arith.index_cast %parallel_loop3A_48 : i32 to index
        %parallel_loop3A_120 = arith.constant 224 : index
        %parallel_loop3A_121 = tpu.vector_load %arg7[%parallel_loop3A_119, %parallel_loop3A_120] {strides = array<i32>} : memref<128x256xf32, #tpu.memory_space<vmem>>, vector<1x16xf32>,
        %parallel_loop3A_122 = vector.shape_cast %parallel_loop3A_121 : vector<1x16xf32> to vector<16xf32>
        %parallel_loop3A_123 = vector.shape_cast %broadcast_in_dim3A_1 : vector<16xf32> to vector<1x16xf32>
        tpu.vector_store %arg7[%parallel_loop3A_119, %parallel_loop3A_120], %parallel_loop3A_123 {strides = array<i32>} : memref<128x256xf32, #tpu.memory_space<vmem>>, vector<1x16xf32>,
        %parallel_loop3A_124 = arith.index_cast %parallel_loop3A_48 : i32 to index
        %parallel_loop3A_125 = arith.constant 240 : index
        %parallel_loop3A_126 = tpu.vector_load %arg7[%parallel_loop3A_124, %parallel_loop3A_125] {strides = array<i32>} : memref<128x256xf32, #tpu.memory_space<vmem>>, vector<1x16xf32>,
        %parallel_loop3A_127 = vector.shape_cast %parallel_loop3A_126 : vector<1x16xf32> to vector<16xf32>
        %parallel_loop3A_128 = vector.shape_cast %broadcast_in_dim3A_1 : vector<16xf32> to vector<1x16xf32>
        tpu.vector_store %arg7[%parallel_loop3A_124, %parallel_loop3A_125], %parallel_loop3A_128 {strides = array<i32>} : memref<128x256xf32, #tpu.memory_space<vmem>>, vector<1x16xf32>,
      } {sc.loop_unroll_factor = 2 : i64, sc.parallel_access}
      %dma_start3A = arith.constant 0 : i32
      %dma_start3A_13 = arith.constant 0 : i32
      %dma_start3A_14 = arith.constant 0 : i32
      %dma_start3A_15 = arith.constant 0 : i32
      %dma_start3A_16 = tpu.memref_slice %arg6[%dma_start3A_13, %dma_start3A_14, %dma_start3A_15] : memref<4x128x128xi32, #tpu.memory_space<vmem>> -> memref<1x128x128xi32, #tpu.memory_space<vmem>>
      %dma_start3A_17 = tpu.memref_squeeze %dma_start3A_16 : memref<1x128x128xi32, #tpu.memory_space<vmem>> -> memref<128x128xi32, #tpu.memory_space<vmem>>
      %dma_start3A_18 = arith.constant 0 : i32
      %dma_start3A_19 = tpu.memref_slice %arg5[%dma_start3A, %dma_start3A_18] : memref<50x128xi32, #tpu.memory_space<vmem>> -> memref<1x128xi32, #tpu.memory_space<vmem>>
      %dma_start3A_20 = tpu.memref_squeeze %dma_start3A_19 : memref<1x128xi32, #tpu.memory_space<vmem>> -> memref<128xi32, #tpu.memory_space<vmem>>
      %dma_start3A_21 = arith.constant 0 : i32
      %dma_start3A_22 = arith.constant 0 : i32
      %dma_start3A_23 = tpu.memref_slice %arg3[%dma_start3A_21, %dma_start3A_22] : memref<100001x128xi32, #tpu.memory_space<hbm>> -> memref<100001x128xi32, #tpu.memory_space<hbm>>
      tpu.enqueue_indirect_dma source(%dma_start3A_23 : memref<100001x128xi32, #tpu.memory_space<hbm>>) target(%dma_start3A_17 : memref<128x128xi32, #tpu.memory_space<vmem>>) offsets(%dma_start3A_20 : memref<128xi32, #tpu.memory_space<vmem>>) semaphore(%arg8 : memref<!tpu.dma_semaphore, #tpu.memory_space<semaphore_mem>>)
      %dma_start3A_24 = arith.constant 1 : i32
      %dma_start3A_25 = arith.constant 1 : i32
      %dma_start3A_26 = arith.constant 0 : i32
      %dma_start3A_27 = arith.constant 0 : i32
      %dma_start3A_28 = tpu.memref_slice %arg6[%dma_start3A_25, %dma_start3A_26, %dma_start3A_27] : memref<4x128x128xi32, #tpu.memory_space<vmem>> -> memref<1x128x128xi32, #tpu.memory_space<vmem>>
      %dma_start3A_29 = tpu.memref_squeeze %dma_start3A_28 : memref<1x128x128xi32, #tpu.memory_space<vmem>> -> memref<128x128xi32, #tpu.memory_space<vmem>>
      %dma_start3A_30 = arith.constant 0 : i32
      %dma_start3A_31 = tpu.memref_slice %arg5[%dma_start3A_24, %dma_start3A_30] : memref<50x128xi32, #tpu.memory_space<vmem>> -> memref<1x128xi32, #tpu.memory_space<vmem>>
      %dma_start3A_32 = tpu.memref_squeeze %dma_start3A_31 : memref<1x128xi32, #tpu.memory_space<vmem>> -> memref<128xi32, #tpu.memory_space<vmem>>
      %dma_start3A_33 = arith.constant 0 : i32
      %dma_start3A_34 = arith.constant 0 : i32
      %dma_start3A_35 = tpu.memref_slice %arg3[%dma_start3A_33, %dma_start3A_34] : memref<100001x128xi32, #tpu.memory_space<hbm>> -> memref<100001x128xi32, #tpu.memory_space<hbm>>
      tpu.enqueue_indirect_dma source(%dma_start3A_35 : memref<100001x128xi32, #tpu.memory_space<hbm>>) target(%dma_start3A_29 : memref<128x128xi32, #tpu.memory_space<vmem>>) offsets(%dma_start3A_32 : memref<128xi32, #tpu.memory_space<vmem>>) semaphore(%arg8 : memref<!tpu.dma_semaphore, #tpu.memory_space<semaphore_mem>>)
      %scan3A_36 = arith.constant 0 : i32
      %scan3A_37 = arith.constant -65536 : i32
      %scan3A_38 = arith.constant 0 : i32
      %scan3A_39 = arith.constant 13 : i32
      %scan3A_40 = arith.addi %scan3A_38, %scan3A_39 : i32
      %scan3A_41 = arith.constant 1 : i32
      scf.for %scan3A_48 = %scan3A_38 to %scan3A_40 step %scan3A_41  : i32 {
        %mul3A_49 = arith.constant 2 : i32
        %mul3A_50 = arith.muli %mul3A_49, %scan3A_48 : i32
        %add3A_51 = arith.constant 1 : i32
        %add3A_52 = arith.addi %mul3A_50, %add3A_51 : i32
        %lt3A = arith.constant 25 : i32
        %lt3A_53 = arith.cmpi slt, %add3A_52, %lt3A : i32
        %convert_element_type3A = arith.extui %lt3A_53 : i1 to i32
        %cond3A = arith.constant 0 : i32
        %cond3A_54 = arith.cmpi ne, %convert_element_type3A, %cond3A : i32
        scf.if %cond3A_54 {
          %add3A_99 = arith.constant 1 : i32
          %add3A_100 = arith.addi %mul3A_50, %add3A_99 : i32
          %mul3A_101 = arith.constant 2 : i32
          %mul3A_102 = arith.muli %mul3A_101, %add3A_100 : i32
          %dma_start3A_103 = arith.constant 2 : i32
          %dma_start3A_104 = arith.constant 0 : i32
          %dma_start3A_105 = arith.constant 0 : i32
          %dma_start3A_106 = tpu.memref_slice %arg6[%dma_start3A_103, %dma_start3A_104, %dma_start3A_105] : memref<4x128x128xi32, #tpu.memory_space<vmem>> -> memref<1x128x128xi32, #tpu.memory_space<vmem>>
          %dma_start3A_107 = tpu.memref_squeeze %dma_start3A_106 : memref<1x128x128xi32, #tpu.memory_space<vmem>> -> memref<128x128xi32, #tpu.memory_space<vmem>>
          %dma_start3A_108 = arith.constant 0 : i32
          %dma_start3A_109 = tpu.memref_slice %arg5[%mul3A_102, %dma_start3A_108] : memref<50x128xi32, #tpu.memory_space<vmem>> -> memref<1x128xi32, #tpu.memory_space<vmem>>
          %dma_start3A_110 = tpu.memref_squeeze %dma_start3A_109 : memref<1x128xi32, #tpu.memory_space<vmem>> -> memref<128xi32, #tpu.memory_space<vmem>>
          %dma_start3A_111 = arith.constant 0 : i32
          %dma_start3A_112 = arith.constant 0 : i32
          %dma_start3A_113 = tpu.memref_slice %arg3[%dma_start3A_111, %dma_start3A_112] : memref<100001x128xi32, #tpu.memory_space<hbm>> -> memref<100001x128xi32, #tpu.memory_space<hbm>>
          tpu.enqueue_indirect_dma source(%dma_start3A_113 : memref<100001x128xi32, #tpu.memory_space<hbm>>) target(%dma_start3A_107 : memref<128x128xi32, #tpu.memory_space<vmem>>) offsets(%dma_start3A_110 : memref<128xi32, #tpu.memory_space<vmem>>) semaphore(%arg9 : memref<!tpu.dma_semaphore, #tpu.memory_space<semaphore_mem>>)
          %mul3A_114 = arith.constant 2 : i32
          %mul3A_115 = arith.muli %mul3A_114, %add3A_100 : i32
          %add3A_116 = arith.constant 1 : i32
          %add3A_117 = arith.addi %mul3A_115, %add3A_116 : i32
          %dma_start3A_118 = arith.constant 3 : i32
          %dma_start3A_119 = arith.constant 0 : i32
          %dma_start3A_120 = arith.constant 0 : i32
          %dma_start3A_121 = tpu.memref_slice %arg6[%dma_start3A_118, %dma_start3A_119, %dma_start3A_120] : memref<4x128x128xi32, #tpu.memory_space<vmem>> -> memref<1x128x128xi32, #tpu.memory_space<vmem>>
          %dma_start3A_122 = tpu.memref_squeeze %dma_start3A_121 : memref<1x128x128xi32, #tpu.memory_space<vmem>> -> memref<128x128xi32, #tpu.memory_space<vmem>>
          %dma_start3A_123 = arith.constant 0 : i32
          %dma_start3A_124 = tpu.memref_slice %arg5[%add3A_117, %dma_start3A_123] : memref<50x128xi32, #tpu.memory_space<vmem>> -> memref<1x128xi32, #tpu.memory_space<vmem>>
          %dma_start3A_125 = tpu.memref_squeeze %dma_start3A_124 : memref<1x128xi32, #tpu.memory_space<vmem>> -> memref<128xi32, #tpu.memory_space<vmem>>
          %dma_start3A_126 = arith.constant 0 : i32
          %dma_start3A_127 = arith.constant 0 : i32
          %dma_start3A_128 = tpu.memref_slice %arg3[%dma_start3A_126, %dma_start3A_127] : memref<100001x128xi32, #tpu.memory_space<hbm>> -> memref<100001x128xi32, #tpu.memory_space<hbm>>
          tpu.enqueue_indirect_dma source(%dma_start3A_128 : memref<100001x128xi32, #tpu.memory_space<hbm>>) target(%dma_start3A_122 : memref<128x128xi32, #tpu.memory_space<vmem>>) offsets(%dma_start3A_125 : memref<128xi32, #tpu.memory_space<vmem>>) semaphore(%arg9 : memref<!tpu.dma_semaphore, #tpu.memory_space<semaphore_mem>>)
        } else {
        }
        %mul3A_55 = arith.constant 2 : i32
        %mul3A_56 = arith.muli %mul3A_55, %mul3A_50 : i32
        %dma_wait3A = arith.constant 0 : i32
        %dma_wait3A_57 = arith.constant 0 : i32
        %dma_wait3A_58 = arith.constant 0 : i32
        %dma_wait3A_59 = tpu.memref_slice %arg6[%dma_wait3A, %dma_wait3A_57, %dma_wait3A_58] : memref<4x128x128xi32, #tpu.memory_space<vmem>> -> memref<1x128x128xi32, #tpu.memory_space<vmem>>
        %dma_wait3A_60 = tpu.memref_squeeze %dma_wait3A_59 : memref<1x128x128xi32, #tpu.memory_space<vmem>> -> memref<128x128xi32, #tpu.memory_space<vmem>>
        %dma_wait3A_61 = arith.constant 0 : i32
        %dma_wait3A_62 = tpu.memref_slice %arg5[%mul3A_56, %dma_wait3A_61] : memref<50x128xi32, #tpu.memory_space<vmem>> -> memref<1x128xi32, #tpu.memory_space<vmem>>
        %dma_wait3A_63 = tpu.memref_squeeze %dma_wait3A_62 : memref<1x128xi32, #tpu.memory_space<vmem>> -> memref<128xi32, #tpu.memory_space<vmem>>
        %dma_wait3A_64 = arith.constant 0 : i32
        %dma_wait3A_65 = arith.constant 0 : i32
        %dma_wait3A_66 = tpu.memref_slice %arg3[%dma_wait3A_64, %dma_wait3A_65] : memref<100001x128xi32, #tpu.memory_space<hbm>> -> memref<100001x128xi32, #tpu.memory_space<hbm>>
        tpu.wait_indirect_dma semaphore(%arg8 : memref<!tpu.dma_semaphore, #tpu.memory_space<semaphore_mem>>) src(%dma_wait3A_66 : memref<100001x128xi32, #tpu.memory_space<hbm>>) dst(%dma_wait3A_60 : memref<128x128xi32, #tpu.memory_space<vmem>>)
        %mul3A_67 = arith.constant 2 : i32
        %mul3A_68 = arith.muli %mul3A_67, %mul3A_50 : i32
        %add3A_69 = arith.constant 1 : i32
        %add3A_70 = arith.addi %mul3A_68, %add3A_69 : i32
        %dma_wait3A_71 = arith.constant 1 : i32
        %dma_wait3A_72 = arith.constant 0 : i32
        %dma_wait3A_73 = arith.constant 0 : i32
        %dma_wait3A_74 = tpu.memref_slice %arg6[%dma_wait3A_71, %dma_wait3A_72, %dma_wait3A_73] : memref<4x128x128xi32, #tpu.memory_space<vmem>> -> memref<1x128x128xi32, #tpu.memory_space<vmem>>
        %dma_wait3A_75 = tpu.memref_squeeze %dma_wait3A_74 : memref<1x128x128xi32, #tpu.memory_space<vmem>> -> memref<128x128xi32, #tpu.memory_space<vmem>>
        %dma_wait3A_76 = arith.constant 0 : i32
        %dma_wait3A_77 = tpu.memref_slice %arg5[%add3A_70, %dma_wait3A_76] : memref<50x128xi32, #tpu.memory_space<vmem>> -> memref<1x128xi32, #tpu.memory_space<vmem>>
        %dma_wait3A_78 = tpu.memref_squeeze %dma_wait3A_77 : memref<1x128xi32, #tpu.memory_space<vmem>> -> memref<128xi32, #tpu.memory_space<vmem>>
        %dma_wait3A_79 = arith.constant 0 : i32
        %dma_wait3A_80 = arith.constant 0 : i32
        %dma_wait3A_81 = tpu.memref_slice %arg3[%dma_wait3A_79, %dma_wait3A_80] : memref<100001x128xi32, #tpu.memory_space<hbm>> -> memref<100001x128xi32, #tpu.memory_space<hbm>>
        tpu.wait_indirect_dma semaphore(%arg8 : memref<!tpu.dma_semaphore, #tpu.memory_space<semaphore_mem>>) src(%dma_wait3A_81 : memref<100001x128xi32, #tpu.memory_space<hbm>>) dst(%dma_wait3A_75 : memref<128x128xi32, #tpu.memory_space<vmem>>)
        %parallel_loop3A_82 = arith.constant 0 : i32
        %parallel_loop3A_83 = arith.constant 128 : i32
        %parallel_loop3A_84 = arith.constant 1 : i32
        scf.for %parallel_loop3A_99 = %parallel_loop3A_82 to %parallel_loop3A_83 step %parallel_loop3A_84  : i32 {
          %parallel_loop3A_100 = arith.constant 0 : i32
          %parallel_loop3A_101 = arith.index_cast %parallel_loop3A_100 : i32 to index
          %parallel_loop3A_102 = arith.index_cast %parallel_loop3A_99 : i32 to index
          %parallel_loop3A_103 = arith.constant 0 : index
          %parallel_loop3A_104 = tpu.vector_load %arg6[%parallel_loop3A_101, %parallel_loop3A_102, %parallel_loop3A_103] {strides = array<i32>} : memref<4x128x128xi32, #tpu.memory_space<vmem>>, vector<1x1x16xi32>,
          %parallel_loop3A_105 = vector.shape_cast %parallel_loop3A_104 : vector<1x1x16xi32> to vector<16xi32>
          %parallel_loop3A_106 = arith.constant 1 : i32
          %parallel_loop3A_107 = arith.index_cast %parallel_loop3A_106 : i32 to index
          %parallel_loop3A_108 = arith.index_cast %parallel_loop3A_99 : i32 to index
          %parallel_loop3A_109 = arith.constant 0 : index
          %parallel_loop3A_110 = tpu.vector_load %arg6[%parallel_loop3A_107, %parallel_loop3A_108, %parallel_loop3A_109] {strides = array<i32>} : memref<4x128x128xi32, #tpu.memory_space<vmem>>, vector<1x1x16xi32>,
          %parallel_loop3A_111 = vector.shape_cast %parallel_loop3A_110 : vector<1x1x16xi32> to vector<16xi32>
          %parallel_loop3A_112 = arith.constant 16 : i32
          %parallel_loop3A_113 = vector.broadcast %parallel_loop3A_112 : i32 to vector<16xi32>
          %parallel_loop3A_114 = arith.shli %parallel_loop3A_105, %parallel_loop3A_113 : vector<16xi32>
          %parallel_loop3A_115 = tpu.bitcast %parallel_loop3A_114 : vector<16xi32> -> vector<16xf32>
          %parallel_loop3A_116 = arith.constant 16 : i32
          %parallel_loop3A_117 = vector.broadcast %parallel_loop3A_116 : i32 to vector<16xi32>
          %parallel_loop3A_118 = arith.shli %parallel_loop3A_111, %parallel_loop3A_117 : vector<16xi32>
          %parallel_loop3A_119 = tpu.bitcast %parallel_loop3A_118 : vector<16xi32> -> vector<16xf32>
          %parallel_loop3A_120 = arith.addf %parallel_loop3A_115, %parallel_loop3A_119 : vector<16xf32>
          %parallel_loop3A_121 = vector.broadcast %scan3A_37 : i32 to vector<16xi32>
          %parallel_loop3A_122 = arith.andi %parallel_loop3A_105, %parallel_loop3A_121 : vector<16xi32>
          %parallel_loop3A_123 = tpu.bitcast %parallel_loop3A_122 : vector<16xi32> -> vector<16xf32>
          %parallel_loop3A_124 = vector.broadcast %scan3A_37 : i32 to vector<16xi32>
          %parallel_loop3A_125 = arith.andi %parallel_loop3A_111, %parallel_loop3A_124 : vector<16xi32>
          %parallel_loop3A_126 = tpu.bitcast %parallel_loop3A_125 : vector<16xi32> -> vector<16xf32>
          %parallel_loop3A_127 = arith.addf %parallel_loop3A_123, %parallel_loop3A_126 : vector<16xf32>
          %parallel_loop3A_128 = arith.index_cast %parallel_loop3A_99 : i32 to index
          %parallel_loop3A_129 = arith.constant 0 : index
          %parallel_loop3A_130 = tpu.vector_load %arg7[%parallel_loop3A_128, %parallel_loop3A_129] {strides = array<i32>} : memref<128x256xf32, #tpu.memory_space<vmem>>, vector<1x16xf32>,
          %parallel_loop3A_131 = vector.shape_cast %parallel_loop3A_130 : vector<1x16xf32> to vector<16xf32>
          %parallel_loop3A_132 = vector.shape_cast %parallel_loop3A_120 : vector<16xf32> to vector<1x16xf32>
          tpu.vector_store %arg7[%parallel_loop3A_128, %parallel_loop3A_129], %parallel_loop3A_132 {add = true, strides = array<i32>} : memref<128x256xf32, #tpu.memory_space<vmem>>, vector<1x16xf32>,
          %parallel_loop3A_133 = arith.index_cast %parallel_loop3A_99 : i32 to index
          %parallel_loop3A_134 = arith.constant 16 : index
          %parallel_loop3A_135 = tpu.vector_load %arg7[%parallel_loop3A_133, %parallel_loop3A_134] {strides = array<i32>} : memref<128x256xf32, #tpu.memory_space<vmem>>, vector<1x16xf32>,
          %parallel_loop3A_136 = vector.shape_cast %parallel_loop3A_135 : vector<1x16xf32> to vector<16xf32>
          %parallel_loop3A_137 = vector.shape_cast %parallel_loop3A_127 : vector<16xf32> to vector<1x16xf32>
          tpu.vector_store %arg7[%parallel_loop3A_133, %parallel_loop3A_134], %parallel_loop3A_137 {add = true, strides = array<i32>} : memref<128x256xf32, #tpu.memory_space<vmem>>, vector<1x16xf32>,
          %parallel_loop3A_138 = arith.constant 0 : i32
          %parallel_loop3A_139 = arith.index_cast %parallel_loop3A_138 : i32 to index
          %parallel_loop3A_140 = arith.index_cast %parallel_loop3A_99 : i32 to index
          %parallel_loop3A_141 = arith.constant 16 : index
          %parallel_loop3A_142 = tpu.vector_load %arg6[%parallel_loop3A_139, %parallel_loop3A_140, %parallel_loop3A_141] {strides = array<i32>} : memref<4x128x128xi32, #tpu.memory_space<vmem>>, vector<1x1x16xi32>,
          %parallel_loop3A_143 = vector.shape_cast %parallel_loop3A_142 : vector<1x1x16xi32> to vector<16xi32>
          %parallel_loop3A_144 = arith.constant 1 : i32
          %parallel_loop3A_145 = arith.index_cast %parallel_loop3A_144 : i32 to index
          %parallel_loop3A_146 = arith.index_cast %parallel_loop3A_99 : i32 to index
          %parallel_loop3A_147 = arith.constant 16 : index
          %parallel_loop3A_148 = tpu.vector_load %arg6[%parallel_loop3A_145, %parallel_loop3A_146, %parallel_loop3A_147] {strides = array<i32>} : memref<4x128x128xi32, #tpu.memory_space<vmem>>, vector<1x1x16xi32>,
          %parallel_loop3A_149 = vector.shape_cast %parallel_loop3A_148 : vector<1x1x16xi32> to vector<16xi32>
          %parallel_loop3A_150 = arith.constant 16 : i32
          %parallel_loop3A_151 = vector.broadcast %parallel_loop3A_150 : i32 to vector<16xi32>
          %parallel_loop3A_152 = arith.shli %parallel_loop3A_143, %parallel_loop3A_151 : vector<16xi32>
          %parallel_loop3A_153 = tpu.bitcast %parallel_loop3A_152 : vector<16xi32> -> vector<16xf32>
          %parallel_loop3A_154 = arith.constant 16 : i32
          %parallel_loop3A_155 = vector.broadcast %parallel_loop3A_154 : i32 to vector<16xi32>
          %parallel_loop3A_156 = arith.shli %parallel_loop3A_149, %parallel_loop3A_155 : vector<16xi32>
          %parallel_loop3A_157 = tpu.bitcast %parallel_loop3A_156 : vector<16xi32> -> vector<16xf32>
          %parallel_loop3A_158 = arith.addf %parallel_loop3A_153, %parallel_loop3A_157 : vector<16xf32>
          %parallel_loop3A_159 = vector.broadcast %scan3A_37 : i32 to vector<16xi32>
          %parallel_loop3A_160 = arith.andi %parallel_loop3A_143, %parallel_loop3A_159 : vector<16xi32>
          %parallel_loop3A_161 = tpu.bitcast %parallel_loop3A_160 : vector<16xi32> -> vector<16xf32>
          %parallel_loop3A_162 = vector.broadcast %scan3A_37 : i32 to vector<16xi32>
          %parallel_loop3A_163 = arith.andi %parallel_loop3A_149, %parallel_loop3A_162 : vector<16xi32>
          %parallel_loop3A_164 = tpu.bitcast %parallel_loop3A_163 : vector<16xi32> -> vector<16xf32>
          %parallel_loop3A_165 = arith.addf %parallel_loop3A_161, %parallel_loop3A_164 : vector<16xf32>
          %parallel_loop3A_166 = arith.index_cast %parallel_loop3A_99 : i32 to index
          %parallel_loop3A_167 = arith.constant 32 : index
          %parallel_loop3A_168 = tpu.vector_load %arg7[%parallel_loop3A_166, %parallel_loop3A_167] {strides = array<i32>} : memref<128x256xf32, #tpu.memory_space<vmem>>, vector<1x16xf32>,
          %parallel_loop3A_169 = vector.shape_cast %parallel_loop3A_168 : vector<1x16xf32> to vector<16xf32>
          %parallel_loop3A_170 = vector.shape_cast %parallel_loop3A_158 : vector<16xf32> to vector<1x16xf32>
          tpu.vector_store %arg7[%parallel_loop3A_166, %parallel_loop3A_167], %parallel_loop3A_170 {add = true, strides = array<i32>} : memref<128x256xf32, #tpu.memory_space<vmem>>, vector<1x16xf32>,
          %parallel_loop3A_171 = arith.index_cast %parallel_loop3A_99 : i32 to index
          %parallel_loop3A_172 = arith.constant 48 : index
          %parallel_loop3A_173 = tpu.vector_load %arg7[%parallel_loop3A_171, %parallel_loop3A_172] {strides = array<i32>} : memref<128x256xf32, #tpu.memory_space<vmem>>, vector<1x16xf32>,
          %parallel_loop3A_174 = vector.shape_cast %parallel_loop3A_173 : vector<1x16xf32> to vector<16xf32>
          %parallel_loop3A_175 = vector.shape_cast %parallel_loop3A_165 : vector<16xf32> to vector<1x16xf32>
          tpu.vector_store %arg7[%parallel_loop3A_171, %parallel_loop3A_172], %parallel_loop3A_175 {add = true, strides = array<i32>} : memref<128x256xf32, #tpu.memory_space<vmem>>, vector<1x16xf32>,
          %parallel_loop3A_176 = arith.constant 0 : i32
          %parallel_loop3A_177 = arith.index_cast %parallel_loop3A_176 : i32 to index
          %parallel_loop3A_178 = arith.index_cast %parallel_loop3A_99 : i32 to index
          %parallel_loop3A_179 = arith.constant 32 : index
          %parallel_loop3A_180 = tpu.vector_load %arg6[%parallel_loop3A_177, %parallel_loop3A_178, %parallel_loop3A_179] {strides = array<i32>} : memref<4x128x128xi32, #tpu.memory_space<vmem>>, vector<1x1x16xi32>,
          %parallel_loop3A_181 = vector.shape_cast %parallel_loop3A_180 : vector<1x1x16xi32> to vector<16xi32>
          %parallel_loop3A_182 = arith.constant 1 : i32
          %parallel_loop3A_183 = arith.index_cast %parallel_loop3A_182 : i32 to index
          %parallel_loop3A_184 = arith.index_cast %parallel_loop3A_99 : i32 to index
          %parallel_loop3A_185 = arith.constant 32 : index
          %parallel_loop3A_186 = tpu.vector_load %arg6[%parallel_loop3A_183, %parallel_loop3A_184, %parallel_loop3A_185] {strides = array<i32>} : memref<4x128x128xi32, #tpu.memory_space<vmem>>, vector<1x1x16xi32>,
          %parallel_loop3A_187 = vector.shape_cast %parallel_loop3A_186 : vector<1x1x16xi32> to vector<16xi32>
          %parallel_loop3A_188 = arith.constant 16 : i32
          %parallel_loop3A_189 = vector.broadcast %parallel_loop3A_188 : i32 to vector<16xi32>
          %parallel_loop3A_190 = arith.shli %parallel_loop3A_181, %parallel_loop3A_189 : vector<16xi32>
          %parallel_loop3A_191 = tpu.bitcast %parallel_loop3A_190 : vector<16xi32> -> vector<16xf32>
          %parallel_loop3A_192 = arith.constant 16 : i32
          %parallel_loop3A_193 = vector.broadcast %parallel_loop3A_192 : i32 to vector<16xi32>
          %parallel_loop3A_194 = arith.shli %parallel_loop3A_187, %parallel_loop3A_193 : vector<16xi32>
          %parallel_loop3A_195 = tpu.bitcast %parallel_loop3A_194 : vector<16xi32> -> vector<16xf32>
          %parallel_loop3A_196 = arith.addf %parallel_loop3A_191, %parallel_loop3A_195 : vector<16xf32>
          %parallel_loop3A_197 = vector.broadcast %scan3A_37 : i32 to vector<16xi32>
          %parallel_loop3A_198 = arith.andi %parallel_loop3A_181, %parallel_loop3A_197 : vector<16xi32>
          %parallel_loop3A_199 = tpu.bitcast %parallel_loop3A_198 : vector<16xi32> -> vector<16xf32>
          %parallel_loop3A_200 = vector.broadcast %scan3A_37 : i32 to vector<16xi32>
          %parallel_loop3A_201 = arith.andi %parallel_loop3A_187, %parallel_loop3A_200 : vector<16xi32>
          %parallel_loop3A_202 = tpu.bitcast %parallel_loop3A_201 : vector<16xi32> -> vector<16xf32>
          %parallel_loop3A_203 = arith.addf %parallel_loop3A_199, %parallel_loop3A_202 : vector<16xf32>
          %parallel_loop3A_204 = arith.index_cast %parallel_loop3A_99 : i32 to index
          %parallel_loop3A_205 = arith.constant 64 : index
          %parallel_loop3A_206 = tpu.vector_load %arg7[%parallel_loop3A_204, %parallel_loop3A_205] {strides = array<i32>} : memref<128x256xf32, #tpu.memory_space<vmem>>, vector<1x16xf32>,
          %parallel_loop3A_207 = vector.shape_cast %parallel_loop3A_206 : vector<1x16xf32> to vector<16xf32>
          %parallel_loop3A_208 = vector.shape_cast %parallel_loop3A_196 : vector<16xf32> to vector<1x16xf32>
          tpu.vector_store %arg7[%parallel_loop3A_204, %parallel_loop3A_205], %parallel_loop3A_208 {add = true, strides = array<i32>} : memref<128x256xf32, #tpu.memory_space<vmem>>, vector<1x16xf32>,
          %parallel_loop3A_209 = arith.index_cast %parallel_loop3A_99 : i32 to index
          %parallel_loop3A_210 = arith.constant 80 : index
          %parallel_loop3A_211 = tpu.vector_load %arg7[%parallel_loop3A_209, %parallel_loop3A_210] {strides = array<i32>} : memref<128x256xf32, #tpu.memory_space<vmem>>, vector<1x16xf32>,
          %parallel_loop3A_212 = vector.shape_cast %parallel_loop3A_211 : vector<1x16xf32> to vector<16xf32>
          %parallel_loop3A_213 = vector.shape_cast %parallel_loop3A_203 : vector<16xf32> to vector<1x16xf32>
          tpu.vector_store %arg7[%parallel_loop3A_209, %parallel_loop3A_210], %parallel_loop3A_213 {add = true, strides = array<i32>} : memref<128x256xf32, #tpu.memory_space<vmem>>, vector<1x16xf32>,
          %parallel_loop3A_214 = arith.constant 0 : i32
          %parallel_loop3A_215 = arith.index_cast %parallel_loop3A_214 : i32 to index
          %parallel_loop3A_216 = arith.index_cast %parallel_loop3A_99 : i32 to index
          %parallel_loop3A_217 = arith.constant 48 : index
          %parallel_loop3A_218 = tpu.vector_load %arg6[%parallel_loop3A_215, %parallel_loop3A_216, %parallel_loop3A_217] {strides = array<i32>} : memref<4x128x128xi32, #tpu.memory_space<vmem>>, vector<1x1x16xi32>,
          %parallel_loop3A_219 = vector.shape_cast %parallel_loop3A_218 : vector<1x1x16xi32> to vector<16xi32>
          %parallel_loop3A_220 = arith.constant 1 : i32
          %parallel_loop3A_221 = arith.index_cast %parallel_loop3A_220 : i32 to index
          %parallel_loop3A_222 = arith.index_cast %parallel_loop3A_99 : i32 to index
          %parallel_loop3A_223 = arith.constant 48 : index
          %parallel_loop3A_224 = tpu.vector_load %arg6[%parallel_loop3A_221, %parallel_loop3A_222, %parallel_loop3A_223] {strides = array<i32>} : memref<4x128x128xi32, #tpu.memory_space<vmem>>, vector<1x1x16xi32>,
          %parallel_loop3A_225 = vector.shape_cast %parallel_loop3A_224 : vector<1x1x16xi32> to vector<16xi32>
          %parallel_loop3A_226 = arith.constant 16 : i32
          %parallel_loop3A_227 = vector.broadcast %parallel_loop3A_226 : i32 to vector<16xi32>
          %parallel_loop3A_228 = arith.shli %parallel_loop3A_219, %parallel_loop3A_227 : vector<16xi32>
          %parallel_loop3A_229 = tpu.bitcast %parallel_loop3A_228 : vector<16xi32> -> vector<16xf32>
          %parallel_loop3A_230 = arith.constant 16 : i32
          %parallel_loop3A_231 = vector.broadcast %parallel_loop3A_230 : i32 to vector<16xi32>
          %parallel_loop3A_232 = arith.shli %parallel_loop3A_225, %parallel_loop3A_231 : vector<16xi32>
          %parallel_loop3A_233 = tpu.bitcast %parallel_loop3A_232 : vector<16xi32> -> vector<16xf32>
          %parallel_loop3A_234 = arith.addf %parallel_loop3A_229, %parallel_loop3A_233 : vector<16xf32>
          %parallel_loop3A_235 = vector.broadcast %scan3A_37 : i32 to vector<16xi32>
          %parallel_loop3A_236 = arith.andi %parallel_loop3A_219, %parallel_loop3A_235 : vector<16xi32>
          %parallel_loop3A_237 = tpu.bitcast %parallel_loop3A_236 : vector<16xi32> -> vector<16xf32>
          %parallel_loop3A_238 = vector.broadcast %scan3A_37 : i32 to vector<16xi32>
          %parallel_loop3A_239 = arith.andi %parallel_loop3A_225, %parallel_loop3A_238 : vector<16xi32>
          %parallel_loop3A_240 = tpu.bitcast %parallel_loop3A_239 : vector<16xi32> -> vector<16xf32>
          %parallel_loop3A_241 = arith.addf %parallel_loop3A_237, %parallel_loop3A_240 : vector<16xf32>
          %parallel_loop3A_242 = arith.index_cast %parallel_loop3A_99 : i32 to index
          %parallel_loop3A_243 = arith.constant 96 : index
          %parallel_loop3A_244 = tpu.vector_load %arg7[%parallel_loop3A_242, %parallel_loop3A_243] {strides = array<i32>} : memref<128x256xf32, #tpu.memory_space<vmem>>, vector<1x16xf32>,
          %parallel_loop3A_245 = vector.shape_cast %parallel_loop3A_244 : vector<1x16xf32> to vector<16xf32>
          %parallel_loop3A_246 = vector.shape_cast %parallel_loop3A_234 : vector<16xf32> to vector<1x16xf32>
          tpu.vector_store %arg7[%parallel_loop3A_242, %parallel_loop3A_243], %parallel_loop3A_246 {add = true, strides = array<i32>} : memref<128x256xf32, #tpu.memory_space<vmem>>, vector<1x16xf32>,
          %parallel_loop3A_247 = arith.index_cast %parallel_loop3A_99 : i32 to index
          %parallel_loop3A_248 = arith.constant 112 : index
          %parallel_loop3A_249 = tpu.vector_load %arg7[%parallel_loop3A_247, %parallel_loop3A_248] {strides = array<i32>} : memref<128x256xf32, #tpu.memory_space<vmem>>, vector<1x16xf32>,
          %parallel_loop3A_250 = vector.shape_cast %parallel_loop3A_249 : vector<1x16xf32> to vector<16xf32>
          %parallel_loop3A_251 = vector.shape_cast %parallel_loop3A_241 : vector<16xf32> to vector<1x16xf32>
          tpu.vector_store %arg7[%parallel_loop3A_247, %parallel_loop3A_248], %parallel_loop3A_251 {add = true, strides = array<i32>} : memref<128x256xf32, #tpu.memory_space<vmem>>, vector<1x16xf32>,
          %parallel_loop3A_252 = arith.constant 0 : i32
          %parallel_loop3A_253 = arith.index_cast %parallel_loop3A_252 : i32 to index
          %parallel_loop3A_254 = arith.index_cast %parallel_loop3A_99 : i32 to index
          %parallel_loop3A_255 = arith.constant 64 : index
          %parallel_loop3A_256 = tpu.vector_load %arg6[%parallel_loop3A_253, %parallel_loop3A_254, %parallel_loop3A_255] {strides = array<i32>} : memref<4x128x128xi32, #tpu.memory_space<vmem>>, vector<1x1x16xi32>,
          %parallel_loop3A_257 = vector.shape_cast %parallel_loop3A_256 : vector<1x1x16xi32> to vector<16xi32>
          %parallel_loop3A_258 = arith.constant 1 : i32
          %parallel_loop3A_259 = arith.index_cast %parallel_loop3A_258 : i32 to index
          %parallel_loop3A_260 = arith.index_cast %parallel_loop3A_99 : i32 to index
          %parallel_loop3A_261 = arith.constant 64 : index
          %parallel_loop3A_262 = tpu.vector_load %arg6[%parallel_loop3A_259, %parallel_loop3A_260, %parallel_loop3A_261] {strides = array<i32>} : memref<4x128x128xi32, #tpu.memory_space<vmem>>, vector<1x1x16xi32>,
          %parallel_loop3A_263 = vector.shape_cast %parallel_loop3A_262 : vector<1x1x16xi32> to vector<16xi32>
          %parallel_loop3A_264 = arith.constant 16 : i32
          %parallel_loop3A_265 = vector.broadcast %parallel_loop3A_264 : i32 to vector<16xi32>
          %parallel_loop3A_266 = arith.shli %parallel_loop3A_257, %parallel_loop3A_265 : vector<16xi32>
          %parallel_loop3A_267 = tpu.bitcast %parallel_loop3A_266 : vector<16xi32> -> vector<16xf32>
          %parallel_loop3A_268 = arith.constant 16 : i32
          %parallel_loop3A_269 = vector.broadcast %parallel_loop3A_268 : i32 to vector<16xi32>
          %parallel_loop3A_270 = arith.shli %parallel_loop3A_263, %parallel_loop3A_269 : vector<16xi32>
          %parallel_loop3A_271 = tpu.bitcast %parallel_loop3A_270 : vector<16xi32> -> vector<16xf32>
          %parallel_loop3A_272 = arith.addf %parallel_loop3A_267, %parallel_loop3A_271 : vector<16xf32>
          %parallel_loop3A_273 = vector.broadcast %scan3A_37 : i32 to vector<16xi32>
          %parallel_loop3A_274 = arith.andi %parallel_loop3A_257, %parallel_loop3A_273 : vector<16xi32>
          %parallel_loop3A_275 = tpu.bitcast %parallel_loop3A_274 : vector<16xi32> -> vector<16xf32>
          %parallel_loop3A_276 = vector.broadcast %scan3A_37 : i32 to vector<16xi32>
          %parallel_loop3A_277 = arith.andi %parallel_loop3A_263, %parallel_loop3A_276 : vector<16xi32>
          %parallel_loop3A_278 = tpu.bitcast %parallel_loop3A_277 : vector<16xi32> -> vector<16xf32>
          %parallel_loop3A_279 = arith.addf %parallel_loop3A_275, %parallel_loop3A_278 : vector<16xf32>
          %parallel_loop3A_280 = arith.index_cast %parallel_loop3A_99 : i32 to index
          %parallel_loop3A_281 = arith.constant 128 : index
          %parallel_loop3A_282 = tpu.vector_load %arg7[%parallel_loop3A_280, %parallel_loop3A_281] {strides = array<i32>} : memref<128x256xf32, #tpu.memory_space<vmem>>, vector<1x16xf32>,
          %parallel_loop3A_283 = vector.shape_cast %parallel_loop3A_282 : vector<1x16xf32> to vector<16xf32>
          %parallel_loop3A_284 = vector.shape_cast %parallel_loop3A_272 : vector<16xf32> to vector<1x16xf32>
          tpu.vector_store %arg7[%parallel_loop3A_280, %parallel_loop3A_281], %parallel_loop3A_284 {add = true, strides = array<i32>} : memref<128x256xf32, #tpu.memory_space<vmem>>, vector<1x16xf32>,
          %parallel_loop3A_285 = arith.index_cast %parallel_loop3A_99 : i32 to index
          %parallel_loop3A_286 = arith.constant 144 : index
          %parallel_loop3A_287 = tpu.vector_load %arg7[%parallel_loop3A_285, %parallel_loop3A_286] {strides = array<i32>} : memref<128x256xf32, #tpu.memory_space<vmem>>, vector<1x16xf32>,
          %parallel_loop3A_288 = vector.shape_cast %parallel_loop3A_287 : vector<1x16xf32> to vector<16xf32>
          %parallel_loop3A_289 = vector.shape_cast %parallel_loop3A_279 : vector<16xf32> to vector<1x16xf32>
          tpu.vector_store %arg7[%parallel_loop3A_285, %parallel_loop3A_286], %parallel_loop3A_289 {add = true, strides = array<i32>} : memref<128x256xf32, #tpu.memory_space<vmem>>, vector<1x16xf32>,
          %parallel_loop3A_290 = arith.constant 0 : i32
          %parallel_loop3A_291 = arith.index_cast %parallel_loop3A_290 : i32 to index
          %parallel_loop3A_292 = arith.index_cast %parallel_loop3A_99 : i32 to index
          %parallel_loop3A_293 = arith.constant 80 : index
          %parallel_loop3A_294 = tpu.vector_load %arg6[%parallel_loop3A_291, %parallel_loop3A_292, %parallel_loop3A_293] {strides = array<i32>} : memref<4x128x128xi32, #tpu.memory_space<vmem>>, vector<1x1x16xi32>,
          %parallel_loop3A_295 = vector.shape_cast %parallel_loop3A_294 : vector<1x1x16xi32> to vector<16xi32>
          %parallel_loop3A_296 = arith.constant 1 : i32
          %parallel_loop3A_297 = arith.index_cast %parallel_loop3A_296 : i32 to index
          %parallel_loop3A_298 = arith.index_cast %parallel_loop3A_99 : i32 to index
          %parallel_loop3A_299 = arith.constant 80 : index
          %parallel_loop3A_300 = tpu.vector_load %arg6[%parallel_loop3A_297, %parallel_loop3A_298, %parallel_loop3A_299] {strides = array<i32>} : memref<4x128x128xi32, #tpu.memory_space<vmem>>, vector<1x1x16xi32>,
          %parallel_loop3A_301 = vector.shape_cast %parallel_loop3A_300 : vector<1x1x16xi32> to vector<16xi32>
          %parallel_loop3A_302 = arith.constant 16 : i32
          %parallel_loop3A_303 = vector.broadcast %parallel_loop3A_302 : i32 to vector<16xi32>
          %parallel_loop3A_304 = arith.shli %parallel_loop3A_295, %parallel_loop3A_303 : vector<16xi32>
          %parallel_loop3A_305 = tpu.bitcast %parallel_loop3A_304 : vector<16xi32> -> vector<16xf32>
          %parallel_loop3A_306 = arith.constant 16 : i32
          %parallel_loop3A_307 = vector.broadcast %parallel_loop3A_306 : i32 to vector<16xi32>
          %parallel_loop3A_308 = arith.shli %parallel_loop3A_301, %parallel_loop3A_307 : vector<16xi32>
          %parallel_loop3A_309 = tpu.bitcast %parallel_loop3A_308 : vector<16xi32> -> vector<16xf32>
          %parallel_loop3A_310 = arith.addf %parallel_loop3A_305, %parallel_loop3A_309 : vector<16xf32>
          %parallel_loop3A_311 = vector.broadcast %scan3A_37 : i32 to vector<16xi32>
          %parallel_loop3A_312 = arith.andi %parallel_loop3A_295, %parallel_loop3A_311 : vector<16xi32>
          %parallel_loop3A_313 = tpu.bitcast %parallel_loop3A_312 : vector<16xi32> -> vector<16xf32>
          %parallel_loop3A_314 = vector.broadcast %scan3A_37 : i32 to vector<16xi32>
          %parallel_loop3A_315 = arith.andi %parallel_loop3A_301, %parallel_loop3A_314 : vector<16xi32>
          %parallel_loop3A_316 = tpu.bitcast %parallel_loop3A_315 : vector<16xi32> -> vector<16xf32>
          %parallel_loop3A_317 = arith.addf %parallel_loop3A_313, %parallel_loop3A_316 : vector<16xf32>
          %parallel_loop3A_318 = arith.index_cast %parallel_loop3A_99 : i32 to index
          %parallel_loop3A_319 = arith.constant 160 : index
          %parallel_loop3A_320 = tpu.vector_load %arg7[%parallel_loop3A_318, %parallel_loop3A_319] {strides = array<i32>} : memref<128x256xf32, #tpu.memory_space<vmem>>, vector<1x16xf32>,
          %parallel_loop3A_321 = vector.shape_cast %parallel_loop3A_320 : vector<1x16xf32> to vector<16xf32>
          %parallel_loop3A_322 = vector.shape_cast %parallel_loop3A_310 : vector<16xf32> to vector<1x16xf32>
          tpu.vector_store %arg7[%parallel_loop3A_318, %parallel_loop3A_319], %parallel_loop3A_322 {add = true, strides = array<i32>} : memref<128x256xf32, #tpu.memory_space<vmem>>, vector<1x16xf32>,
          %parallel_loop3A_323 = arith.index_cast %parallel_loop3A_99 : i32 to index
          %parallel_loop3A_324 = arith.constant 176 : index
          %parallel_loop3A_325 = tpu.vector_load %arg7[%parallel_loop3A_323, %parallel_loop3A_324] {strides = array<i32>} : memref<128x256xf32, #tpu.memory_space<vmem>>, vector<1x16xf32>,
          %parallel_loop3A_326 = vector.shape_cast %parallel_loop3A_325 : vector<1x16xf32> to vector<16xf32>
          %parallel_loop3A_327 = vector.shape_cast %parallel_loop3A_317 : vector<16xf32> to vector<1x16xf32>
          tpu.vector_store %arg7[%parallel_loop3A_323, %parallel_loop3A_324], %parallel_loop3A_327 {add = true, strides = array<i32>} : memref<128x256xf32, #tpu.memory_space<vmem>>, vector<1x16xf32>,
          %parallel_loop3A_328 = arith.constant 0 : i32
          %parallel_loop3A_329 = arith.index_cast %parallel_loop3A_328 : i32 to index
          %parallel_loop3A_330 = arith.index_cast %parallel_loop3A_99 : i32 to index
          %parallel_loop3A_331 = arith.constant 96 : index
          %parallel_loop3A_332 = tpu.vector_load %arg6[%parallel_loop3A_329, %parallel_loop3A_330, %parallel_loop3A_331] {strides = array<i32>} : memref<4x128x128xi32, #tpu.memory_space<vmem>>, vector<1x1x16xi32>,
          %parallel_loop3A_333 = vector.shape_cast %parallel_loop3A_332 : vector<1x1x16xi32> to vector<16xi32>
          %parallel_loop3A_334 = arith.constant 1 : i32
          %parallel_loop3A_335 = arith.index_cast %parallel_loop3A_334 : i32 to index
          %parallel_loop3A_336 = arith.index_cast %parallel_loop3A_99 : i32 to index
          %parallel_loop3A_337 = arith.constant 96 : index
          %parallel_loop3A_338 = tpu.vector_load %arg6[%parallel_loop3A_335, %parallel_loop3A_336, %parallel_loop3A_337] {strides = array<i32>} : memref<4x128x128xi32, #tpu.memory_space<vmem>>, vector<1x1x16xi32>,
          %parallel_loop3A_339 = vector.shape_cast %parallel_loop3A_338 : vector<1x1x16xi32> to vector<16xi32>
          %parallel_loop3A_340 = arith.constant 16 : i32
          %parallel_loop3A_341 = vector.broadcast %parallel_loop3A_340 : i32 to vector<16xi32>
          %parallel_loop3A_342 = arith.shli %parallel_loop3A_333, %parallel_loop3A_341 : vector<16xi32>
          %parallel_loop3A_343 = tpu.bitcast %parallel_loop3A_342 : vector<16xi32> -> vector<16xf32>
          %parallel_loop3A_344 = arith.constant 16 : i32
          %parallel_loop3A_345 = vector.broadcast %parallel_loop3A_344 : i32 to vector<16xi32>
          %parallel_loop3A_346 = arith.shli %parallel_loop3A_339, %parallel_loop3A_345 : vector<16xi32>
          %parallel_loop3A_347 = tpu.bitcast %parallel_loop3A_346 : vector<16xi32> -> vector<16xf32>
          %parallel_loop3A_348 = arith.addf %parallel_loop3A_343, %parallel_loop3A_347 : vector<16xf32>
          %parallel_loop3A_349 = vector.broadcast %scan3A_37 : i32 to vector<16xi32>
          %parallel_loop3A_350 = arith.andi %parallel_loop3A_333, %parallel_loop3A_349 : vector<16xi32>
          %parallel_loop3A_351 = tpu.bitcast %parallel_loop3A_350 : vector<16xi32> -> vector<16xf32>
          %parallel_loop3A_352 = vector.broadcast %scan3A_37 : i32 to vector<16xi32>
          %parallel_loop3A_353 = arith.andi %parallel_loop3A_339, %parallel_loop3A_352 : vector<16xi32>
          %parallel_loop3A_354 = tpu.bitcast %parallel_loop3A_353 : vector<16xi32> -> vector<16xf32>
          %parallel_loop3A_355 = arith.addf %parallel_loop3A_351, %parallel_loop3A_354 : vector<16xf32>
          %parallel_loop3A_356 = arith.index_cast %parallel_loop3A_99 : i32 to index
          %parallel_loop3A_357 = arith.constant 192 : index
          %parallel_loop3A_358 = tpu.vector_load %arg7[%parallel_loop3A_356, %parallel_loop3A_357] {strides = array<i32>} : memref<128x256xf32, #tpu.memory_space<vmem>>, vector<1x16xf32>,
          %parallel_loop3A_359 = vector.shape_cast %parallel_loop3A_358 : vector<1x16xf32> to vector<16xf32>
          %parallel_loop3A_360 = vector.shape_cast %parallel_loop3A_348 : vector<16xf32> to vector<1x16xf32>
          tpu.vector_store %arg7[%parallel_loop3A_356, %parallel_loop3A_357], %parallel_loop3A_360 {add = true, strides = array<i32>} : memref<128x256xf32, #tpu.memory_space<vmem>>, vector<1x16xf32>,
          %parallel_loop3A_361 = arith.index_cast %parallel_loop3A_99 : i32 to index
          %parallel_loop3A_362 = arith.constant 208 : index
          %parallel_loop3A_363 = tpu.vector_load %arg7[%parallel_loop3A_361, %parallel_loop3A_362] {strides = array<i32>} : memref<128x256xf32, #tpu.memory_space<vmem>>, vector<1x16xf32>,
          %parallel_loop3A_364 = vector.shape_cast %parallel_loop3A_363 : vector<1x16xf32> to vector<16xf32>
          %parallel_loop3A_365 = vector.shape_cast %parallel_loop3A_355 : vector<16xf32> to vector<1x16xf32>
          tpu.vector_store %arg7[%parallel_loop3A_361, %parallel_loop3A_362], %parallel_loop3A_365 {add = true, strides = array<i32>} : memref<128x256xf32, #tpu.memory_space<vmem>>, vector<1x16xf32>,
          %parallel_loop3A_366 = arith.constant 0 : i32
          %parallel_loop3A_367 = arith.index_cast %parallel_loop3A_366 : i32 to index
          %parallel_loop3A_368 = arith.index_cast %parallel_loop3A_99 : i32 to index
          %parallel_loop3A_369 = arith.constant 112 : index
          %parallel_loop3A_370 = tpu.vector_load %arg6[%parallel_loop3A_367, %parallel_loop3A_368, %parallel_loop3A_369] {strides = array<i32>} : memref<4x128x128xi32, #tpu.memory_space<vmem>>, vector<1x1x16xi32>,
          %parallel_loop3A_371 = vector.shape_cast %parallel_loop3A_370 : vector<1x1x16xi32> to vector<16xi32>
          %parallel_loop3A_372 = arith.constant 1 : i32
          %parallel_loop3A_373 = arith.index_cast %parallel_loop3A_372 : i32 to index
          %parallel_loop3A_374 = arith.index_cast %parallel_loop3A_99 : i32 to index
          %parallel_loop3A_375 = arith.constant 112 : index
          %parallel_loop3A_376 = tpu.vector_load %arg6[%parallel_loop3A_373, %parallel_loop3A_374, %parallel_loop3A_375] {strides = array<i32>} : memref<4x128x128xi32, #tpu.memory_space<vmem>>, vector<1x1x16xi32>,
          %parallel_loop3A_377 = vector.shape_cast %parallel_loop3A_376 : vector<1x1x16xi32> to vector<16xi32>
          %parallel_loop3A_378 = arith.constant 16 : i32
          %parallel_loop3A_379 = vector.broadcast %parallel_loop3A_378 : i32 to vector<16xi32>
          %parallel_loop3A_380 = arith.shli %parallel_loop3A_371, %parallel_loop3A_379 : vector<16xi32>
          %parallel_loop3A_381 = tpu.bitcast %parallel_loop3A_380 : vector<16xi32> -> vector<16xf32>
          %parallel_loop3A_382 = arith.constant 16 : i32
          %parallel_loop3A_383 = vector.broadcast %parallel_loop3A_382 : i32 to vector<16xi32>
          %parallel_loop3A_384 = arith.shli %parallel_loop3A_377, %parallel_loop3A_383 : vector<16xi32>
          %parallel_loop3A_385 = tpu.bitcast %parallel_loop3A_384 : vector<16xi32> -> vector<16xf32>
          %parallel_loop3A_386 = arith.addf %parallel_loop3A_381, %parallel_loop3A_385 : vector<16xf32>
          %parallel_loop3A_387 = vector.broadcast %scan3A_37 : i32 to vector<16xi32>
          %parallel_loop3A_388 = arith.andi %parallel_loop3A_371, %parallel_loop3A_387 : vector<16xi32>
          %parallel_loop3A_389 = tpu.bitcast %parallel_loop3A_388 : vector<16xi32> -> vector<16xf32>
          %parallel_loop3A_390 = vector.broadcast %scan3A_37 : i32 to vector<16xi32>
          %parallel_loop3A_391 = arith.andi %parallel_loop3A_377, %parallel_loop3A_390 : vector<16xi32>
          %parallel_loop3A_392 = tpu.bitcast %parallel_loop3A_391 : vector<16xi32> -> vector<16xf32>
          %parallel_loop3A_393 = arith.addf %parallel_loop3A_389, %parallel_loop3A_392 : vector<16xf32>
          %parallel_loop3A_394 = arith.index_cast %parallel_loop3A_99 : i32 to index
          %parallel_loop3A_395 = arith.constant 224 : index
          %parallel_loop3A_396 = tpu.vector_load %arg7[%parallel_loop3A_394, %parallel_loop3A_395] {strides = array<i32>} : memref<128x256xf32, #tpu.memory_space<vmem>>, vector<1x16xf32>,
          %parallel_loop3A_397 = vector.shape_cast %parallel_loop3A_396 : vector<1x16xf32> to vector<16xf32>
          %parallel_loop3A_398 = vector.shape_cast %parallel_loop3A_386 : vector<16xf32> to vector<1x16xf32>
          tpu.vector_store %arg7[%parallel_loop3A_394, %parallel_loop3A_395], %parallel_loop3A_398 {add = true, strides = array<i32>} : memref<128x256xf32, #tpu.memory_space<vmem>>, vector<1x16xf32>,
          %parallel_loop3A_399 = arith.index_cast %parallel_loop3A_99 : i32 to index
          %parallel_loop3A_400 = arith.constant 240 : index
          %parallel_loop3A_401 = tpu.vector_load %arg7[%parallel_loop3A_399, %parallel_loop3A_400] {strides = array<i32>} : memref<128x256xf32, #tpu.memory_space<vmem>>, vector<1x16xf32>,
          %parallel_loop3A_402 = vector.shape_cast %parallel_loop3A_401 : vector<1x16xf32> to vector<16xf32>
          %parallel_loop3A_403 = vector.shape_cast %parallel_loop3A_393 : vector<16xf32> to vector<1x16xf32>
          tpu.vector_store %arg7[%parallel_loop3A_399, %parallel_loop3A_400], %parallel_loop3A_403 {add = true, strides = array<i32>} : memref<128x256xf32, #tpu.memory_space<vmem>>, vector<1x16xf32>,
        } {sc.loop_unroll_factor = 4 : i64, sc.parallel_access}
        %add3A_85 = arith.constant 2 : i32
        %add3A_86 = arith.addi %mul3A_50, %add3A_85 : i32
        %lt3A_87 = arith.constant 25 : i32
        %lt3A_88 = arith.cmpi slt, %add3A_86, %lt3A_87 : i32
        %convert_element_type3A_89 = arith.extui %lt3A_88 : i1 to i32
        %cond3A_90 = arith.constant 0 : i32
        %cond3A_91 = arith.cmpi ne, %convert_element_type3A_89, %cond3A_90 : i32
        scf.if %cond3A_91 {
          %add3A_99 = arith.constant 2 : i32
          %add3A_100 = arith.addi %mul3A_50, %add3A_99 : i32
          %mul3A_101 = arith.constant 2 : i32
          %mul3A_102 = arith.muli %mul3A_101, %add3A_100 : i32
          %dma_start3A_103 = arith.constant 0 : i32
          %dma_start3A_104 = arith.constant 0 : i32
          %dma_start3A_105 = arith.constant 0 : i32
          %dma_start3A_106 = tpu.memref_slice %arg6[%dma_start3A_103, %dma_start3A_104, %dma_start3A_105] : memref<4x128x128xi32, #tpu.memory_space<vmem>> -> memref<1x128x128xi32, #tpu.memory_space<vmem>>
          %dma_start3A_107 = tpu.memref_squeeze %dma_start3A_106 : memref<1x128x128xi32, #tpu.memory_space<vmem>> -> memref<128x128xi32, #tpu.memory_space<vmem>>
          %dma_start3A_108 = arith.constant 0 : i32
          %dma_start3A_109 = tpu.memref_slice %arg5[%mul3A_102, %dma_start3A_108] : memref<50x128xi32, #tpu.memory_space<vmem>> -> memref<1x128xi32, #tpu.memory_space<vmem>>
          %dma_start3A_110 = tpu.memref_squeeze %dma_start3A_109 : memref<1x128xi32, #tpu.memory_space<vmem>> -> memref<128xi32, #tpu.memory_space<vmem>>
          %dma_start3A_111 = arith.constant 0 : i32
          %dma_start3A_112 = arith.constant 0 : i32
          %dma_start3A_113 = tpu.memref_slice %arg3[%dma_start3A_111, %dma_start3A_112] : memref<100001x128xi32, #tpu.memory_space<hbm>> -> memref<100001x128xi32, #tpu.memory_space<hbm>>
          tpu.enqueue_indirect_dma source(%dma_start3A_113 : memref<100001x128xi32, #tpu.memory_space<hbm>>) target(%dma_start3A_107 : memref<128x128xi32, #tpu.memory_space<vmem>>) offsets(%dma_start3A_110 : memref<128xi32, #tpu.memory_space<vmem>>) semaphore(%arg8 : memref<!tpu.dma_semaphore, #tpu.memory_space<semaphore_mem>>)
          %mul3A_114 = arith.constant 2 : i32
          %mul3A_115 = arith.muli %mul3A_114, %add3A_100 : i32
          %add3A_116 = arith.constant 1 : i32
          %add3A_117 = arith.addi %mul3A_115, %add3A_116 : i32
          %dma_start3A_118 = arith.constant 1 : i32
          %dma_start3A_119 = arith.constant 0 : i32
          %dma_start3A_120 = arith.constant 0 : i32
          %dma_start3A_121 = tpu.memref_slice %arg6[%dma_start3A_118, %dma_start3A_119, %dma_start3A_120] : memref<4x128x128xi32, #tpu.memory_space<vmem>> -> memref<1x128x128xi32, #tpu.memory_space<vmem>>
          %dma_start3A_122 = tpu.memref_squeeze %dma_start3A_121 : memref<1x128x128xi32, #tpu.memory_space<vmem>> -> memref<128x128xi32, #tpu.memory_space<vmem>>
          %dma_start3A_123 = arith.constant 0 : i32
          %dma_start3A_124 = tpu.memref_slice %arg5[%add3A_117, %dma_start3A_123] : memref<50x128xi32, #tpu.memory_space<vmem>> -> memref<1x128xi32, #tpu.memory_space<vmem>>
          %dma_start3A_125 = tpu.memref_squeeze %dma_start3A_124 : memref<1x128xi32, #tpu.memory_space<vmem>> -> memref<128xi32, #tpu.memory_space<vmem>>
          %dma_start3A_126 = arith.constant 0 : i32
          %dma_start3A_127 = arith.constant 0 : i32
          %dma_start3A_128 = tpu.memref_slice %arg3[%dma_start3A_126, %dma_start3A_127] : memref<100001x128xi32, #tpu.memory_space<hbm>> -> memref<100001x128xi32, #tpu.memory_space<hbm>>
          tpu.enqueue_indirect_dma source(%dma_start3A_128 : memref<100001x128xi32, #tpu.memory_space<hbm>>) target(%dma_start3A_122 : memref<128x128xi32, #tpu.memory_space<vmem>>) offsets(%dma_start3A_125 : memref<128xi32, #tpu.memory_space<vmem>>) semaphore(%arg8 : memref<!tpu.dma_semaphore, #tpu.memory_space<semaphore_mem>>)
        } else {
        }
        %add3A_92 = arith.constant 1 : i32
        %add3A_93 = arith.addi %mul3A_50, %add3A_92 : i32
        %lt3A_94 = arith.constant 25 : i32
        %lt3A_95 = arith.cmpi slt, %add3A_93, %lt3A_94 : i32
        %convert_element_type3A_96 = arith.extui %lt3A_95 : i1 to i32
        %cond3A_97 = arith.constant 0 : i32
        %cond3A_98 = arith.cmpi ne, %convert_element_type3A_96, %cond3A_97 : i32
        scf.if %cond3A_98 {
          %add3A_99 = arith.constant 1 : i32
          %add3A_100 = arith.addi %mul3A_50, %add3A_99 : i32
          %mul3A_101 = arith.constant 2 : i32
          %mul3A_102 = arith.muli %mul3A_101, %add3A_100 : i32
          %dma_wait3A_103 = arith.constant 2 : i32
          %dma_wait3A_104 = arith.constant 0 : i32
          %dma_wait3A_105 = arith.constant 0 : i32
          %dma_wait3A_106 = tpu.memref_slice %arg6[%dma_wait3A_103, %dma_wait3A_104, %dma_wait3A_105] : memref<4x128x128xi32, #tpu.memory_space<vmem>> -> memref<1x128x128xi32, #tpu.memory_space<vmem>>
          %dma_wait3A_107 = tpu.memref_squeeze %dma_wait3A_106 : memref<1x128x128xi32, #tpu.memory_space<vmem>> -> memref<128x128xi32, #tpu.memory_space<vmem>>
          %dma_wait3A_108 = arith.constant 0 : i32
          %dma_wait3A_109 = tpu.memref_slice %arg5[%mul3A_102, %dma_wait3A_108] : memref<50x128xi32, #tpu.memory_space<vmem>> -> memref<1x128xi32, #tpu.memory_space<vmem>>
          %dma_wait3A_110 = tpu.memref_squeeze %dma_wait3A_109 : memref<1x128xi32, #tpu.memory_space<vmem>> -> memref<128xi32, #tpu.memory_space<vmem>>
          %dma_wait3A_111 = arith.constant 0 : i32
          %dma_wait3A_112 = arith.constant 0 : i32
          %dma_wait3A_113 = tpu.memref_slice %arg3[%dma_wait3A_111, %dma_wait3A_112] : memref<100001x128xi32, #tpu.memory_space<hbm>> -> memref<100001x128xi32, #tpu.memory_space<hbm>>
          tpu.wait_indirect_dma semaphore(%arg9 : memref<!tpu.dma_semaphore, #tpu.memory_space<semaphore_mem>>) src(%dma_wait3A_113 : memref<100001x128xi32, #tpu.memory_space<hbm>>) dst(%dma_wait3A_107 : memref<128x128xi32, #tpu.memory_space<vmem>>)
          %mul3A_114 = arith.constant 2 : i32
          %mul3A_115 = arith.muli %mul3A_114, %add3A_100 : i32
          %add3A_116 = arith.constant 1 : i32
          %add3A_117 = arith.addi %mul3A_115, %add3A_116 : i32
          %dma_wait3A_118 = arith.constant 3 : i32
          %dma_wait3A_119 = arith.constant 0 : i32
          %dma_wait3A_120 = arith.constant 0 : i32
          %dma_wait3A_121 = tpu.memref_slice %arg6[%dma_wait3A_118, %dma_wait3A_119, %dma_wait3A_120] : memref<4x128x128xi32, #tpu.memory_space<vmem>> -> memref<1x128x128xi32, #tpu.memory_space<vmem>>
          %dma_wait3A_122 = tpu.memref_squeeze %dma_wait3A_121 : memref<1x128x128xi32, #tpu.memory_space<vmem>> -> memref<128x128xi32, #tpu.memory_space<vmem>>
          %dma_wait3A_123 = arith.constant 0 : i32
          %dma_wait3A_124 = tpu.memref_slice %arg5[%add3A_117, %dma_wait3A_123] : memref<50x128xi32, #tpu.memory_space<vmem>> -> memref<1x128xi32, #tpu.memory_space<vmem>>
          %dma_wait3A_125 = tpu.memref_squeeze %dma_wait3A_124 : memref<1x128xi32, #tpu.memory_space<vmem>> -> memref<128xi32, #tpu.memory_space<vmem>>
          %dma_wait3A_126 = arith.constant 0 : i32
          %dma_wait3A_127 = arith.constant 0 : i32
          %dma_wait3A_128 = tpu.memref_slice %arg3[%dma_wait3A_126, %dma_wait3A_127] : memref<100001x128xi32, #tpu.memory_space<hbm>> -> memref<100001x128xi32, #tpu.memory_space<hbm>>
          tpu.wait_indirect_dma semaphore(%arg9 : memref<!tpu.dma_semaphore, #tpu.memory_space<semaphore_mem>>) src(%dma_wait3A_128 : memref<100001x128xi32, #tpu.memory_space<hbm>>) dst(%dma_wait3A_122 : memref<128x128xi32, #tpu.memory_space<vmem>>)
          %parallel_loop3A_129 = arith.constant 0 : i32
          %parallel_loop3A_130 = arith.constant 128 : i32
          %parallel_loop3A_131 = arith.constant 1 : i32
          scf.for %parallel_loop3A_132 = %parallel_loop3A_129 to %parallel_loop3A_130 step %parallel_loop3A_131  : i32 {
            %parallel_loop3A_133 = arith.constant 2 : i32
            %parallel_loop3A_134 = arith.index_cast %parallel_loop3A_133 : i32 to index
            %parallel_loop3A_135 = arith.index_cast %parallel_loop3A_132 : i32 to index
            %parallel_loop3A_136 = arith.constant 0 : index
            %parallel_loop3A_137 = tpu.vector_load %arg6[%parallel_loop3A_134, %parallel_loop3A_135, %parallel_loop3A_136] {strides = array<i32>} : memref<4x128x128xi32, #tpu.memory_space<vmem>>, vector<1x1x16xi32>,
            %parallel_loop3A_138 = vector.shape_cast %parallel_loop3A_137 : vector<1x1x16xi32> to vector<16xi32>
            %parallel_loop3A_139 = arith.constant 3 : i32
            %parallel_loop3A_140 = arith.index_cast %parallel_loop3A_139 : i32 to index
            %parallel_loop3A_141 = arith.index_cast %parallel_loop3A_132 : i32 to index
            %parallel_loop3A_142 = arith.constant 0 : index
            %parallel_loop3A_143 = tpu.vector_load %arg6[%parallel_loop3A_140, %parallel_loop3A_141, %parallel_loop3A_142] {strides = array<i32>} : memref<4x128x128xi32, #tpu.memory_space<vmem>>, vector<1x1x16xi32>,
            %parallel_loop3A_144 = vector.shape_cast %parallel_loop3A_143 : vector<1x1x16xi32> to vector<16xi32>
            %parallel_loop3A_145 = arith.constant 16 : i32
            %parallel_loop3A_146 = vector.broadcast %parallel_loop3A_145 : i32 to vector<16xi32>
            %parallel_loop3A_147 = arith.shli %parallel_loop3A_138, %parallel_loop3A_146 : vector<16xi32>
            %parallel_loop3A_148 = tpu.bitcast %parallel_loop3A_147 : vector<16xi32> -> vector<16xf32>
            %parallel_loop3A_149 = arith.constant 16 : i32
            %parallel_loop3A_150 = vector.broadcast %parallel_loop3A_149 : i32 to vector<16xi32>
            %parallel_loop3A_151 = arith.shli %parallel_loop3A_144, %parallel_loop3A_150 : vector<16xi32>
            %parallel_loop3A_152 = tpu.bitcast %parallel_loop3A_151 : vector<16xi32> -> vector<16xf32>
            %parallel_loop3A_153 = arith.addf %parallel_loop3A_148, %parallel_loop3A_152 : vector<16xf32>
            %parallel_loop3A_154 = vector.broadcast %scan3A_37 : i32 to vector<16xi32>
            %parallel_loop3A_155 = arith.andi %parallel_loop3A_138, %parallel_loop3A_154 : vector<16xi32>
            %parallel_loop3A_156 = tpu.bitcast %parallel_loop3A_155 : vector<16xi32> -> vector<16xf32>
            %parallel_loop3A_157 = vector.broadcast %scan3A_37 : i32 to vector<16xi32>
            %parallel_loop3A_158 = arith.andi %parallel_loop3A_144, %parallel_loop3A_157 : vector<16xi32>
            %parallel_loop3A_159 = tpu.bitcast %parallel_loop3A_158 : vector<16xi32> -> vector<16xf32>
            %parallel_loop3A_160 = arith.addf %parallel_loop3A_156, %parallel_loop3A_159 : vector<16xf32>
            %parallel_loop3A_161 = arith.index_cast %parallel_loop3A_132 : i32 to index
            %parallel_loop3A_162 = arith.constant 0 : index
            %parallel_loop3A_163 = tpu.vector_load %arg7[%parallel_loop3A_161, %parallel_loop3A_162] {strides = array<i32>} : memref<128x256xf32, #tpu.memory_space<vmem>>, vector<1x16xf32>,
            %parallel_loop3A_164 = vector.shape_cast %parallel_loop3A_163 : vector<1x16xf32> to vector<16xf32>
            %parallel_loop3A_165 = vector.shape_cast %parallel_loop3A_153 : vector<16xf32> to vector<1x16xf32>
            tpu.vector_store %arg7[%parallel_loop3A_161, %parallel_loop3A_162], %parallel_loop3A_165 {add = true, strides = array<i32>} : memref<128x256xf32, #tpu.memory_space<vmem>>, vector<1x16xf32>,
            %parallel_loop3A_166 = arith.index_cast %parallel_loop3A_132 : i32 to index
            %parallel_loop3A_167 = arith.constant 16 : index
            %parallel_loop3A_168 = tpu.vector_load %arg7[%parallel_loop3A_166, %parallel_loop3A_167] {strides = array<i32>} : memref<128x256xf32, #tpu.memory_space<vmem>>, vector<1x16xf32>,
            %parallel_loop3A_169 = vector.shape_cast %parallel_loop3A_168 : vector<1x16xf32> to vector<16xf32>
            %parallel_loop3A_170 = vector.shape_cast %parallel_loop3A_160 : vector<16xf32> to vector<1x16xf32>
            tpu.vector_store %arg7[%parallel_loop3A_166, %parallel_loop3A_167], %parallel_loop3A_170 {add = true, strides = array<i32>} : memref<128x256xf32, #tpu.memory_space<vmem>>, vector<1x16xf32>,
            %parallel_loop3A_171 = arith.constant 2 : i32
            %parallel_loop3A_172 = arith.index_cast %parallel_loop3A_171 : i32 to index
            %parallel_loop3A_173 = arith.index_cast %parallel_loop3A_132 : i32 to index
            %parallel_loop3A_174 = arith.constant 16 : index
            %parallel_loop3A_175 = tpu.vector_load %arg6[%parallel_loop3A_172, %parallel_loop3A_173, %parallel_loop3A_174] {strides = array<i32>} : memref<4x128x128xi32, #tpu.memory_space<vmem>>, vector<1x1x16xi32>,
            %parallel_loop3A_176 = vector.shape_cast %parallel_loop3A_175 : vector<1x1x16xi32> to vector<16xi32>
            %parallel_loop3A_177 = arith.constant 3 : i32
            %parallel_loop3A_178 = arith.index_cast %parallel_loop3A_177 : i32 to index
            %parallel_loop3A_179 = arith.index_cast %parallel_loop3A_132 : i32 to index
            %parallel_loop3A_180 = arith.constant 16 : index
            %parallel_loop3A_181 = tpu.vector_load %arg6[%parallel_loop3A_178, %parallel_loop3A_179, %parallel_loop3A_180] {strides = array<i32>} : memref<4x128x128xi32, #tpu.memory_space<vmem>>, vector<1x1x16xi32>,
            %parallel_loop3A_182 = vector.shape_cast %parallel_loop3A_181 : vector<1x1x16xi32> to vector<16xi32>
            %parallel_loop3A_183 = arith.constant 16 : i32
            %parallel_loop3A_184 = vector.broadcast %parallel_loop3A_183 : i32 to vector<16xi32>
            %parallel_loop3A_185 = arith.shli %parallel_loop3A_176, %parallel_loop3A_184 : vector<16xi32>
            %parallel_loop3A_186 = tpu.bitcast %parallel_loop3A_185 : vector<16xi32> -> vector<16xf32>
            %parallel_loop3A_187 = arith.constant 16 : i32
            %parallel_loop3A_188 = vector.broadcast %parallel_loop3A_187 : i32 to vector<16xi32>
            %parallel_loop3A_189 = arith.shli %parallel_loop3A_182, %parallel_loop3A_188 : vector<16xi32>
            %parallel_loop3A_190 = tpu.bitcast %parallel_loop3A_189 : vector<16xi32> -> vector<16xf32>
            %parallel_loop3A_191 = arith.addf %parallel_loop3A_186, %parallel_loop3A_190 : vector<16xf32>
            %parallel_loop3A_192 = vector.broadcast %scan3A_37 : i32 to vector<16xi32>
            %parallel_loop3A_193 = arith.andi %parallel_loop3A_176, %parallel_loop3A_192 : vector<16xi32>
            %parallel_loop3A_194 = tpu.bitcast %parallel_loop3A_193 : vector<16xi32> -> vector<16xf32>
            %parallel_loop3A_195 = vector.broadcast %scan3A_37 : i32 to vector<16xi32>
            %parallel_loop3A_196 = arith.andi %parallel_loop3A_182, %parallel_loop3A_195 : vector<16xi32>
            %parallel_loop3A_197 = tpu.bitcast %parallel_loop3A_196 : vector<16xi32> -> vector<16xf32>
            %parallel_loop3A_198 = arith.addf %parallel_loop3A_194, %parallel_loop3A_197 : vector<16xf32>
            %parallel_loop3A_199 = arith.index_cast %parallel_loop3A_132 : i32 to index
            %parallel_loop3A_200 = arith.constant 32 : index
            %parallel_loop3A_201 = tpu.vector_load %arg7[%parallel_loop3A_199, %parallel_loop3A_200] {strides = array<i32>} : memref<128x256xf32, #tpu.memory_space<vmem>>, vector<1x16xf32>,
            %parallel_loop3A_202 = vector.shape_cast %parallel_loop3A_201 : vector<1x16xf32> to vector<16xf32>
            %parallel_loop3A_203 = vector.shape_cast %parallel_loop3A_191 : vector<16xf32> to vector<1x16xf32>
            tpu.vector_store %arg7[%parallel_loop3A_199, %parallel_loop3A_200], %parallel_loop3A_203 {add = true, strides = array<i32>} : memref<128x256xf32, #tpu.memory_space<vmem>>, vector<1x16xf32>,
            %parallel_loop3A_204 = arith.index_cast %parallel_loop3A_132 : i32 to index
            %parallel_loop3A_205 = arith.constant 48 : index
            %parallel_loop3A_206 = tpu.vector_load %arg7[%parallel_loop3A_204, %parallel_loop3A_205] {strides = array<i32>} : memref<128x256xf32, #tpu.memory_space<vmem>>, vector<1x16xf32>,
            %parallel_loop3A_207 = vector.shape_cast %parallel_loop3A_206 : vector<1x16xf32> to vector<16xf32>
            %parallel_loop3A_208 = vector.shape_cast %parallel_loop3A_198 : vector<16xf32> to vector<1x16xf32>
            tpu.vector_store %arg7[%parallel_loop3A_204, %parallel_loop3A_205], %parallel_loop3A_208 {add = true, strides = array<i32>} : memref<128x256xf32, #tpu.memory_space<vmem>>, vector<1x16xf32>,
            %parallel_loop3A_209 = arith.constant 2 : i32
            %parallel_loop3A_210 = arith.index_cast %parallel_loop3A_209 : i32 to index
            %parallel_loop3A_211 = arith.index_cast %parallel_loop3A_132 : i32 to index
            %parallel_loop3A_212 = arith.constant 32 : index
            %parallel_loop3A_213 = tpu.vector_load %arg6[%parallel_loop3A_210, %parallel_loop3A_211, %parallel_loop3A_212] {strides = array<i32>} : memref<4x128x128xi32, #tpu.memory_space<vmem>>, vector<1x1x16xi32>,
            %parallel_loop3A_214 = vector.shape_cast %parallel_loop3A_213 : vector<1x1x16xi32> to vector<16xi32>
            %parallel_loop3A_215 = arith.constant 3 : i32
            %parallel_loop3A_216 = arith.index_cast %parallel_loop3A_215 : i32 to index
            %parallel_loop3A_217 = arith.index_cast %parallel_loop3A_132 : i32 to index
            %parallel_loop3A_218 = arith.constant 32 : index
            %parallel_loop3A_219 = tpu.vector_load %arg6[%parallel_loop3A_216, %parallel_loop3A_217, %parallel_loop3A_218] {strides = array<i32>} : memref<4x128x128xi32, #tpu.memory_space<vmem>>, vector<1x1x16xi32>,
            %parallel_loop3A_220 = vector.shape_cast %parallel_loop3A_219 : vector<1x1x16xi32> to vector<16xi32>
            %parallel_loop3A_221 = arith.constant 16 : i32
            %parallel_loop3A_222 = vector.broadcast %parallel_loop3A_221 : i32 to vector<16xi32>
            %parallel_loop3A_223 = arith.shli %parallel_loop3A_214, %parallel_loop3A_222 : vector<16xi32>
            %parallel_loop3A_224 = tpu.bitcast %parallel_loop3A_223 : vector<16xi32> -> vector<16xf32>
            %parallel_loop3A_225 = arith.constant 16 : i32
            %parallel_loop3A_226 = vector.broadcast %parallel_loop3A_225 : i32 to vector<16xi32>
            %parallel_loop3A_227 = arith.shli %parallel_loop3A_220, %parallel_loop3A_226 : vector<16xi32>
            %parallel_loop3A_228 = tpu.bitcast %parallel_loop3A_227 : vector<16xi32> -> vector<16xf32>
            %parallel_loop3A_229 = arith.addf %parallel_loop3A_224, %parallel_loop3A_228 : vector<16xf32>
            %parallel_loop3A_230 = vector.broadcast %scan3A_37 : i32 to vector<16xi32>
            %parallel_loop3A_231 = arith.andi %parallel_loop3A_214, %parallel_loop3A_230 : vector<16xi32>
            %parallel_loop3A_232 = tpu.bitcast %parallel_loop3A_231 : vector<16xi32> -> vector<16xf32>
            %parallel_loop3A_233 = vector.broadcast %scan3A_37 : i32 to vector<16xi32>
            %parallel_loop3A_234 = arith.andi %parallel_loop3A_220, %parallel_loop3A_233 : vector<16xi32>
            %parallel_loop3A_235 = tpu.bitcast %parallel_loop3A_234 : vector<16xi32> -> vector<16xf32>
            %parallel_loop3A_236 = arith.addf %parallel_loop3A_232, %parallel_loop3A_235 : vector<16xf32>
            %parallel_loop3A_237 = arith.index_cast %parallel_loop3A_132 : i32 to index
            %parallel_loop3A_238 = arith.constant 64 : index
            %parallel_loop3A_239 = tpu.vector_load %arg7[%parallel_loop3A_237, %parallel_loop3A_238] {strides = array<i32>} : memref<128x256xf32, #tpu.memory_space<vmem>>, vector<1x16xf32>,
            %parallel_loop3A_240 = vector.shape_cast %parallel_loop3A_239 : vector<1x16xf32> to vector<16xf32>
            %parallel_loop3A_241 = vector.shape_cast %parallel_loop3A_229 : vector<16xf32> to vector<1x16xf32>
            tpu.vector_store %arg7[%parallel_loop3A_237, %parallel_loop3A_238], %parallel_loop3A_241 {add = true, strides = array<i32>} : memref<128x256xf32, #tpu.memory_space<vmem>>, vector<1x16xf32>,
            %parallel_loop3A_242 = arith.index_cast %parallel_loop3A_132 : i32 to index
            %parallel_loop3A_243 = arith.constant 80 : index
            %parallel_loop3A_244 = tpu.vector_load %arg7[%parallel_loop3A_242, %parallel_loop3A_243] {strides = array<i32>} : memref<128x256xf32, #tpu.memory_space<vmem>>, vector<1x16xf32>,
            %parallel_loop3A_245 = vector.shape_cast %parallel_loop3A_244 : vector<1x16xf32> to vector<16xf32>
            %parallel_loop3A_246 = vector.shape_cast %parallel_loop3A_236 : vector<16xf32> to vector<1x16xf32>
            tpu.vector_store %arg7[%parallel_loop3A_242, %parallel_loop3A_243], %parallel_loop3A_246 {add = true, strides = array<i32>} : memref<128x256xf32, #tpu.memory_space<vmem>>, vector<1x16xf32>,
            %parallel_loop3A_247 = arith.constant 2 : i32
            %parallel_loop3A_248 = arith.index_cast %parallel_loop3A_247 : i32 to index
            %parallel_loop3A_249 = arith.index_cast %parallel_loop3A_132 : i32 to index
            %parallel_loop3A_250 = arith.constant 48 : index
            %parallel_loop3A_251 = tpu.vector_load %arg6[%parallel_loop3A_248, %parallel_loop3A_249, %parallel_loop3A_250] {strides = array<i32>} : memref<4x128x128xi32, #tpu.memory_space<vmem>>, vector<1x1x16xi32>,
            %parallel_loop3A_252 = vector.shape_cast %parallel_loop3A_251 : vector<1x1x16xi32> to vector<16xi32>
            %parallel_loop3A_253 = arith.constant 3 : i32
            %parallel_loop3A_254 = arith.index_cast %parallel_loop3A_253 : i32 to index
            %parallel_loop3A_255 = arith.index_cast %parallel_loop3A_132 : i32 to index
            %parallel_loop3A_256 = arith.constant 48 : index
            %parallel_loop3A_257 = tpu.vector_load %arg6[%parallel_loop3A_254, %parallel_loop3A_255, %parallel_loop3A_256] {strides = array<i32>} : memref<4x128x128xi32, #tpu.memory_space<vmem>>, vector<1x1x16xi32>,
            %parallel_loop3A_258 = vector.shape_cast %parallel_loop3A_257 : vector<1x1x16xi32> to vector<16xi32>
            %parallel_loop3A_259 = arith.constant 16 : i32
            %parallel_loop3A_260 = vector.broadcast %parallel_loop3A_259 : i32 to vector<16xi32>
            %parallel_loop3A_261 = arith.shli %parallel_loop3A_252, %parallel_loop3A_260 : vector<16xi32>
            %parallel_loop3A_262 = tpu.bitcast %parallel_loop3A_261 : vector<16xi32> -> vector<16xf32>
            %parallel_loop3A_263 = arith.constant 16 : i32
            %parallel_loop3A_264 = vector.broadcast %parallel_loop3A_263 : i32 to vector<16xi32>
            %parallel_loop3A_265 = arith.shli %parallel_loop3A_258, %parallel_loop3A_264 : vector<16xi32>
            %parallel_loop3A_266 = tpu.bitcast %parallel_loop3A_265 : vector<16xi32> -> vector<16xf32>
            %parallel_loop3A_267 = arith.addf %parallel_loop3A_262, %parallel_loop3A_266 : vector<16xf32>
            %parallel_loop3A_268 = vector.broadcast %scan3A_37 : i32 to vector<16xi32>
            %parallel_loop3A_269 = arith.andi %parallel_loop3A_252, %parallel_loop3A_268 : vector<16xi32>
            %parallel_loop3A_270 = tpu.bitcast %parallel_loop3A_269 : vector<16xi32> -> vector<16xf32>
            %parallel_loop3A_271 = vector.broadcast %scan3A_37 : i32 to vector<16xi32>
            %parallel_loop3A_272 = arith.andi %parallel_loop3A_258, %parallel_loop3A_271 : vector<16xi32>
            %parallel_loop3A_273 = tpu.bitcast %parallel_loop3A_272 : vector<16xi32> -> vector<16xf32>
            %parallel_loop3A_274 = arith.addf %parallel_loop3A_270, %parallel_loop3A_273 : vector<16xf32>
            %parallel_loop3A_275 = arith.index_cast %parallel_loop3A_132 : i32 to index
            %parallel_loop3A_276 = arith.constant 96 : index
            %parallel_loop3A_277 = tpu.vector_load %arg7[%parallel_loop3A_275, %parallel_loop3A_276] {strides = array<i32>} : memref<128x256xf32, #tpu.memory_space<vmem>>, vector<1x16xf32>,
            %parallel_loop3A_278 = vector.shape_cast %parallel_loop3A_277 : vector<1x16xf32> to vector<16xf32>
            %parallel_loop3A_279 = vector.shape_cast %parallel_loop3A_267 : vector<16xf32> to vector<1x16xf32>
            tpu.vector_store %arg7[%parallel_loop3A_275, %parallel_loop3A_276], %parallel_loop3A_279 {add = true, strides = array<i32>} : memref<128x256xf32, #tpu.memory_space<vmem>>, vector<1x16xf32>,
            %parallel_loop3A_280 = arith.index_cast %parallel_loop3A_132 : i32 to index
            %parallel_loop3A_281 = arith.constant 112 : index
            %parallel_loop3A_282 = tpu.vector_load %arg7[%parallel_loop3A_280, %parallel_loop3A_281] {strides = array<i32>} : memref<128x256xf32, #tpu.memory_space<vmem>>, vector<1x16xf32>,
            %parallel_loop3A_283 = vector.shape_cast %parallel_loop3A_282 : vector<1x16xf32> to vector<16xf32>
            %parallel_loop3A_284 = vector.shape_cast %parallel_loop3A_274 : vector<16xf32> to vector<1x16xf32>
            tpu.vector_store %arg7[%parallel_loop3A_280, %parallel_loop3A_281], %parallel_loop3A_284 {add = true, strides = array<i32>} : memref<128x256xf32, #tpu.memory_space<vmem>>, vector<1x16xf32>,
            %parallel_loop3A_285 = arith.constant 2 : i32
            %parallel_loop3A_286 = arith.index_cast %parallel_loop3A_285 : i32 to index
            %parallel_loop3A_287 = arith.index_cast %parallel_loop3A_132 : i32 to index
            %parallel_loop3A_288 = arith.constant 64 : index
            %parallel_loop3A_289 = tpu.vector_load %arg6[%parallel_loop3A_286, %parallel_loop3A_287, %parallel_loop3A_288] {strides = array<i32>} : memref<4x128x128xi32, #tpu.memory_space<vmem>>, vector<1x1x16xi32>,
            %parallel_loop3A_290 = vector.shape_cast %parallel_loop3A_289 : vector<1x1x16xi32> to vector<16xi32>
            %parallel_loop3A_291 = arith.constant 3 : i32
            %parallel_loop3A_292 = arith.index_cast %parallel_loop3A_291 : i32 to index
            %parallel_loop3A_293 = arith.index_cast %parallel_loop3A_132 : i32 to index
            %parallel_loop3A_294 = arith.constant 64 : index
            %parallel_loop3A_295 = tpu.vector_load %arg6[%parallel_loop3A_292, %parallel_loop3A_293, %parallel_loop3A_294] {strides = array<i32>} : memref<4x128x128xi32, #tpu.memory_space<vmem>>, vector<1x1x16xi32>,
            %parallel_loop3A_296 = vector.shape_cast %parallel_loop3A_295 : vector<1x1x16xi32> to vector<16xi32>
            %parallel_loop3A_297 = arith.constant 16 : i32
            %parallel_loop3A_298 = vector.broadcast %parallel_loop3A_297 : i32 to vector<16xi32>
            %parallel_loop3A_299 = arith.shli %parallel_loop3A_290, %parallel_loop3A_298 : vector<16xi32>
            %parallel_loop3A_300 = tpu.bitcast %parallel_loop3A_299 : vector<16xi32> -> vector<16xf32>
            %parallel_loop3A_301 = arith.constant 16 : i32
            %parallel_loop3A_302 = vector.broadcast %parallel_loop3A_301 : i32 to vector<16xi32>
            %parallel_loop3A_303 = arith.shli %parallel_loop3A_296, %parallel_loop3A_302 : vector<16xi32>
            %parallel_loop3A_304 = tpu.bitcast %parallel_loop3A_303 : vector<16xi32> -> vector<16xf32>
            %parallel_loop3A_305 = arith.addf %parallel_loop3A_300, %parallel_loop3A_304 : vector<16xf32>
            %parallel_loop3A_306 = vector.broadcast %scan3A_37 : i32 to vector<16xi32>
            %parallel_loop3A_307 = arith.andi %parallel_loop3A_290, %parallel_loop3A_306 : vector<16xi32>
            %parallel_loop3A_308 = tpu.bitcast %parallel_loop3A_307 : vector<16xi32> -> vector<16xf32>
            %parallel_loop3A_309 = vector.broadcast %scan3A_37 : i32 to vector<16xi32>
            %parallel_loop3A_310 = arith.andi %parallel_loop3A_296, %parallel_loop3A_309 : vector<16xi32>
            %parallel_loop3A_311 = tpu.bitcast %parallel_loop3A_310 : vector<16xi32> -> vector<16xf32>
            %parallel_loop3A_312 = arith.addf %parallel_loop3A_308, %parallel_loop3A_311 : vector<16xf32>
            %parallel_loop3A_313 = arith.index_cast %parallel_loop3A_132 : i32 to index
            %parallel_loop3A_314 = arith.constant 128 : index
            %parallel_loop3A_315 = tpu.vector_load %arg7[%parallel_loop3A_313, %parallel_loop3A_314] {strides = array<i32>} : memref<128x256xf32, #tpu.memory_space<vmem>>, vector<1x16xf32>,
            %parallel_loop3A_316 = vector.shape_cast %parallel_loop3A_315 : vector<1x16xf32> to vector<16xf32>
            %parallel_loop3A_317 = vector.shape_cast %parallel_loop3A_305 : vector<16xf32> to vector<1x16xf32>
            tpu.vector_store %arg7[%parallel_loop3A_313, %parallel_loop3A_314], %parallel_loop3A_317 {add = true, strides = array<i32>} : memref<128x256xf32, #tpu.memory_space<vmem>>, vector<1x16xf32>,
            %parallel_loop3A_318 = arith.index_cast %parallel_loop3A_132 : i32 to index
            %parallel_loop3A_319 = arith.constant 144 : index
            %parallel_loop3A_320 = tpu.vector_load %arg7[%parallel_loop3A_318, %parallel_loop3A_319] {strides = array<i32>} : memref<128x256xf32, #tpu.memory_space<vmem>>, vector<1x16xf32>,
            %parallel_loop3A_321 = vector.shape_cast %parallel_loop3A_320 : vector<1x16xf32> to vector<16xf32>
            %parallel_loop3A_322 = vector.shape_cast %parallel_loop3A_312 : vector<16xf32> to vector<1x16xf32>
            tpu.vector_store %arg7[%parallel_loop3A_318, %parallel_loop3A_319], %parallel_loop3A_322 {add = true, strides = array<i32>} : memref<128x256xf32, #tpu.memory_space<vmem>>, vector<1x16xf32>,
            %parallel_loop3A_323 = arith.constant 2 : i32
            %parallel_loop3A_324 = arith.index_cast %parallel_loop3A_323 : i32 to index
            %parallel_loop3A_325 = arith.index_cast %parallel_loop3A_132 : i32 to index
            %parallel_loop3A_326 = arith.constant 80 : index
            %parallel_loop3A_327 = tpu.vector_load %arg6[%parallel_loop3A_324, %parallel_loop3A_325, %parallel_loop3A_326] {strides = array<i32>} : memref<4x128x128xi32, #tpu.memory_space<vmem>>, vector<1x1x16xi32>,
            %parallel_loop3A_328 = vector.shape_cast %parallel_loop3A_327 : vector<1x1x16xi32> to vector<16xi32>
            %parallel_loop3A_329 = arith.constant 3 : i32
            %parallel_loop3A_330 = arith.index_cast %parallel_loop3A_329 : i32 to index
            %parallel_loop3A_331 = arith.index_cast %parallel_loop3A_132 : i32 to index
            %parallel_loop3A_332 = arith.constant 80 : index
            %parallel_loop3A_333 = tpu.vector_load %arg6[%parallel_loop3A_330, %parallel_loop3A_331, %parallel_loop3A_332] {strides = array<i32>} : memref<4x128x128xi32, #tpu.memory_space<vmem>>, vector<1x1x16xi32>,
            %parallel_loop3A_334 = vector.shape_cast %parallel_loop3A_333 : vector<1x1x16xi32> to vector<16xi32>
            %parallel_loop3A_335 = arith.constant 16 : i32
            %parallel_loop3A_336 = vector.broadcast %parallel_loop3A_335 : i32 to vector<16xi32>
            %parallel_loop3A_337 = arith.shli %parallel_loop3A_328, %parallel_loop3A_336 : vector<16xi32>
            %parallel_loop3A_338 = tpu.bitcast %parallel_loop3A_337 : vector<16xi32> -> vector<16xf32>
            %parallel_loop3A_339 = arith.constant 16 : i32
            %parallel_loop3A_340 = vector.broadcast %parallel_loop3A_339 : i32 to vector<16xi32>
            %parallel_loop3A_341 = arith.shli %parallel_loop3A_334, %parallel_loop3A_340 : vector<16xi32>
            %parallel_loop3A_342 = tpu.bitcast %parallel_loop3A_341 : vector<16xi32> -> vector<16xf32>
            %parallel_loop3A_343 = arith.addf %parallel_loop3A_338, %parallel_loop3A_342 : vector<16xf32>
            %parallel_loop3A_344 = vector.broadcast %scan3A_37 : i32 to vector<16xi32>
            %parallel_loop3A_345 = arith.andi %parallel_loop3A_328, %parallel_loop3A_344 : vector<16xi32>
            %parallel_loop3A_346 = tpu.bitcast %parallel_loop3A_345 : vector<16xi32> -> vector<16xf32>
            %parallel_loop3A_347 = vector.broadcast %scan3A_37 : i32 to vector<16xi32>
            %parallel_loop3A_348 = arith.andi %parallel_loop3A_334, %parallel_loop3A_347 : vector<16xi32>
            %parallel_loop3A_349 = tpu.bitcast %parallel_loop3A_348 : vector<16xi32> -> vector<16xf32>
            %parallel_loop3A_350 = arith.addf %parallel_loop3A_346, %parallel_loop3A_349 : vector<16xf32>
            %parallel_loop3A_351 = arith.index_cast %parallel_loop3A_132 : i32 to index
            %parallel_loop3A_352 = arith.constant 160 : index
            %parallel_loop3A_353 = tpu.vector_load %arg7[%parallel_loop3A_351, %parallel_loop3A_352] {strides = array<i32>} : memref<128x256xf32, #tpu.memory_space<vmem>>, vector<1x16xf32>,
            %parallel_loop3A_354 = vector.shape_cast %parallel_loop3A_353 : vector<1x16xf32> to vector<16xf32>
            %parallel_loop3A_355 = vector.shape_cast %parallel_loop3A_343 : vector<16xf32> to vector<1x16xf32>
            tpu.vector_store %arg7[%parallel_loop3A_351, %parallel_loop3A_352], %parallel_loop3A_355 {add = true, strides = array<i32>} : memref<128x256xf32, #tpu.memory_space<vmem>>, vector<1x16xf32>,
            %parallel_loop3A_356 = arith.index_cast %parallel_loop3A_132 : i32 to index
            %parallel_loop3A_357 = arith.constant 176 : index
            %parallel_loop3A_358 = tpu.vector_load %arg7[%parallel_loop3A_356, %parallel_loop3A_357] {strides = array<i32>} : memref<128x256xf32, #tpu.memory_space<vmem>>, vector<1x16xf32>,
            %parallel_loop3A_359 = vector.shape_cast %parallel_loop3A_358 : vector<1x16xf32> to vector<16xf32>
            %parallel_loop3A_360 = vector.shape_cast %parallel_loop3A_350 : vector<16xf32> to vector<1x16xf32>
            tpu.vector_store %arg7[%parallel_loop3A_356, %parallel_loop3A_357], %parallel_loop3A_360 {add = true, strides = array<i32>} : memref<128x256xf32, #tpu.memory_space<vmem>>, vector<1x16xf32>,
            %parallel_loop3A_361 = arith.constant 2 : i32
            %parallel_loop3A_362 = arith.index_cast %parallel_loop3A_361 : i32 to index
            %parallel_loop3A_363 = arith.index_cast %parallel_loop3A_132 : i32 to index
            %parallel_loop3A_364 = arith.constant 96 : index
            %parallel_loop3A_365 = tpu.vector_load %arg6[%parallel_loop3A_362, %parallel_loop3A_363, %parallel_loop3A_364] {strides = array<i32>} : memref<4x128x128xi32, #tpu.memory_space<vmem>>, vector<1x1x16xi32>,
            %parallel_loop3A_366 = vector.shape_cast %parallel_loop3A_365 : vector<1x1x16xi32> to vector<16xi32>
            %parallel_loop3A_367 = arith.constant 3 : i32
            %parallel_loop3A_368 = arith.index_cast %parallel_loop3A_367 : i32 to index
            %parallel_loop3A_369 = arith.index_cast %parallel_loop3A_132 : i32 to index
            %parallel_loop3A_370 = arith.constant 96 : index
            %parallel_loop3A_371 = tpu.vector_load %arg6[%parallel_loop3A_368, %parallel_loop3A_369, %parallel_loop3A_370] {strides = array<i32>} : memref<4x128x128xi32, #tpu.memory_space<vmem>>, vector<1x1x16xi32>,
            %parallel_loop3A_372 = vector.shape_cast %parallel_loop3A_371 : vector<1x1x16xi32> to vector<16xi32>
            %parallel_loop3A_373 = arith.constant 16 : i32
            %parallel_loop3A_374 = vector.broadcast %parallel_loop3A_373 : i32 to vector<16xi32>
            %parallel_loop3A_375 = arith.shli %parallel_loop3A_366, %parallel_loop3A_374 : vector<16xi32>
            %parallel_loop3A_376 = tpu.bitcast %parallel_loop3A_375 : vector<16xi32> -> vector<16xf32>
            %parallel_loop3A_377 = arith.constant 16 : i32
            %parallel_loop3A_378 = vector.broadcast %parallel_loop3A_377 : i32 to vector<16xi32>
            %parallel_loop3A_379 = arith.shli %parallel_loop3A_372, %parallel_loop3A_378 : vector<16xi32>
            %parallel_loop3A_380 = tpu.bitcast %parallel_loop3A_379 : vector<16xi32> -> vector<16xf32>
            %parallel_loop3A_381 = arith.addf %parallel_loop3A_376, %parallel_loop3A_380 : vector<16xf32>
            %parallel_loop3A_382 = vector.broadcast %scan3A_37 : i32 to vector<16xi32>
            %parallel_loop3A_383 = arith.andi %parallel_loop3A_366, %parallel_loop3A_382 : vector<16xi32>
            %parallel_loop3A_384 = tpu.bitcast %parallel_loop3A_383 : vector<16xi32> -> vector<16xf32>
            %parallel_loop3A_385 = vector.broadcast %scan3A_37 : i32 to vector<16xi32>
            %parallel_loop3A_386 = arith.andi %parallel_loop3A_372, %parallel_loop3A_385 : vector<16xi32>
            %parallel_loop3A_387 = tpu.bitcast %parallel_loop3A_386 : vector<16xi32> -> vector<16xf32>
            %parallel_loop3A_388 = arith.addf %parallel_loop3A_384, %parallel_loop3A_387 : vector<16xf32>
            %parallel_loop3A_389 = arith.index_cast %parallel_loop3A_132 : i32 to index
            %parallel_loop3A_390 = arith.constant 192 : index
            %parallel_loop3A_391 = tpu.vector_load %arg7[%parallel_loop3A_389, %parallel_loop3A_390] {strides = array<i32>} : memref<128x256xf32, #tpu.memory_space<vmem>>, vector<1x16xf32>,
            %parallel_loop3A_392 = vector.shape_cast %parallel_loop3A_391 : vector<1x16xf32> to vector<16xf32>
            %parallel_loop3A_393 = vector.shape_cast %parallel_loop3A_381 : vector<16xf32> to vector<1x16xf32>
            tpu.vector_store %arg7[%parallel_loop3A_389, %parallel_loop3A_390], %parallel_loop3A_393 {add = true, strides = array<i32>} : memref<128x256xf32, #tpu.memory_space<vmem>>, vector<1x16xf32>,
            %parallel_loop3A_394 = arith.index_cast %parallel_loop3A_132 : i32 to index
            %parallel_loop3A_395 = arith.constant 208 : index
            %parallel_loop3A_396 = tpu.vector_load %arg7[%parallel_loop3A_394, %parallel_loop3A_395] {strides = array<i32>} : memref<128x256xf32, #tpu.memory_space<vmem>>, vector<1x16xf32>,
            %parallel_loop3A_397 = vector.shape_cast %parallel_loop3A_396 : vector<1x16xf32> to vector<16xf32>
            %parallel_loop3A_398 = vector.shape_cast %parallel_loop3A_388 : vector<16xf32> to vector<1x16xf32>
            tpu.vector_store %arg7[%parallel_loop3A_394, %parallel_loop3A_395], %parallel_loop3A_398 {add = true, strides = array<i32>} : memref<128x256xf32, #tpu.memory_space<vmem>>, vector<1x16xf32>,
            %parallel_loop3A_399 = arith.constant 2 : i32
            %parallel_loop3A_400 = arith.index_cast %parallel_loop3A_399 : i32 to index
            %parallel_loop3A_401 = arith.index_cast %parallel_loop3A_132 : i32 to index
            %parallel_loop3A_402 = arith.constant 112 : index
            %parallel_loop3A_403 = tpu.vector_load %arg6[%parallel_loop3A_400, %parallel_loop3A_401, %parallel_loop3A_402] {strides = array<i32>} : memref<4x128x128xi32, #tpu.memory_space<vmem>>, vector<1x1x16xi32>,
            %parallel_loop3A_404 = vector.shape_cast %parallel_loop3A_403 : vector<1x1x16xi32> to vector<16xi32>
            %parallel_loop3A_405 = arith.constant 3 : i32
            %parallel_loop3A_406 = arith.index_cast %parallel_loop3A_405 : i32 to index
            %parallel_loop3A_407 = arith.index_cast %parallel_loop3A_132 : i32 to index
            %parallel_loop3A_408 = arith.constant 112 : index
            %parallel_loop3A_409 = tpu.vector_load %arg6[%parallel_loop3A_406, %parallel_loop3A_407, %parallel_loop3A_408] {strides = array<i32>} : memref<4x128x128xi32, #tpu.memory_space<vmem>>, vector<1x1x16xi32>,
            %parallel_loop3A_410 = vector.shape_cast %parallel_loop3A_409 : vector<1x1x16xi32> to vector<16xi32>
            %parallel_loop3A_411 = arith.constant 16 : i32
            %parallel_loop3A_412 = vector.broadcast %parallel_loop3A_411 : i32 to vector<16xi32>
            %parallel_loop3A_413 = arith.shli %parallel_loop3A_404, %parallel_loop3A_412 : vector<16xi32>
            %parallel_loop3A_414 = tpu.bitcast %parallel_loop3A_413 : vector<16xi32> -> vector<16xf32>
            %parallel_loop3A_415 = arith.constant 16 : i32
            %parallel_loop3A_416 = vector.broadcast %parallel_loop3A_415 : i32 to vector<16xi32>
            %parallel_loop3A_417 = arith.shli %parallel_loop3A_410, %parallel_loop3A_416 : vector<16xi32>
            %parallel_loop3A_418 = tpu.bitcast %parallel_loop3A_417 : vector<16xi32> -> vector<16xf32>
            %parallel_loop3A_419 = arith.addf %parallel_loop3A_414, %parallel_loop3A_418 : vector<16xf32>
            %parallel_loop3A_420 = vector.broadcast %scan3A_37 : i32 to vector<16xi32>
            %parallel_loop3A_421 = arith.andi %parallel_loop3A_404, %parallel_loop3A_420 : vector<16xi32>
            %parallel_loop3A_422 = tpu.bitcast %parallel_loop3A_421 : vector<16xi32> -> vector<16xf32>
            %parallel_loop3A_423 = vector.broadcast %scan3A_37 : i32 to vector<16xi32>
            %parallel_loop3A_424 = arith.andi %parallel_loop3A_410, %parallel_loop3A_423 : vector<16xi32>
            %parallel_loop3A_425 = tpu.bitcast %parallel_loop3A_424 : vector<16xi32> -> vector<16xf32>
            %parallel_loop3A_426 = arith.addf %parallel_loop3A_422, %parallel_loop3A_425 : vector<16xf32>
            %parallel_loop3A_427 = arith.index_cast %parallel_loop3A_132 : i32 to index
            %parallel_loop3A_428 = arith.constant 224 : index
            %parallel_loop3A_429 = tpu.vector_load %arg7[%parallel_loop3A_427, %parallel_loop3A_428] {strides = array<i32>} : memref<128x256xf32, #tpu.memory_space<vmem>>, vector<1x16xf32>,
            %parallel_loop3A_430 = vector.shape_cast %parallel_loop3A_429 : vector<1x16xf32> to vector<16xf32>
            %parallel_loop3A_431 = vector.shape_cast %parallel_loop3A_419 : vector<16xf32> to vector<1x16xf32>
            tpu.vector_store %arg7[%parallel_loop3A_427, %parallel_loop3A_428], %parallel_loop3A_431 {add = true, strides = array<i32>} : memref<128x256xf32, #tpu.memory_space<vmem>>, vector<1x16xf32>,
            %parallel_loop3A_432 = arith.index_cast %parallel_loop3A_132 : i32 to index
            %parallel_loop3A_433 = arith.constant 240 : index
            %parallel_loop3A_434 = tpu.vector_load %arg7[%parallel_loop3A_432, %parallel_loop3A_433] {strides = array<i32>} : memref<128x256xf32, #tpu.memory_space<vmem>>, vector<1x16xf32>,
            %parallel_loop3A_435 = vector.shape_cast %parallel_loop3A_434 : vector<1x16xf32> to vector<16xf32>
            %parallel_loop3A_436 = vector.shape_cast %parallel_loop3A_426 : vector<16xf32> to vector<1x16xf32>
            tpu.vector_store %arg7[%parallel_loop3A_432, %parallel_loop3A_433], %parallel_loop3A_436 {add = true, strides = array<i32>} : memref<128x256xf32, #tpu.memory_space<vmem>>, vector<1x16xf32>,
          } {sc.loop_unroll_factor = 4 : i64, sc.parallel_access}
        } else {
        }
      }
      %scan3A_42 = arith.constant 13 : i32
      %mul3A_43 = arith.constant 1024 : i32
      %mul3A_44 = arith.muli %add3A, %mul3A_43 : i32
      %mul3A_45 = arith.constant 128 : i32
      %mul3A_46 = arith.muli %scan3A_7, %mul3A_45 : i32
      %add3A_47 = arith.addi %mul3A_44, %mul3A_46 : i32
      "tpu.region"() ({
        %run_scoped3A = tpu.sem_alloc : memref<!tpu.dma_semaphore, #tpu.memory_space<semaphore_mem>>
        %dma_start3A_48 = arith.constant 0 : i32
        %dma_start3A_49 = tpu.memref_slice %arg4[%add3A_47, %dma_start3A_48] : memref<32768x256xf32, #tpu.memory_space<hbm>> -> memref<128x256xf32, #tpu.memory_space<hbm>>
        %dma_start3A_50 = arith.constant 0 : i32
        %dma_start3A_51 = tpu.memref_slice %arg4[%add3A_47, %dma_start3A_50] : memref<32768x256xf32, #tpu.memory_space<hbm>> -> memref<128x256xf32, #tpu.memory_space<hbm>>
        tpu.enqueue_dma source(%arg7 : memref<128x256xf32, #tpu.memory_space<vmem>>) target(%dma_start3A_51 : memref<128x256xf32, #tpu.memory_space<hbm>>) target_semaphore(%run_scoped3A : memref<!tpu.dma_semaphore, #tpu.memory_space<semaphore_mem>>)
        %dma_wait3A = arith.constant 0 : i32
        %dma_wait3A_52 = tpu.memref_slice %arg4[%add3A_47, %dma_wait3A] : memref<32768x256xf32, #tpu.memory_space<hbm>> -> memref<128x256xf32, #tpu.memory_space<hbm>>
        %dma_wait3A_53 = arith.constant 0 : i32
        %dma_wait3A_54 = tpu.memref_slice %arg4[%add3A_47, %dma_wait3A_53] : memref<32768x256xf32, #tpu.memory_space<hbm>> -> memref<128x256xf32, #tpu.memory_space<hbm>>
        tpu.wait_dma2 semaphore(%run_scoped3A : memref<!tpu.dma_semaphore, #tpu.memory_space<semaphore_mem>>) src(%arg7 : memref<128x256xf32, #tpu.memory_space<vmem>>) dst(%dma_wait3A_54 : memref<128x256xf32, #tpu.memory_space<hbm>>)
        tpu.yield
      }) : () -> ()
    }
    %scan3A_6 = arith.constant 8 : i32
    return
  }
}

module attributes {stable_mosaic.version = 14 : i64} {
  func.func @_mlp_body(%arg0: i32, %arg1: memref<2048x256xf32, #tpu.memory_space<vmem>>, %arg2: memref<2048x256xf32, #tpu.memory_space<vmem>>, %arg3: memref<2048x1xi32, #tpu.memory_space<vmem>>, %arg4: memref<1x256xf32, #tpu.memory_space<vmem>>, %arg5: memref<32x512xf32, #tpu.memory_space<vmem>>, %arg6: memref<1x32xf32, #tpu.memory_space<vmem>>, %arg7: memref<32x32xf32, #tpu.memory_space<vmem>>, %arg8: memref<1x32xf32, #tpu.memory_space<vmem>>, %arg9: memref<1x32xf32, #tpu.memory_space<vmem>>, %arg10: memref<1x1xf32, #tpu.memory_space<vmem>>, %arg11: memref<2048x1xf32, #tpu.memory_space<vmem>>) attributes {dimension_semantics = [#tpu.dimension_semantics<arbitrary>], iteration_bounds = array<i64: 8>, scalar_prefetch = 0 : i64, scratch_operands = 0 : i64, tpu.core_type = #tpu.core_type<tc>, window_params = [{transform_indices = @transform_0, window_bounds = array<i64: 2048, 256>}, {transform_indices = @transform_1, window_bounds = array<i64: 2048, 256>}, {transform_indices = @transform_2, window_bounds = array<i64: 2048, 1>}, {pipeline_mode = #tpu.pipeline_mode<synchronous>, transform_indices = @transform_3, window_bounds = array<i64: 1, 256>}, {pipeline_mode = #tpu.pipeline_mode<synchronous>, transform_indices = @transform_4, window_bounds = array<i64: 32, 512>}, {pipeline_mode = #tpu.pipeline_mode<synchronous>, transform_indices = @transform_5, window_bounds = array<i64: 1, 32>}, {pipeline_mode = #tpu.pipeline_mode<synchronous>, transform_indices = @transform_6, window_bounds = array<i64: 32, 32>}, {pipeline_mode = #tpu.pipeline_mode<synchronous>, transform_indices = @transform_7, window_bounds = array<i64: 1, 32>}, {pipeline_mode = #tpu.pipeline_mode<synchronous>, transform_indices = @transform_8, window_bounds = array<i64: 1, 32>}, {pipeline_mode = #tpu.pipeline_mode<synchronous>, transform_indices = @transform_9, window_bounds = array<i64: 1, 1>}, {transform_indices = @transform_10, window_bounds = array<i64: 2048, 1>}]} {
    %get3A = arith.constant 0 : index
    %get3A_0 = arith.constant 0 : index
    %get3A_1 = vector.load %arg3[%get3A, %get3A_0] : memref<2048x1xi32, #tpu.memory_space<vmem>>, vector<2048x1xi32>
    %eq3A = arith.constant 0 : i32
    %eq3A_2 = vector.broadcast %eq3A : i32 to vector<2048x1xi32>
    %eq3A_3 = arith.cmpi eq, %get3A_1, %eq3A_2 : vector<2048x1xi32>
    %get3A_4 = arith.constant 0 : index
    %get3A_5 = arith.constant 0 : index
    %get3A_6 = vector.load %arg1[%get3A_4, %get3A_5] : memref<2048x256xf32, #tpu.memory_space<vmem>>, vector<2048x256xf32>
    %get3A_7 = arith.constant 0 : index
    %get3A_8 = arith.constant 0 : index
    %get3A_9 = vector.load %arg4[%get3A_7, %get3A_8] : memref<1x256xf32, #tpu.memory_space<vmem>>, vector<1x256xf32>
    %add3A = vector.broadcast %get3A_9 : vector<1x256xf32> to vector<2048x256xf32>
    %add3A_10 = arith.addf %get3A_6, %add3A : vector<2048x256xf32>
    %get3A_11 = arith.constant 0 : index
    %get3A_12 = arith.constant 0 : index
    %get3A_13 = vector.load %arg2[%get3A_11, %get3A_12] : memref<2048x256xf32, #tpu.memory_space<vmem>>, vector<2048x256xf32>
    %get3A_14 = arith.constant 0 : index
    %get3A_15 = arith.constant 0 : index
    %get3A_16 = vector.load %arg4[%get3A_14, %get3A_15] : memref<1x256xf32, #tpu.memory_space<vmem>>, vector<1x256xf32>
    %add3A_17 = vector.broadcast %get3A_16 : vector<1x256xf32> to vector<2048x256xf32>
    %add3A_18 = arith.addf %get3A_13, %add3A_17 : vector<2048x256xf32>
    %broadcast_in_dim3A = vector.shape_cast %eq3A_3 : vector<2048x1xi1> to vector<2048x1xi1>
    %broadcast_in_dim3A_19 = vector.broadcast %broadcast_in_dim3A : vector<2048x1xi1> to vector<2048x256xi1>
    %select_n3A = arith.select %broadcast_in_dim3A_19, %add3A_10, %add3A_18 : vector<2048x256xi1>, vector<2048x256xf32>
    %broadcast_in_dim3A_20 = vector.shape_cast %eq3A_3 : vector<2048x1xi1> to vector<2048x1xi1>
    %broadcast_in_dim3A_21 = vector.broadcast %broadcast_in_dim3A_20 : vector<2048x1xi1> to vector<2048x256xi1>
    %select_n3A_22 = arith.select %broadcast_in_dim3A_21, %add3A_18, %add3A_10 : vector<2048x256xi1>, vector<2048x256xf32>
    %concatenate3A = tpu.concatenate %select_n3A, %select_n3A_22 in 1 : vector<2048x256xf32>, vector<2048x256xf32> -> vector<2048x512xf32>
    %jit3A = arith.constant 0.000000e+00 : f32
    %jit3A_23 = arith.constant 1.270000e+02 : f32
    %max3A = vector.broadcast %jit3A : f32 to vector<2048x512xf32>
    %max3A_24 = arith.maximumf %max3A, %concatenate3A : vector<2048x512xf32>
    %min3A = vector.broadcast %jit3A_23 : f32 to vector<2048x512xf32>
    %min3A_25 = arith.minimumf %min3A, %max3A_24 : vector<2048x512xf32>
    %get3A_26 = arith.constant 0 : index
    %get3A_27 = arith.constant 0 : index
    %get3A_28 = vector.load %arg5[%get3A_26, %get3A_27] : memref<32x512xf32, #tpu.memory_space<vmem>>, vector<32x512xf32>
    %dot_general3A = arith.constant dense<0.000000e+00> : vector<2048x32xf32>
    %dot_general3A_29 = tpu.matmul %min3A_25, %get3A_28, %dot_general3A {dimension_numbers = #tpu.dot_dimension_numbers<[1], [1], [0], [0], [0, 0, 1, 0], [], []>, precision = #tpu.contract_precision<fp32>, transpose_lhs_hint = false} : vector<2048x512xf32>, vector<32x512xf32>, vector<2048x32xf32> -> vector<2048x32xf32>
    %get3A_30 = arith.constant 0 : index
    %get3A_31 = arith.constant 0 : index
    %get3A_32 = vector.load %arg6[%get3A_30, %get3A_31] : memref<1x32xf32, #tpu.memory_space<vmem>>, vector<1x32xf32>
    %add3A_33 = vector.broadcast %get3A_32 : vector<1x32xf32> to vector<2048x32xf32>
    %add3A_34 = arith.addf %dot_general3A_29, %add3A_33 : vector<2048x32xf32>
    %jit3A_35 = arith.constant 0.000000e+00 : f32
    %jit3A_36 = arith.constant 1.270000e+02 : f32
    %max3A_37 = vector.broadcast %jit3A_35 : f32 to vector<2048x32xf32>
    %max3A_38 = arith.maximumf %max3A_37, %add3A_34 : vector<2048x32xf32>
    %min3A_39 = vector.broadcast %jit3A_36 : f32 to vector<2048x32xf32>
    %min3A_40 = arith.minimumf %min3A_39, %max3A_38 : vector<2048x32xf32>
    %get3A_41 = arith.constant 0 : index
    %get3A_42 = arith.constant 0 : index
    %get3A_43 = vector.load %arg7[%get3A_41, %get3A_42] : memref<32x32xf32, #tpu.memory_space<vmem>>, vector<32x32xf32>
    %dot_general3A_44 = arith.constant dense<0.000000e+00> : vector<2048x32xf32>
    %dot_general3A_45 = tpu.matmul %min3A_40, %get3A_43, %dot_general3A_44 {dimension_numbers = #tpu.dot_dimension_numbers<[1], [1], [0], [0], [0, 0, 1, 0], [], []>, precision = #tpu.contract_precision<fp32>, transpose_lhs_hint = false} : vector<2048x32xf32>, vector<32x32xf32>, vector<2048x32xf32> -> vector<2048x32xf32>
    %get3A_46 = arith.constant 0 : index
    %get3A_47 = arith.constant 0 : index
    %get3A_48 = vector.load %arg8[%get3A_46, %get3A_47] : memref<1x32xf32, #tpu.memory_space<vmem>>, vector<1x32xf32>
    %add3A_49 = vector.broadcast %get3A_48 : vector<1x32xf32> to vector<2048x32xf32>
    %add3A_50 = arith.addf %dot_general3A_45, %add3A_49 : vector<2048x32xf32>
    %jit3A_51 = arith.constant 0.000000e+00 : f32
    %jit3A_52 = arith.constant 1.270000e+02 : f32
    %max3A_53 = vector.broadcast %jit3A_51 : f32 to vector<2048x32xf32>
    %max3A_54 = arith.maximumf %max3A_53, %add3A_50 : vector<2048x32xf32>
    %min3A_55 = vector.broadcast %jit3A_52 : f32 to vector<2048x32xf32>
    %min3A_56 = arith.minimumf %min3A_55, %max3A_54 : vector<2048x32xf32>
    %get3A_57 = arith.constant 0 : index
    %get3A_58 = arith.constant 0 : index
    %get3A_59 = vector.load %arg9[%get3A_57, %get3A_58] : memref<1x32xf32, #tpu.memory_space<vmem>>, vector<1x32xf32>
    %mul3A = vector.broadcast %get3A_59 : vector<1x32xf32> to vector<2048x32xf32>
    %mul3A_60 = arith.mulf %min3A_56, %mul3A : vector<2048x32xf32>
    %reduce_sum3A = arith.constant dense<0.000000e+00> : vector<2048xf32>
    %reduce_sum3A_61 = vector.multi_reduction <add>, %mul3A_60, %reduce_sum3A [1] : vector<2048x32xf32> to vector<2048xf32>
    %broadcast_in_dim3A_62 = vector.shape_cast %reduce_sum3A_61 : vector<2048xf32> to vector<2048x1xf32>
    %get3A_63 = arith.constant 0 : index
    %get3A_64 = arith.constant 0 : index
    %get3A_65 = vector.load %arg10[%get3A_63, %get3A_64] : memref<1x1xf32, #tpu.memory_space<vmem>>, vector<1x1xf32>
    %get3A_66 = vector.extract %get3A_65[0, 0] : f32 from vector<1x1xf32>
    %add3A_67 = vector.broadcast %get3A_66 : f32 to vector<2048x1xf32>
    %add3A_68 = arith.addf %broadcast_in_dim3A_62, %add3A_67 : vector<2048x1xf32>
    %swap3A = arith.constant 0 : index
    %swap3A_69 = arith.constant 0 : index
    %swap3A_70 = vector.load %arg11[%swap3A, %swap3A_69] : memref<2048x1xf32, #tpu.memory_space<vmem>>, vector<2048x1xf32>
    tpu.vector_store %arg11[%swap3A, %swap3A_69], %add3A_68 {strides = array<i32>} : memref<2048x1xf32, #tpu.memory_space<vmem>>, vector<2048x1xf32>,
    return
  }
  func.func @transform_0(%arg0: i32) -> (i32, i32) {
    %c0_i32 = arith.constant 0 : i32
    %c0_i32_0 = arith.constant 0 : i32
    return %arg0, %c0_i32 : i32, i32
  }
  func.func @transform_1(%arg0: i32) -> (i32, i32) {
    %c0_i32 = arith.constant 0 : i32
    %c0_i32_0 = arith.constant 0 : i32
    return %arg0, %c0_i32 : i32, i32
  }
  func.func @transform_2(%arg0: i32) -> (i32, i32) {
    %c0_i32 = arith.constant 0 : i32
    %c0_i32_0 = arith.constant 0 : i32
    return %arg0, %c0_i32 : i32, i32
  }
  func.func @transform_3(%arg0: i32) -> (i32, i32) {
    %c0_i32 = arith.constant 0 : i32
    %c0_i32_0 = arith.constant 0 : i32
    %c0_i32_1 = arith.constant 0 : i32
    return %c0_i32, %c0_i32_0 : i32, i32
  }
  func.func @transform_4(%arg0: i32) -> (i32, i32) {
    %c0_i32 = arith.constant 0 : i32
    %c0_i32_0 = arith.constant 0 : i32
    %c0_i32_1 = arith.constant 0 : i32
    return %c0_i32, %c0_i32_0 : i32, i32
  }
  func.func @transform_5(%arg0: i32) -> (i32, i32) {
    %c0_i32 = arith.constant 0 : i32
    %c0_i32_0 = arith.constant 0 : i32
    %c0_i32_1 = arith.constant 0 : i32
    return %c0_i32, %c0_i32_0 : i32, i32
  }
  func.func @transform_6(%arg0: i32) -> (i32, i32) {
    %c0_i32 = arith.constant 0 : i32
    %c0_i32_0 = arith.constant 0 : i32
    %c0_i32_1 = arith.constant 0 : i32
    return %c0_i32, %c0_i32_0 : i32, i32
  }
  func.func @transform_7(%arg0: i32) -> (i32, i32) {
    %c0_i32 = arith.constant 0 : i32
    %c0_i32_0 = arith.constant 0 : i32
    %c0_i32_1 = arith.constant 0 : i32
    return %c0_i32, %c0_i32_0 : i32, i32
  }
  func.func @transform_8(%arg0: i32) -> (i32, i32) {
    %c0_i32 = arith.constant 0 : i32
    %c0_i32_0 = arith.constant 0 : i32
    %c0_i32_1 = arith.constant 0 : i32
    return %c0_i32, %c0_i32_0 : i32, i32
  }
  func.func @transform_9(%arg0: i32) -> (i32, i32) {
    %c0_i32 = arith.constant 0 : i32
    %c0_i32_0 = arith.constant 0 : i32
    %c0_i32_1 = arith.constant 0 : i32
    return %c0_i32, %c0_i32_0 : i32, i32
  }
  func.func @transform_10(%arg0: i32) -> (i32, i32) {
    %c0_i32 = arith.constant 0 : i32
    %c0_i32_0 = arith.constant 0 : i32
    return %arg0, %c0_i32 : i32, i32
  }
}

</mosaic_0001>

<sc_bundles>
// kernel: kernel.4.cloned.1.call-start
scs
__scs_entry_jumppad:
0x0: {  	(pc) =	sbr.rel $0x88, $3  }
0x1: {  	(tag) =	ssettag $0x0;
	lr =	simm.s32 $0x1  }
0x2: {  	[smem:$0x3F96] =	sst lr;
	_ =	strace $0xD0000000  }
0x3: {  	_ = 	snop  }
0x4: {  	_ = 	snop  }
0x5: {  	_ = 	snop  }
0x6: {  	_ = 	snop  }
0x7: {  	_ = 	snop  }
__scs_overlays_trampoline_lowered:
0x8: {  	[smem:$0x3FA5] =	sst s0  }
0x9: {  	[smem:$0x3FA6] =	sst s1  }
0xa: {  	[smem:$0x3FA7] =	sst s2  }
0xb: {  	[smem:$0x3FA8] =	sst s3  }
0xc: {  	[smem:$0x3FA9] =	sst s4  }
0xd: {  	[smem:$0x3FAA] =	sst s5  }
0xe: {  	[smem:$0x3FAB] =	sst s6  }
0xf: {  	[smem:$0x3FAC] =	sst s7  }
0x10: {  	[smem:$0x3FAD] =	sst s8  }
0x11: {  	[smem:$0x3FAE] =	sst s9;
	s0 =	simm.s32 @!p0 $0x0  }
0x12: {  	s1 =	sld [smem:$0x3F94];
	s0 =	simm.s32 @p0 $0x1  }
0x13: {  	[smem:$0x3FAF] =	sst s0;
	s0 =	simm.s32 @!p1 $0x0  }
0x14: {  	s2 =	sld [smem:$0x3F93];
	s0 =	simm.s32 @p1 $0x1  }
0x15: {  	[smem:$0x3FB0] =	sst s0;
	s0 =	simm.s32 @!p2 $0x0  }
0x16: {  	s3 =	sld [smem:$0x3FDB];
	s0 =	simm.s32 @p2 $0x1  }
0x17: {  	s4 =	simm.s32 $0x1BF5;
	[smem:$0x3FB2] =	sst s0  }
0x18: {  	s0 =	sld [smem:$0x3F95];
	_ =	swait.ge [sflag:s4], $0x0  }
0x19: {  	s7 =	sld [smem:$0x3F96]  }
0x1a: {  	s8 =	sadd.s32 $0xFFFFE003, lr  }
0x1b: {  	s9 =	sadd.s32 $0xFFFFFEF7, lr;
	s5 =	simm.s32 $0xFFFFFFFF;
	p2 =	slt.u32 s8, $0xFFFFF086  }
0x1c: {  	p1 =	slt.u32 s9, $0xF7A;
	s5 =	simm.s32 @!p2 $0x0  }
0x1d: {  	s5 =	simm.s32 @p1 $0x1;
	p0 =	seq.s32 s7, s2  }
0x1e: {  	s7 =	smul.u32 @!p0 $0xF7A, s2;
	p2 =	seq.s32 @!p0 s5, $0x0  }
0x1f: {  	s9 =	smul.u32 $0xF7A, s1;
	s8 =	simm.s32 @!p0 $0x1BF5;
	p2 =	por !p2, p0  }
0x20: {  	[sflag:s8] =	ssyncset.s32 @!p0 $0xFFFFF086;
	s6 =	sadd.s32 @!p0 s3, s7;
	s7 =	simm.s32 @!p0 $0x108  }
0x21: {  	s3 =	sadd.s32 s3, s9;
	s6 =	sadd.s32 @!p0 $0x88, s6;
	s7 =	simm.s32 @p2 $0x1082  }
0x22: {  	[simem:s7], [sflag:s8] =	dma.local @!p0 [hbm:s6], $0xF7A  }
0x23: {  	s9 =	sor.u32 $0xD0000000, s2;
	s6 =	simm.s32 $0x108;
	_ =	swait.ge @!p0 [sflag:s8], $0x0  }
0x24: {  	s3 =	sadd.s32 $0x88, s3;
	s6 =	simm.s32 @!p1 $0x1082;
	[sflag:s4] =	ssyncset.s32 $0xFFFFF086  }
0x25: {  	[simem:s6], [sflag:s4] =	dma.local [hbm:s3], $0xF7A  }
0x26: {  	[smem:$0x3F96] =	sst s1;
	(tag) =	ssettag s2;
	_ =	strace s9  }
0x27: {  	s1 =	sld [smem:$0x3FA6]  }
0x28: {  	s2 =	sld [smem:$0x3FA7]  }
0x29: {  	s4 =	sld [smem:$0x3FA9]  }
0x2a: {  	p0 =	seq.s32 s5, $0x0;
	s5 =	sld [smem:$0x3FAA]  }
0x2b: {  	s6 =	sld [smem:$0x3FAB]  }
0x2c: {  	s7 =	sld [smem:$0x3FAC]  }
0x2d: {  	s3 =	simm.s32 $0x108;
	s8 =	sld [smem:$0x3FAD]  }
0x2e: {  	s3 =	simm.s32 @!p0 $0x1082;
	s9 =	sld [smem:$0x3FAE]  }
0x2f: {  	lr =	sadd.s32 s0, s3;
	s0 =	sld [smem:$0x3FA5]  }
0x30: {  	s3 =	sld [smem:$0x3FA8]  }
0x31: {  	[smem:$0x3FB1] =	sst s10  }
0x32: {  	s10 =	sld [smem:$0x3FAF];
	_ =	sdelay $0x3  }
0x33: {  	p0 =	seq.s32 s10, $0x1;
	s10 =	sld [smem:$0x3FB1];
	_ =	sdelay $0x3  }
0x34: {  	[smem:$0x3FB1] =	sst s10  }
0x35: {  	s10 =	sld [smem:$0x3FB0];
	_ =	sdelay $0x3  }
0x36: {  	p1 =	seq.s32 s10, $0x1;
	s10 =	sld [smem:$0x3FB1];
	_ =	sdelay $0x3  }
0x37: {  	[smem:$0x3FB1] =	sst s10  }
0x38: {  	s10 =	sld [smem:$0x3FB2]  }
0x39: {  	_ = 	snop;
	(pc) =	sbr.ind lr, $3  }
0x3a: {  	_ = 	snop  }
0x3b: {  	_ = 	snop  }
0x3c: {  	p2 =	seq.s32 s10, $0x1;
	s10 =	sld [smem:$0x3FB1]  }
0x3d: {  	_ =	shalt  }
0x3e: {  	_ =	shalt  }
0x3f: {  	_ =	shalt  }
0x40: {  	_ =	shalt  }
0x41: {  	_ =	shalt  }
0x42: {  	_ =	shalt  }
0x43: {  	_ =	shalt  }
0x44: {  	_ =	shalt  }
0x45: {  	_ =	shalt  }
0x46: {  	_ =	shalt  }
0x47: {  	_ =	shalt  }
0x48: {  	_ =	shalt  }
0x49: {  	_ =	shalt  }
0x4a: {  	_ =	shalt  }
0x4b: {  	_ =	shalt  }
0x4c: {  	_ =	shalt  }
0x4d: {  	_ =	shalt  }
0x4e: {  	_ =	shalt  }
0x4f: {  	_ =	shalt  }
0x50: {  	_ =	shalt  }
0x51: {  	_ =	shalt  }
0x52: {  	_ =	shalt  }
0x53: {  	_ =	shalt  }
0x54: {  	_ =	shalt  }
0x55: {  	_ =	shalt  }
0x56: {  	_ =	shalt  }
0x57: {  	_ =	shalt  }
0x58: {  	_ =	shalt  }
0x59: {  	_ =	shalt  }
0x5a: {  	_ =	shalt  }
0x5b: {  	_ =	shalt  }
0x5c: {  	_ =	shalt  }
0x5d: {  	_ =	shalt  }
0x5e: {  	_ =	shalt  }
0x5f: {  	_ =	shalt  }
0x60: {  	_ =	shalt  }
0x61: {  	_ =	shalt  }
0x62: {  	_ =	shalt  }
0x63: {  	_ =	shalt  }
0x64: {  	_ =	shalt  }
0x65: {  	_ =	shalt  }
0x66: {  	_ =	shalt  }
0x67: {  	_ =	shalt  }
0x68: {  	_ =	shalt  }
0x69: {  	_ =	shalt  }
0x6a: {  	_ =	shalt  }
0x6b: {  	_ =	shalt  }
0x6c: {  	_ =	shalt  }
0x6d: {  	_ =	shalt  }
0x6e: {  	_ =	shalt  }
0x6f: {  	_ =	shalt  }
0x70: {  	_ =	shalt  }
0x71: {  	_ =	shalt  }
0x72: {  	_ =	shalt  }
0x73: {  	_ =	shalt  }
0x74: {  	_ =	shalt  }
0x75: {  	_ =	shalt  }
0x76: {  	_ =	shalt  }
0x77: {  	_ =	shalt  }
0x78: {  	_ =	shalt  }
0x79: {  	_ =	shalt  }
0x7a: {  	_ =	shalt  }
0x7b: {  	_ =	shalt  }
0x7c: {  	_ =	shalt  }
0x7d: {  	_ =	shalt  }
0x7e: {  	_ =	shalt  }
0x7f: {  	_ =	shalt  }
0x80: {  	_ =	shalt  }
0x81: {  	_ =	shalt  }
0x82: {  	_ =	shalt  }
0x83: {  	_ =	shalt  }
0x84: {  	_ =	shalt  }
0x85: {  	_ =	shalt  }
0x86: {  	_ =	shalt  }
0x87: {  	_ =	shalt  }
.Lfunc_end0:
.L_simem_size_0:
called_computation_lowered:
.L_overlay_start_0:
0x88: {  	s2 =	sld [smem:$0x3FD9]  }
0x89: {  	s3 =	sld [smem:$0x3FFE];
	_ =	sdelay $0x1  }
0x8a: {  	s1 =	srdreg.scid  }
0x8b: {  	s0 =	sand.u32 $0x1, s1  }
0x8c: {  	s16 =	sshll.u32 s0, $0xA;
	s2 =	sadd.s32 s3, s2  }
0x8d: {  	s2 =	sadd.s32 s2, s16  }
0x8e: {  	[smem:$0x3FBD] =	sst s2  }
0x8f: {  	_ = 	snop  }
0x90: {  	(tm) =	ssettm $0x1  }
0x91: {  	s17 =	sld [smem:$0x3FFB];
	_ =	sdelay $0x3  }
0x92: {  	_ =	strace s17  }
0x93: {  	s2 =	sld [smem:$0x3FFC];
	_ =	sdelay $0x3  }
0x94: {  	_ =	strace s2  }
0x95: {  	s2 =	sld [smem:$0x3FFD];
	_ =	sdelay $0x3  }
0x96: {  	_ =	strace s2  }
0x97: {  	_ =	strace $0x8FFFFFFF  }
0x98: {  	s18 =	sld [smem:$0x3FDB];
	_ =	sdelay $0x1  }
0x99: {  	s19 =	simm.s32 $_scs_section_size  }
0x9a: {  	s4 =	simm.s32 $_size__tile_overlayer_lowered;
	s5 =	simm.s32 $_tile_overlayer_lowered  }
0x9b: {  	s22 =	simm.s32 $0x1BFF;
	s21 =	sshll.u32 s5, $0x1;
	s2 =	sadd.s32 s19, s18  }
0x9c: {  	s6 =	simm.s32 $0x0;
	s20 =	sshll.u32 s4, $0x1;
	s4 =	sadd.s32 s21, s2  }
0x9d: {  	[timem:s6], [sflag:s22] =	dma.local [hbm:s4], s20  }
0x9e: {  	_ =	swait.ge [sflag:s22], s20  }
0x9f: {  	s3 =	ssub.s32 $0x0, s20;
	[sflag:s22] =	ssyncset.done $0x0  }
0xa0: {  	[sflag:s22] =	ssyncadd.s32 s3;
	_ =	sdelay $0x1  }
0xa1: {  	s23 =	simm.s32 $0x1B8B  }
0xa2: {  	_ =	swait.ge [sflag:s23], $0x1  }
0xa3: {  	[sflag:s23] =	ssyncset.done $0x0  }
0xa4: {  	s25 =	simm.s32 $0x1B8E;
	s24 =	sld [smem:$0x3FFE];
	[sflag:s23] =	ssyncadd.s32 $0xFFFFFFFF  }
0xa5: {  	s26 =	simm.s32 $execute0_lowered;
	[smem:$0x3FD2] =	sst s25  }
0xa6: {  	s4 =	sshll.u32 s26, $0x1;
	_ =	strace $0x80000046;
	[dreg:$0x1] =	wrdreg $0xFFFFFFFF  }
0xa7: {  	s28 =	simm.s32 $_size_execute0_lowered;
	s2 =	sadd.s32 s2, s4;
	[dreg:$0x0] =	wrdreg $0x0  }
0xa8: {  	s4 =	sshll.u32 s28, $0x1;
	[dreg:$0x2] =	wrdreg s2  }
0xa9: {  	[dreg:$0x3] =	wrdreg s4  }
0xaa: {  	[dreg:$0x4] =	wrdreg $0xC0  }
0xab: {  	_ =	task [dreg:s6], $0x5FFFF  }
0xac: {  	[dreg:$0x1] =	wrdreg $0xFFFFFFFF  }
0xad: {  	[dreg:$0x0] =	wrdreg $0x60  }
0xae: {  	[dreg:$0x2] =	wrdreg s24  }
0xaf: {  	[dreg:$0x3] =	wrdreg $0x9  }
0xb0: {  	_ =	task.clear_ibuf [dreg:s6], $0x4FFFF;
	_ =	strace $0x90000046  }
0xb1: {  	s29 =	simm.s32 $0x9;
	_ =	strace $0x80000048  }
0xb2: {  	_ =	swait.ge [sflag:s29], $0x1  }
0xb3: {  	[sflag:s29] =	ssyncadd.s32 $0xFFFFFFFF  }
0xb4: {  	_ =	strace $0x90000048  }
0xb5: {  	_ =	sfence  }
0xb6: {  	s30 =	sld [smem:$0x0];
	_ =	sdelay $0x2  }
0xb7: {  	s31 =	sshll.u32 s1, $0xD;
	s1 =	sshrl.u32 s1, $0x2  }
0xb8: {  	s3 =	sand.u32 $0x4000, s31;
	s1 =	sadd.s32 s1, s30  }
0xb9: {  	s0 =	sor.u32 s3, s0;
	s1 =	sshll.u32 s1, $0x11  }
0xba: {  	s0 =	sor.u32 s1, s0  }
0xbb: {  	s0 =	sadd.s32 $0x8F2B, s0  }
0xbc: {  	[sflag:s0] =	ssyncadd.remote.s32 $0x1  }
0xbd: {  	_ =	sfence.sel $0xFFFF  }
0xbe: {  	[dreg:$0x0] =	wrdreg $0xFFFFFFFF;
	(pc) =	sbr.abs _section_cstart, $3  }
0xbf: {  	[dreg:$0x1] =	wrdreg $0xFFFFFFFF  }
0xc0: {  	_ =	task.clear_ibuf [dreg:s6], $0x2FFFF;
	_ =	strace $0x9FFFFFFF  }
0xc1: {  	(tm) =	ssettm $0x7FFFFFFF  }
tec
execute0_lowered:
.L_overlay_start_1:
0x0: {  	(tag) =	ssettag $0x1  }
0x1: {  	s0 =	rddreg [dreg:$0x0]  }
0x2: {  	s3 =	simm.s32 $0x0;
	s1 =	srdreg.scid;
	s2 =	stileid.u32  }
0x3: {  	[smem:$0x7FF] =	sst s3;
	s1 =	sand.u32 $0x1, s1;
	s28 =	sadd.s32 $0x187A00, s0  }
0x4: {  	s2 =	sshll.u32 s2, $0x1;
	s4 =	sadd.s32 $0xE00, s0;
	_ =	strace $0x80000047  }
0x5: {  	s2 =	sor.u32 s1, s2;
	[smem:$0x7F9] =	sst s28;
	s1 =	ssub.s32 $0x2, s1  }
.Ltmp0:
0x6: {  	[smem:$0x7FA] =	sst s4;
	s29 =	sshll.u32 s2, $0xF;
	(pc) =	sbr.rel .LBB2_1-.Ltmp0, $4  }
0x7: {  	s30 =	sshrl.u32 s1, $0x1;
	s2 =	sshll.u32 s2, $0x3;
	s0 =	sadd.s32 s29, s0  }
0x8: {  	s1 =	ssub.s32 s1, s30;
	[smem:$0x7FB] =	sst s2;
	s0 =	sadd.s32 $0x1BFA00, s0  }
0x9: {  	s31 =	smax.u32 s1, $0x1;
	[smem:$0x7FC] =	sst s0  }
0xa: {  	v0 =	vimm.f32 $0.0e+00;
	s2 =	simm.s32 $0x3;
	s1 =	simm.s32 $0x0;
	[smem:$0x7FD] =	sst s31  }
.LBB2_13:
0xb: {  	s1 =	sld [smem:$0x7F8]  }
0xc: {  	s0 =	sld [smem:$0x7FD];
	_ =	sdelay $0x1  }
0xd: {  	s1 =	sadd.s32 $0x1, s1  }
0xe: {  	p0 =	sne.s32 s1, s0  }
.Ltmp1:
0xf: {  	_ = 	snop;
	(pc) =	sbr.rel @!p0 .LBB2_14-.Ltmp1, $1  }
0x10: {  	_ =	sdelay $0x3  }
.LBB2_1:
.Ltmp2:
0x11: {  	(pc) =	sbr.rel .LBB2_2-.Ltmp2, $2  }
0x12: {  	_ =	sdelay $0x2  }
0x13: {  	[smem:$0x7F8] =	sst s1;
	s3 =	simm.s32 $0x0  }
.LBB2_12:
0x14: {  	s3 =	sld [smem:$0x7F7]  }
0x15: {  	s1 =	sld [smem:$0x7FC];
	_ =	sdelay $0x1  }
0x16: {  	s31 =	simm.s32 $0x0;
	s0 =	sshll.u32 s3, $0xC;
	s3 =	sadd.s32 $0x1, s3  }
0x17: {  	s2 =	simm.s32 $0x11C00;
	s0 =	sadd.s32 s0, s1;
	p0 =	sne.s32 s3, $0x8  }
0x18: {  	[hbm4b:s0+s31] =	stream.linear.scatter [tilespmem:s2], [sflag:$0x3], $0x8000, $0x38;
	[tilespmem:$0x19C00] =	vst v63  }
.Ltmp3:
0x19: {  	_ = 	snop;
	(pc) =	sbr.rel @!p0 .LBB2_13-.Ltmp3, $4  }
0x1a: {  	s2 =	simm.s32 $0x3  }
0x1b: {  	_ =	swait.ge [sflag:s2], $0x8000  }
0x1c: {  	[sflag:s2] =	ssyncset.done $0x0  }
0x1d: {  	[sflag:s2] =	ssyncadd.s32 $0xFFFF8000  }
.LBB2_2:
0x1e: {  	s0 =	sld [smem:$0x7FB];
	_ =	sdelay $0x2  }
0x1f: {  	s1 =	sld [smem:$0x7F9];
	s0 =	sadd.s32 s0, s3  }
0x20: {  	s0 =	smul.u32 $0x380, s0;
	_ =	sdelay $0x1  }
0x21: {  	[smem:$0x7F7] =	sst s3;
	s30 =	simm.s32 $0x0;
	s0 =	sadd.s32 s1, s0  }
0x22: {  	[tilespmem:s30], [sflag:$0x3] =	stream.linear.gather [hbm4b:s0+s30], $0x1900, $0x38;
	[tilespmem:$0x19C00] =	vst v63  }
0x23: {  	_ =	swait.ge [sflag:s2], $0x1900  }
0x24: {  	s31 =	sand.u32 $0x7800, s30;
	s1 =	sand.u32 $0x300, s30;
	[sflag:s2] =	ssyncset.done $0x0  }
0x25: {  	s1 =	sor.u32 s1, s31;
	[sflag:s2] =	ssyncadd.s32 $0xFFFFE700  }
0x26: {  	s0 =	sadd.s32 $0x11C00, s1;
	[tilespmem:s1+$0x11C00] =	vst v0  }
0x27: {  	[tilespmem:s0+$0x4F0] =	vst v0  }
0x28: {  	[tilespmem:s0+$0x80] =	vst v0  }
0x29: {  	[tilespmem:s0+$0x90] =	vst v0  }
0x2a: {  	[tilespmem:s0+$0xA0] =	vst v0  }
0x2b: {  	[tilespmem:s0+$0xB0] =	vst v0  }
0x2c: {  	[tilespmem:s0+$0xC0] =	vst v0  }
0x2d: {  	[tilespmem:s0+$0xD0] =	vst v0  }
0x2e: {  	[tilespmem:s0+$0xE0] =	vst v0  }
0x2f: {  	[tilespmem:s0+$0xF0] =	vst v0  }
0x30: {  	[tilespmem:s0+$0x480] =	vst v0  }
0x31: {  	[tilespmem:s0+$0x490] =	vst v0  }
0x32: {  	[tilespmem:s0+$0x4A0] =	vst v0  }
0x33: {  	[tilespmem:s0+$0x4B0] =	vst v0  }
0x34: {  	[tilespmem:s0+$0x4C0] =	vst v0  }
0x35: {  	[tilespmem:s0+$0x10] =	vst v0  }
0x36: {  	[tilespmem:s0+$0x20] =	vst v0  }
0x37: {  	[tilespmem:s0+$0x30] =	vst v0  }
0x38: {  	[tilespmem:s0+$0x40] =	vst v0  }
0x39: {  	[tilespmem:s0+$0x50] =	vst v0  }
0x3a: {  	[tilespmem:s0+$0x60] =	vst v0  }
0x3b: {  	[tilespmem:s0+$0x70] =	vst v0  }
0x3c: {  	[tilespmem:s0+$0x400] =	vst v0  }
0x3d: {  	[tilespmem:s0+$0x410] =	vst v0  }
0x3e: {  	[tilespmem:s0+$0x420] =	vst v0  }
0x3f: {  	[tilespmem:s0+$0x430] =	vst v0  }
0x40: {  	[tilespmem:s0+$0x440] =	vst v0  }
0x41: {  	[tilespmem:s0+$0x450] =	vst v0  }
0x42: {  	[tilespmem:s0+$0x460] =	vst v0  }
0x43: {  	s3 =	simm.s32 $0x200;
	s2 =	simm.s32 $0x100;
	s1 =	simm.s32 $0x0;
	[tilespmem:s0+$0x470] =	vst v0  }
.LBB2_3:
0x44: {  	s4 =	sand.u32 $0x7800, s3;
	s5 =	sand.u32 $0x300, s2;
	s1 =	sadd.s32 $0x2, s1;
	[tilespmem:s0+$0x4D0] =	vst v0  }
0x45: {  	s4 =	sor.u32 s5, s4;
	p0 =	slt.u32 s1, $0x7E;
	[tilespmem:s0+$0x4E0] =	vst v0  }
0x46: {  	s0 =	sadd.s32 $0x11C00, s4;
	[tilespmem:s4+$0x11C00] =	vst v0  }
0x47: {  	[tilespmem:s0+$0x4F0] =	vst v0  }
0x48: {  	[tilespmem:s0+$0x10] =	vst v0  }
0x49: {  	[tilespmem:s0+$0x20] =	vst v0  }
0x4a: {  	[tilespmem:s0+$0x30] =	vst v0  }
0x4b: {  	[tilespmem:s0+$0x40] =	vst v0  }
0x4c: {  	[tilespmem:s0+$0x50] =	vst v0  }
0x4d: {  	[tilespmem:s0+$0x60] =	vst v0  }
0x4e: {  	[tilespmem:s0+$0x70] =	vst v0  }
0x4f: {  	[tilespmem:s0+$0x400] =	vst v0  }
0x50: {  	[tilespmem:s0+$0x410] =	vst v0  }
0x51: {  	[tilespmem:s0+$0x420] =	vst v0  }
0x52: {  	[tilespmem:s0+$0x430] =	vst v0  }
0x53: {  	[tilespmem:s0+$0x440] =	vst v0  }
0x54: {  	[tilespmem:s0+$0x450] =	vst v0  }
0x55: {  	[tilespmem:s0+$0x460] =	vst v0  }
0x56: {  	[tilespmem:s0+$0x470] =	vst v0  }
0x57: {  	[tilespmem:s0+$0x80] =	vst v0  }
0x58: {  	[tilespmem:s0+$0x90] =	vst v0  }
0x59: {  	[tilespmem:s0+$0xA0] =	vst v0  }
0x5a: {  	[tilespmem:s0+$0xB0] =	vst v0  }
0x5b: {  	[tilespmem:s0+$0xC0] =	vst v0  }
0x5c: {  	[tilespmem:s0+$0xD0] =	vst v0  }
0x5d: {  	[tilespmem:s0+$0xE0] =	vst v0  }
0x5e: {  	[tilespmem:s0+$0xF0] =	vst v0  }
.Ltmp4:
0x5f: {  	[tilespmem:s0+$0x480] =	vst v0;
	(pc) =	sbr.rel @p0 .LBB2_3-.Ltmp4, $4  }
0x60: {  	[tilespmem:s0+$0x490] =	vst v0  }
0x61: {  	[tilespmem:s0+$0x4A0] =	vst v0  }
0x62: {  	[tilespmem:s0+$0x4B0] =	vst v0  }
0x63: {  	s2 =	sadd.s32 $0x100, s2;
	s3 =	sadd.s32 $0x200, s3;
	[tilespmem:s0+$0x4C0] =	vst v0  }
0x64: {  	[tilespmem:s0+$0x4D0] =	vst v0  }
0x65: {  	[tilespmem:s0+$0x4E0] =	vst v0  }
0x66: {  	s0 =	sld [smem:$0x7FA]  }
.Ltmp5:
0x67: {  	_ = 	snop;
	(pc) =	sbr.rel .LBB2_5-.Ltmp5, $4  }
0x68: {  	s3 =	simm.s32 $0x0;
	s1 =	simm.s32 $0x80;
	s2 =	simm.s32 $0x1C00  }
0x69: {  	[tilespmem:s2], [sflag:$0x1] =	stream.indirect.gather [hbm4b:s0+s1], $0x80, s3, s1, $0xb8;
	[tilespmem:$0x19C00] =	vst v63  }
0x6a: {  	s31 =	simm.s32 $0x5C00;
	s5 =	simm.s32 $0x0  }
0x6b: {  	[tilespmem:s31], [sflag:$0x1] =	stream.indirect.gather [hbm4b:s0+s1], $0x80, s1, s1, $0xb8;
	[tilespmem:$0x19C00] =	vst v63  }
.LBB2_10:
0x6c: {  	[tilespmem:s8+$0x11C00] =	vst.add.f32.msk $0xffff, v4  }
0x6d: {  	[tilespmem:s15+$0x11C00] =	vst.add.f32.msk $0xffff, v2  }
0x6e: {  	v3 =	vadd.f32 v6, v3;
	v2 =	vld [tilespmem:s19+$0xFFFFFE80]  }
0x6f: {  	v1 =	vadd.f32 v5, v1;
	s0 =	rddreg [dreg:$0x3];
	v4 =	vld [tilespmem:s19+$0xFFFFFF00]  }
0x70: {  	[tilespmem:s0+$0x11C00] =	vst.add.f32.msk $0xffff, v3  }
0x71: {  	[tilespmem:s31+$0x11C00] =	vst.add.f32.msk $0xffff, v1  }
0x72: {  	v1 =	vld [tilespmem:s19+$0xFFFFBE80]  }
0x73: {  	v3 =	vld [tilespmem:s19+$0xFFFFBF00]  }
0x74: {  	v57 =	vld [tilespmem:s19+$0xFFFFBF80]  }
0x75: {  	v58 =	vld [tilespmem:s19+$0xFFFFFF80];
	_ =	sdelay $0x1  }
0x76: {  	v8 =	vshll.u32 v2, $0x10;
	v7 =	vshll.u32 v1, $0x10  }
0x77: {  	v2 =	vand.u32 $0xFFFF0000, v2;
	v1 =	vand.u32 $0xFFFF0000, v1;
	v7 =	vadd.f32 v8, v7  }
0x78: {  	v59 =	vshll.u32 v3, $0x10;
	v1 =	vadd.f32 v2, v1;
	v2 =	vshll.u32 v4, $0x10  }
0x79: {  	v60 =	vshll.u32 v57, $0x10;
	v61 =	vshll.u32 v58, $0x10;
	v2 =	vadd.f32 v2, v59;
	[tilespmem:s11+$0x11C00] =	vst.add.f32.msk $0xffff, v7  }
0x7a: {  	v3 =	vand.u32 $0xFFFF0000, v3;
	v4 =	vand.u32 $0xFFFF0000, v4;
	v63 =	vadd.f32 v61, v60;
	[tilespmem:s10+$0x11C00] =	vst.add.f32.msk $0xffff, v1  }
0x7b: {  	v62 =	vand.u32 $0xFFFF0000, v58;
	v3 =	vadd.f32 v4, v3;
	v1 =	vand.u32 $0xFFFF0000, v57;
	[tilespmem:s12+$0x11C00] =	vst.add.f32.msk $0xffff, v2  }
0x7c: {  	[tilespmem:s9+$0x11C00] =	vst.add.f32.msk $0xffff, v63;
	v1 =	vadd.f32 v62, v1  }
0x7d: {  	[tilespmem:s2+$0x11C00] =	vst.add.f32.msk $0xffff, v3  }
0x7e: {  	[tilespmem:s3+$0x11C00] =	vst.add.f32.msk $0xffff, v1  }
0x7f: {  	s5 =	sld [smem:$0x7F6]  }
.LBB2_11:
0x80: {  	_ =	sdelay $0x1  }
0x81: {  	s5 =	sadd.s32 $0x1, s5  }
0x82: {  	p0 =	sne.s32 s5, $0xD  }
.Ltmp6:
0x83: {  	_ = 	snop;
	(pc) =	sbr.rel @!p0 .LBB2_12-.Ltmp6, $1  }
0x84: {  	_ =	sdelay $0x3  }
.LBB2_5:
0x85: {  	s0 =	sshllo.u32 s5, $0x1  }
0x86: {  	s3 =	sld [smem:$0x7FA];
	p0 =	sgt.u32 s0, $0x18  }
0x87: {  	[smem:$0x7F6] =	sst s5;
	s0 =	sshll.u32 @!p0 s0, $0x8  }
0x88: {  	s1 =	simm.s32 @!p0 $0x80;
	s2 =	simm.s32 @!p0 $0x9C00;
	s0 =	sand.u32 @!p0 $0x3FFFFF00, s0  }
0x89: {  	[tilespmem:s2], [sflag:$0x2] =	stream.indirect.gather @!p0 [hbm4b:s3+s1], $0x80, s0, s1, $0xb8;
	[tilespmem:$0x19C00] =	vst v63  }
0x8a: {  	s7 =	simm.s32 $0x1;
	s0 =	sor.u32 @!p0 $0x80, s0;
	s2 =	simm.s32 @!p0 $0xDC00  }
0x8b: {  	[tilespmem:s2], [sflag:$0x2] =	stream.indirect.gather @!p0 [hbm4b:s3+s1], $0x80, s0, s1, $0xb8;
	[tilespmem:$0x19C00] =	vst v63  }
0x8c: {  	_ =	swait.ge [sflag:s7], $0x4000  }
0x8d: {  	[sflag:s7] =	ssyncset.done $0x0  }
0x8e: {  	[sflag:s7] =	ssyncadd.s32 $0xFFFFC000  }
0x8f: {  	_ =	swait.ge [sflag:s7], $0x4000  }
0x90: {  	[sflag:s7] =	ssyncset.done $0x0  }
0x91: {  	s21 =	simm.s32 $0x5DF0;
	[sflag:s7] =	ssyncadd.s32 $0xFFFFC000  }
0x92: {  	v1 =	vld [tilespmem:s21+$0xFFFFBF90]  }
0x93: {  	v2 =	vld [tilespmem:s21+$0xFFFFFF90];
	_ =	sdelay $0x1  }
0x94: {  	v3 =	vld [tilespmem:s21+$0xFFFFBE10]  }
0x95: {  	v4 =	vld [tilespmem:s21+$0xFFFFFE10]  }
0x96: {  	s7 =	simm.s32 $0x0;
	v5 =	vld [tilespmem:s21+$0xFFFFBE90]  }
0x97: {  	s20 =	simm.s32 $0x180;
	v6 =	vld [tilespmem:s21+$0xFFFFFE90];
	s8 =	sand.u32 $0x7800, s7;
	v7 =	vshll.u32 v1, $0x10;
	v8 =	vshll.u32 v2, $0x10  }
0x98: {  	s10 =	sand.u32 $0x380, s20;
	v9 =	vld [tilespmem:s21+$0xFFFFBF10];
	s9 =	sadd.s32 $0x11C00, s8;
	v1 =	vand.u32 $0xFFFF0000, v1;
	v2 =	vand.u32 $0xFFFF0000, v2;
	v7 =	vadd.f32 v8, v7  }
0x99: {  	s0 =	sor.u32 s10, s9;
	v8 =	vld [tilespmem:s21+$0xFFFFFF10];
	v1 =	vadd.f32 v2, v1  }
0x9a: {  	s11 =	sor.u32 $0x10, s0;
	[tilespmem:s0+$0x0] =	vst.add.f32.msk $0xffff, v7  }
0x9b: {  	[tilespmem:s11+$0x0] =	vst.add.f32.msk $0xffff, v1  }
0x9c: {  	v1 =	vld [tilespmem:s21+$0xFFFFBFA0]  }
0x9d: {  	s12 =	simm.s32 $0x0;
	v2 =	vshll.u32 v3, $0x10;
	v7 =	vshll.u32 v4, $0x10;
	v10 =	vld [tilespmem:s21+$0xFFFFFFA0]  }
0x9e: {  	s1 =	sand.u32 $0x200, s12;
	v3 =	vand.u32 $0xFFFF0000, v3;
	v4 =	vand.u32 $0xFFFF0000, v4;
	v2 =	vadd.f32 v7, v2  }
0x9f: {  	s13 =	simm.s32 $0x80;
	s1 =	sor.u32 s1, s9;
	v11 =	vshll.u32 v6, $0x10;
	v7 =	vshll.u32 v5, $0x10;
	v3 =	vadd.f32 v4, v3  }
0xa0: {  	s2 =	sand.u32 $0x280, s13;
	s4 =	sor.u32 $0x10, s1;
	v4 =	vand.u32 $0xFFFF0000, v5;
	v5 =	vand.u32 $0xFFFF0000, v6;
	[tilespmem:s1+$0x0] =	vst.add.f32.msk $0xffff, v2;
	v2 =	vadd.f32 v11, v7  }
0xa1: {  	s14 =	simm.s32 $0x100;
	s2 =	sor.u32 s2, s9;
	v6 =	vshll.u32 v9, $0x10;
	v4 =	vadd.f32 v5, v4;
	v7 =	vshll.u32 v8, $0x10;
	[tilespmem:s4+$0x0] =	vst.add.f32.msk $0xffff, v3  }
0xa2: {  	s15 =	sand.u32 $0x300, s14;
	s16 =	sor.u32 $0x10, s2;
	v3 =	vadd.f32 v7, v6;
	[tilespmem:s2+$0x0] =	vst.add.f32.msk $0xffff, v2;
	v2 =	vshll.u32 v1, $0x10;
	v5 =	vshll.u32 v10, $0x10  }
0xa3: {  	s3 =	sor.u32 s15, s9;
	[tilespmem:s16+$0x0] =	vst.add.f32.msk $0xffff, v4;
	v1 =	vand.u32 $0xFFFF0000, v1;
	v4 =	vand.u32 $0xFFFF0000, v10;
	v2 =	vadd.f32 v5, v2  }
0xa4: {  	s17 =	sor.u32 $0x20, s0;
	[tilespmem:s3+$0x0] =	vst.add.f32.msk $0xffff, v3;
	v1 =	vadd.f32 v4, v1  }
0xa5: {  	s18 =	sor.u32 $0x30, s0;
	[tilespmem:s17+$0x0] =	vst.add.f32.msk $0xffff, v2  }
0xa6: {  	v3 =	vand.u32 $0xFFFF0000, v8;
	v2 =	vand.u32 $0xFFFF0000, v9;
	[tilespmem:s18+$0x0] =	vst.add.f32.msk $0xffff, v1  }
0xa7: {  	v1 =	vadd.f32 v3, v2;
	v2 =	vld [tilespmem:s21+$0xFFFFBFB0]  }
0xa8: {  	v3 =	vld [tilespmem:s21+$0xFFFFFFB0]  }
0xa9: {  	v6 =	vld [tilespmem:s21+$0xFFFFFEA0]  }
0xaa: {  	v4 =	vld [tilespmem:s21+$0xFFFFFE20]  }
0xab: {  	s19 =	sor.u32 $0x10, s3;
	v5 =	vld [tilespmem:s21+$0xFFFFBEA0]  }
0xac: {  	[tilespmem:s19+$0x0] =	vst.add.f32.msk $0xffff, v1  }
0xad: {  	v1 =	vld [tilespmem:s21+$0xFFFFBE20];
	v7 =	vshll.u32 v2, $0x10;
	v8 =	vshll.u32 v3, $0x10  }
0xae: {  	v47 =	vld [tilespmem:s21+$0xFFFFBF20];
	v2 =	vand.u32 $0xFFFF0000, v2;
	v3 =	vand.u32 $0xFFFF0000, v3;
	v7 =	vadd.f32 v8, v7  }
0xaf: {  	s22 =	sor.u32 $0x40, s0;
	v8 =	vld [tilespmem:s21+$0xFFFFFF20];
	v2 =	vadd.f32 v3, v2  }
0xb0: {  	s23 =	sor.u32 $0x50, s0;
	[tilespmem:s22+$0x0] =	vst.add.f32.msk $0xffff, v7  }
0xb1: {  	[tilespmem:s23+$0x0] =	vst.add.f32.msk $0xffff, v2  }
0xb2: {  	v2 =	vld [tilespmem:s21+$0xFFFFBFC0]  }
0xb3: {  	v3 =	vshll.u32 v1, $0x10;
	v7 =	vshll.u32 v4, $0x10;
	v48 =	vld [tilespmem:s21+$0xFFFFFFC0]  }
0xb4: {  	v1 =	vand.u32 $0xFFFF0000, v1;
	v4 =	vand.u32 $0xFFFF0000, v4;
	v3 =	vadd.f32 v7, v3  }
0xb5: {  	s24 =	sor.u32 $0x20, s1;
	v49 =	vshll.u32 v6, $0x10;
	v7 =	vshll.u32 v5, $0x10;
	v1 =	vadd.f32 v4, v1  }
0xb6: {  	s25 =	sor.u32 $0x30, s1;
	v4 =	vand.u32 $0xFFFF0000, v5;
	v5 =	vand.u32 $0xFFFF0000, v6;
	v6 =	vadd.f32 v49, v7;
	[tilespmem:s24+$0x0] =	vst.add.f32.msk $0xffff, v3  }
0xb7: {  	s26 =	sor.u32 $0x20, s2;
	v4 =	vadd.f32 v5, v4;
	v3 =	vshll.u32 v47, $0x10;
	v7 =	vshll.u32 v8, $0x10;
	[tilespmem:s25+$0x0] =	vst.add.f32.msk $0xffff, v1  }
0xb8: {  	s28 =	sor.u32 $0x30, s2;
	v1 =	vadd.f32 v7, v3;
	[tilespmem:s26+$0x0] =	vst.add.f32.msk $0xffff, v6;
	v3 =	vshll.u32 v2, $0x10;
	v5 =	vshll.u32 v48, $0x10  }
0xb9: {  	s29 =	sor.u32 $0x20, s3;
	[tilespmem:s28+$0x0] =	vst.add.f32.msk $0xffff, v4;
	v2 =	vand.u32 $0xFFFF0000, v2;
	v4 =	vand.u32 $0xFFFF0000, v48;
	v3 =	vadd.f32 v5, v3  }
0xba: {  	s5 =	sor.u32 $0x60, s0;
	[tilespmem:s29+$0x0] =	vst.add.f32.msk $0xffff, v1;
	v1 =	vadd.f32 v4, v2  }
0xbb: {  	s0 =	sor.u32 $0x70, s0;
	[tilespmem:s5+$0x0] =	vst.add.f32.msk $0xffff, v3  }
0xbc: {  	v2 =	vand.u32 $0xFFFF0000, v47;
	v3 =	vand.u32 $0xFFFF0000, v8;
	[tilespmem:s0+$0x0] =	vst.add.f32.msk $0xffff, v1  }
0xbd: {  	v1 =	vadd.f32 v3, v2;
	v2 =	vld [tilespmem:s21+$0xFFFFBFD0]  }
0xbe: {  	v3 =	vld [tilespmem:s21+$0xFFFFFFD0]  }
0xbf: {  	v6 =	vld [tilespmem:s21+$0xFFFFFEB0]  }
0xc0: {  	s6 =	sor.u32 $0x30, s3;
	v4 =	vld [tilespmem:s21+$0xFFFFFE30]  }
0xc1: {  	s8 =	sand.u32 $0x7, s7;
	[tilespmem:s6+$0x0] =	vst.add.f32.msk $0xffff, v1  }
0xc2: {  	s0 =	sshll.u32 s8, $0x7;
	v1 =	vld [tilespmem:s21+$0xFFFFBE30]  }
0xc3: {  	v5 =	vld [tilespmem:s21+$0xFFFFBEB0];
	s9 =	sadd.s32 $0x0, s0;
	v7 =	vshll.u32 v2, $0x10;
	v8 =	vshll.u32 v3, $0x10  }
0xc4: {  	s0 =	sadd.s32 $0x180, s9;
	v50 =	vld [tilespmem:s21+$0xFFFFBF30];
	v2 =	vand.u32 $0xFFFF0000, v2;
	v3 =	vand.u32 $0xFFFF0000, v3;
	v7 =	vadd.f32 v8, v7  }
0xc5: {  	s10 =	sor.u32 $0x400, s0;
	v8 =	vld [tilespmem:s21+$0xFFFFFF30];
	v2 =	vadd.f32 v3, v2  }
0xc6: {  	s11 =	sor.u32 $0x410, s0;
	[tilespmem:s10+$0x11C00] =	vst.add.f32.msk $0xffff, v7  }
0xc7: {  	v3 =	vshll.u32 v1, $0x10;
	v7 =	vshll.u32 v4, $0x10;
	[tilespmem:s11+$0x11C00] =	vst.add.f32.msk $0xffff, v2  }
0xc8: {  	v1 =	vand.u32 $0xFFFF0000, v1;
	v2 =	vand.u32 $0xFFFF0000, v4;
	v3 =	vadd.f32 v7, v3;
	v4 =	vld [tilespmem:s21+$0xFFFFBFE0]  }
0xc9: {  	s12 =	sor.u32 $0x40, s1;
	v51 =	vshll.u32 v6, $0x10;
	v7 =	vshll.u32 v5, $0x10;
	v1 =	vadd.f32 v2, v1;
	v2 =	vld [tilespmem:s21+$0xFFFFFFE0]  }
0xca: {  	v6 =	vand.u32 $0xFFFF0000, v6;
	s6 =	sor.u32 $0x50, s1;
	v5 =	vand.u32 $0xFFFF0000, v5;
	v7 =	vadd.f32 v51, v7;
	[tilespmem:s12+$0x0] =	vst.add.f32.msk $0xffff, v3  }
0xcb: {  	s13 =	sor.u32 $0x40, s2;
	v5 =	vadd.f32 v6, v5;
	v3 =	vshll.u32 v50, $0x10;
	v52 =	vshll.u32 v8, $0x10;
	[tilespmem:s6+$0x0] =	vst.add.f32.msk $0xffff, v1  }
0xcc: {  	s14 =	sor.u32 $0x50, s2;
	v3 =	vadd.f32 v52, v3;
	[tilespmem:s13+$0x0] =	vst.add.f32.msk $0xffff, v7  }
0xcd: {  	s15 =	sor.u32 $0x40, s3;
	v6 =	vand.u32 $0xFFFF0000, v8;
	v1 =	vand.u32 $0xFFFF0000, v50;
	[tilespmem:s14+$0x0] =	vst.add.f32.msk $0xffff, v5  }
0xce: {  	v1 =	vadd.f32 v6, v1;
	[tilespmem:s15+$0x0] =	vst.add.f32.msk $0xffff, v3  }
0xcf: {  	s16 =	sor.u32 $0x50, s3;
	v6 =	vld [tilespmem:s21+$0xFFFFFEC0];
	v3 =	vshll.u32 v4, $0x10;
	v5 =	vshll.u32 v2, $0x10  }
0xd0: {  	[tilespmem:s16+$0x0] =	vst.add.f32.msk $0xffff, v1;
	v1 =	vadd.f32 v5, v3  }
0xd1: {  	s17 =	sor.u32 $0x420, s0;
	v3 =	vld [tilespmem:s21+$0xFFFFBE40]  }
0xd2: {  	[tilespmem:s17+$0x11C00] =	vst.add.f32.msk $0xffff, v1  }
0xd3: {  	v1 =	vld [tilespmem:s21+$0xFFFFFE40]  }
0xd4: {  	v4 =	vand.u32 $0xFFFF0000, v4;
	v2 =	vand.u32 $0xFFFF0000, v2;
	v5 =	vld [tilespmem:s21+$0xFFFFBEC0]  }
0xd5: {  	v2 =	vadd.f32 v2, v4;
	v4 =	vld [tilespmem:s21+$0xFFFFBF40]  }
0xd6: {  	s18 =	sor.u32 $0x430, s0;
	v7 =	vld [tilespmem:s21+$0xFFFFFF40]  }
0xd7: {  	[tilespmem:s18+$0x11C00] =	vst.add.f32.msk $0xffff, v2;
	v55 =	vshll.u32 v6, $0x10;
	v2 =	vshll.u32 v3, $0x10  }
0xd8: {  	v3 =	vand.u32 $0xFFFF0000, v3;
	v8 =	vshll.u32 v1, $0x10;
	v1 =	vand.u32 $0xFFFF0000, v1  }
0xd9: {  	v53 =	vld [tilespmem:s21+$0xFFFFBFF0];
	v54 =	vshll.u32 v5, $0x10;
	v2 =	vadd.f32 v8, v2;
	v1 =	vadd.f32 v1, v3  }
0xda: {  	s19 =	sor.u32 $0x60, s1;
	v8 =	vld [tilespmem:s21+$0xFFFFFFF0];
	v3 =	vand.u32 $0xFFFF0000, v5;
	v5 =	vand.u32 $0xFFFF0000, v6;
	v6 =	vadd.f32 v55, v54  }
0xdb: {  	s22 =	sor.u32 $0x60, s2;
	[tilespmem:s19+$0x0] =	vst.add.f32.msk $0xffff, v2  }
0xdc: {  	s1 =	sor.u32 $0x70, s1;
	v56 =	vshll.u32 v7, $0x10;
	v3 =	vadd.f32 v5, v3;
	v2 =	vshll.u32 v4, $0x10;
	[tilespmem:s22+$0x0] =	vst.add.f32.msk $0xffff, v6  }
0xdd: {  	s23 =	sor.u32 $0x70, s2;
	[tilespmem:s1+$0x0] =	vst.add.f32.msk $0xffff, v1;
	v2 =	vadd.f32 v56, v2  }
0xde: {  	s24 =	sor.u32 $0x60, s3;
	v1 =	vand.u32 $0xFFFF0000, v4;
	v4 =	vand.u32 $0xFFFF0000, v7;
	[tilespmem:s23+$0x0] =	vst.add.f32.msk $0xffff, v3  }
0xdf: {  	v1 =	vadd.f32 v4, v1;
	[tilespmem:s24+$0x0] =	vst.add.f32.msk $0xffff, v2  }
0xe0: {  	s25 =	sor.u32 $0x70, s3;
	v2 =	vld [tilespmem:s21+$0xFFFFFE50]  }
0xe1: {  	[tilespmem:s25+$0x0] =	vst.add.f32.msk $0xffff, v1  }
0xe2: {  	v1 =	vld [tilespmem:s21+$0xFFFFBE50]  }
0xe3: {  	v3 =	vld [tilespmem:s21+$0xFFFFBED0]  }
0xe4: {  	v4 =	vld [tilespmem:s21+$0xFFFFFED0]  }
0xe5: {  	p1 =	por $0x0, $0x0;
	s1 =	simm.s32 $0x1  }
0xe6: {  	v6 =	vshll.u32 v53, $0x10;
	s1 =	simm.s32 @!p1 $0x0;
	v7 =	vshll.u32 v8, $0x10;
	v5 =	vld [tilespmem:s21+$0xFFFFBF50]  }
0xe7: {  	s1 =	sshll.u32 s1, $0x9;
	v6 =	vadd.f32 v7, v6;
	v57 =	vld [tilespmem:s21+$0xFFFFFF50];
	v58 =	vshll.u32 v2, $0x10;
	v7 =	vshll.u32 v1, $0x10  }
0xe8: {  	s26 =	sor.u32 $0x440, s0;
	s1 =	sadd.s32 $0x0, s1;
	v2 =	vand.u32 $0xFFFF0000, v2;
	v1 =	vand.u32 $0xFFFF0000, v1;
	v7 =	vadd.f32 v58, v7  }
0xe9: {  	s29 =	sor.u32 $0x400, s1;
	[tilespmem:s26+$0x11C00] =	vst.add.f32.msk $0xffff, v6;
	v6 =	vshll.u32 v3, $0x10;
	v1 =	vadd.f32 v2, v1;
	v2 =	vshll.u32 v4, $0x10  }
0xea: {  	s28 =	sand.u32 $0x3, s7;
	s7 =	sadd.s32 $0x80, s9;
	s2 =	sor.u32 $0x410, s1;
	v3 =	vand.u32 $0xFFFF0000, v3;
	v4 =	vand.u32 $0xFFFF0000, v4;
	v2 =	vadd.f32 v2, v6;
	[tilespmem:s29+$0x11C00] =	vst.add.f32.msk $0xffff, v7  }
0xeb: {  	s3 =	sshll.u32 s28, $0x8;
	s4 =	sor.u32 $0x400, s7;
	[tilespmem:s2+$0x11C00] =	vst.add.f32.msk $0xffff, v1;
	v1 =	vadd.f32 v4, v3  }
0xec: {  	s3 =	sadd.s32 $0x0, s3;
	s12 =	sor.u32 $0x410, s7;
	v6 =	vshll.u32 v5, $0x10;
	v3 =	vshll.u32 v57, $0x10;
	[tilespmem:s4+$0x11C00] =	vst.add.f32.msk $0xffff, v2  }
0xed: {  	s3 =	sadd.s32 $0x100, s3;
	v2 =	vadd.f32 v3, v6;
	[tilespmem:s12+$0x11C00] =	vst.add.f32.msk $0xffff, v1  }
0xee: {  	s13 =	sor.u32 $0x400, s3;
	v1 =	vld [tilespmem:s21+$0xFFFFBE60]  }
0xef: {  	v4 =	vand.u32 $0xFFFF0000, v5;
	v5 =	vand.u32 $0xFFFF0000, v57;
	[tilespmem:s13+$0x11C00] =	vst.add.f32.msk $0xffff, v2  }
0xf0: {  	v3 =	vadd.f32 v5, v4;
	v2 =	vld [tilespmem:s21+$0xFFFFFE60]  }
0xf1: {  	s14 =	sor.u32 $0x410, s3;
	v4 =	vand.u32 $0xFFFF0000, v53;
	v5 =	vand.u32 $0xFFFF0000, v8;
	v6 =	vld [tilespmem:s21+$0xFFFFFEE0]  }
0xf2: {  	v4 =	vadd.f32 v5, v4;
	[tilespmem:s14+$0x11C00] =	vst.add.f32.msk $0xffff, v3  }
0xf3: {  	s15 =	sor.u32 $0x450, s0;
	v3 =	vld [tilespmem:s21+$0xFFFFBEE0]  }
0xf4: {  	[tilespmem:s15+$0x11C00] =	vst.add.f32.msk $0xffff, v4  }
0xf5: {  	v5 =	vld [tilespmem:s21+$0xFFFFBF60]  }
0xf6: {  	v7 =	vld [tilespmem:s21+$0xFFFFFF60];
	v4 =	vshll.u32 v1, $0x10;
	v8 =	vshll.u32 v2, $0x10  }
0xf7: {  	v59 =	vld [tilespmem:s21+$0xFFFFC000];
	v1 =	vand.u32 $0xFFFF0000, v1;
	v2 =	vand.u32 $0xFFFF0000, v2;
	v4 =	vadd.f32 v8, v4  }
0xf8: {  	s16 =	sor.u32 $0x420, s1;
	v8 =	vld [tilespmem:s21+$0x0];
	v60 =	vshll.u32 v3, $0x10;
	v1 =	vadd.f32 v2, v1;
	v2 =	vshll.u32 v6, $0x10  }
0xf9: {  	s17 =	sor.u32 $0x430, s1;
	v3 =	vand.u32 $0xFFFF0000, v3;
	v6 =	vand.u32 $0xFFFF0000, v6;
	v2 =	vadd.f32 v2, v60;
	[tilespmem:s16+$0x11C00] =	vst.add.f32.msk $0xffff, v4  }
0xfa: {  	s18 =	sor.u32 $0x420, s7;
	[tilespmem:s17+$0x11C00] =	vst.add.f32.msk $0xffff, v1;
	v1 =	vadd.f32 v6, v3  }
0xfb: {  	s19 =	sor.u32 $0x430, s7;
	v4 =	vshll.u32 v5, $0x10;
	v3 =	vshll.u32 v7, $0x10;
	[tilespmem:s18+$0x11C00] =	vst.add.f32.msk $0xffff, v2  }
0xfc: {  	v2 =	vadd.f32 v3, v4;
	[tilespmem:s19+$0x11C00] =	vst.add.f32.msk $0xffff, v1  }
0xfd: {  	s22 =	sor.u32 $0x420, s3;
	v5 =	vand.u32 $0xFFFF0000, v5;
	v6 =	vand.u32 $0xFFFF0000, v7;
	v1 =	vld [tilespmem:s21+$0xFFFFBE70]  }
0xfe: {  	v3 =	vadd.f32 v6, v5;
	[tilespmem:s22+$0x11C00] =	vst.add.f32.msk $0xffff, v2  }
0xff: {  	s23 =	sor.u32 $0x430, s3;
	v2 =	vld [tilespmem:s21+$0xFFFFFE70]  }
0x100: {  	[tilespmem:s23+$0x11C00] =	vst.add.f32.msk $0xffff, v3  }
0x101: {  	v3 =	vld [tilespmem:s21+$0xFFFFBEF0]  }
0x102: {  	s25 =	sor.u32 $0x440, s3;
	v7 =	vand.u32 $0xFFFF0000, v59;
	v5 =	vld [tilespmem:s21+$0xFFFFFEF0]  }
0x103: {  	v4 =	vshll.u32 v59, $0x10;
	v6 =	vshll.u32 v8, $0x10;
	v8 =	vand.u32 $0xFFFF0000, v8;
	v61 =	vld [tilespmem:s21+$0xFFFFBF70];
	[dreg:$0x2] =	wrdreg s25  }
0x104: {  	s31 =	simm.s32 $0x5FF0;
	s30 =	sor.u32 $0x450, s3;
	s9 =	sor.u32 $0x460, s3;
	v4 =	vadd.f32 v6, v4;
	v6 =	vadd.f32 v8, v7;
	v8 =	vld [tilespmem:s21+$0xFFFFFF70];
	v7 =	vshll.u32 v1, $0x10  }
0x105: {  	s8 =	sor.u32 $0x440, s7;
	s3 =	sor.u32 $0x470, s3;
	s29 =	sor.u32 $0x460, s0;
	v1 =	vand.u32 $0xFFFF0000, v1;
	v62 =	vshll.u32 v2, $0x10;
	v2 =	vand.u32 $0xFFFF0000, v2  }
0x106: {  	s24 =	sor.u32 $0x440, s1;
	s28 =	sor.u32 $0x450, s1;
	s0 =	sor.u32 $0x470, s0;
	[tilespmem:s29+$0x11C00] =	vst.add.f32.msk $0xffff, v4;
	v4 =	vadd.f32 v62, v7;
	v7 =	vshll.u32 v3, $0x10;
	v63 =	vand.u32 $0xFFFF0000, v3  }
0x107: {  	s10 =	sor.u32 $0x460, s1;
	s11 =	sor.u32 $0x470, s1;
	s1 =	simm.s32 $0x0;
	[tilespmem:s0+$0x11C00] =	vst.add.f32.msk $0xffff, v6;
	v2 =	vadd.f32 v2, v1;
	v1 =	vshll.u32 v5, $0x10;
	v5 =	vand.u32 $0xFFFF0000, v5  }
0x108: {  	s26 =	simm.s32 $0x0;
	s2 =	sor.u32 $0x470, s7;
	s12 =	sor.u32 $0x460, s7;
	v3 =	vshll.u32 v61, $0x10;
	[tilespmem:s24+$0x11C00] =	vst.add.f32.msk $0xffff, v4;
	v4 =	vadd.f32 v1, v7;
	v1 =	vand.u32 $0xFFFF0000, v61  }
0x109: {  	s15 =	sor.u32 $0x450, s7;
	s7 =	simm.s32 $0x0;
	s0 =	simm.s32 $0x0;
	v6 =	vshll.u32 v8, $0x10;
	[tilespmem:s28+$0x11C00] =	vst.add.f32.msk $0xffff, v2;
	v2 =	vadd.f32 v5, v63;
	v5 =	vand.u32 $0xFFFF0000, v8  }
.LBB2_6:
0x10a: {  	v7 =	vld [tilespmem:s31+$0xFFFFBF90]  }
0x10b: {  	v1 =	vadd.f32 v5, v1;
	v5 =	vld [tilespmem:s31+$0xFFFFFF90]  }
0x10c: {  	v3 =	vadd.f32 v6, v3;
	v6 =	vld [tilespmem:s31+$0xFFFFBE10]  }
0x10d: {  	[dreg:$0xc] =	wrdreg s10;
	v8 =	vld [tilespmem:s31+$0xFFFFFE10]  }
0x10e: {  	[dreg:$0x8] =	wrdreg s9;
	s0 =	sadd.s32 $0x2, s0;
	v9 =	vld [tilespmem:s31+$0xFFFFBE90]  }
0x10f: {  	[dreg:$0x6] =	wrdreg s2;
	v10 =	vld [tilespmem:s31+$0xFFFFFE90];
	s1 =	sadd.s32 $0x400, s1;
	s9 =	sand.u32 $0x3, s0  }
0x110: {  	v11 =	vld [tilespmem:s31+$0xFFFFBF10];
	s20 =	sadd.s32 $0x200, s20;
	s10 =	sand.u32 $0x7800, s1;
	s2 =	sshll.u32 s9, $0x8;
	v12 =	vshll.u32 v7, $0x10;
	v13 =	vshll.u32 v5, $0x10  }
0x111: {  	v14 =	vld [tilespmem:s31+$0xFFFFFF10];
	s4 =	sand.u32 $0x380, s20;
	s28 =	sadd.s32 s1, s2;
	s2 =	sadd.s32 $0x11C00, s10;
	v7 =	vand.u32 $0xFFFF0000, v7;
	v5 =	vand.u32 $0xFFFF0000, v5;
	v12 =	vadd.f32 v13, v12  }
0x112: {  	[dreg:$0x4] =	wrdreg s3;
	[tilespmem:s8+$0x11C00] =	vst.add.f32.msk $0xffff, v4;
	s5 =	sor.u32 s4, s2;
	v5 =	vadd.f32 v5, v7  }
0x113: {  	p1 =	por !p1, !p1;
	s3 =	simm.s32 $0x1;
	s14 =	sor.u32 $0x10, s5;
	[tilespmem:s5+$0x0] =	vst.add.f32.msk $0xffff, v12  }
0x114: {  	[dreg:$0xb] =	wrdreg s11;
	s3 =	simm.s32 @!p1 $0x0;
	s11 =	sadd.s32 $0xFFFFFE80, s20;
	v57 =	vshll.u32 v6, $0x10;
	v15 =	vshll.u32 v8, $0x10;
	[tilespmem:s14+$0x0] =	vst.add.f32.msk $0xffff, v5  }
0x115: {  	s25 =	sshll.u32 s3, $0x9;
	s3 =	sand.u32 $0x200, s11;
	v4 =	vand.u32 $0xFFFF0000, v6;
	v6 =	vand.u32 $0xFFFF0000, v8;
	v5 =	vadd.f32 v15, v57;
	v59 =	vld [tilespmem:s31+$0xFFFFBFA0]  }
0x116: {  	s6 =	sadd.s32 $0xFFFFFF00, s20;
	s3 =	sor.u32 s3, s2;
	v8 =	vshll.u32 v10, $0x10;
	v7 =	vshll.u32 v9, $0x10;
	v4 =	vadd.f32 v6, v4;
	v60 =	vld [tilespmem:s31+$0xFFFFFFA0]  }
0x117: {  	s13 =	sand.u32 $0x280, s6;
	v10 =	vand.u32 $0xFFFF0000, v10;
	s18 =	sor.u32 $0x10, s3;
	v9 =	vand.u32 $0xFFFF0000, v9;
	[tilespmem:s3+$0x0] =	vst.add.f32.msk $0xffff, v5;
	v5 =	vadd.f32 v8, v7  }
0x118: {  	[dreg:$0x12] =	wrdreg s12;
	s12 =	sadd.s32 $0xFFFFFF80, s20;
	s10 =	sor.u32 s13, s2;
	v58 =	vshll.u32 v11, $0x10;
	v6 =	vshll.u32 v14, $0x10;
	v7 =	vadd.f32 v10, v9;
	[tilespmem:s18+$0x0] =	vst.add.f32.msk $0xffff, v4  }
0x119: {  	s16 =	sand.u32 $0x300, s12;
	s17 =	sor.u32 $0x10, s10;
	v4 =	vadd.f32 v6, v58;
	[tilespmem:s10+$0x0] =	vst.add.f32.msk $0xffff, v5  }
0x11a: {  	s2 =	sor.u32 s16, s2;
	v11 =	vand.u32 $0xFFFF0000, v11;
	v14 =	vand.u32 $0xFFFF0000, v14;
	[tilespmem:s17+$0x0] =	vst.add.f32.msk $0xffff, v7  }
0x11b: {  	v6 =	vadd.f32 v14, v11;
	[tilespmem:s2+$0x0] =	vst.add.f32.msk $0xffff, v4  }
0x11c: {  	s29 =	sor.u32 $0x10, s2;
	v7 =	vld [tilespmem:s31+$0xFFFFBE20]  }
0x11d: {  	v4 =	vshll.u32 v59, $0x10;
	v5 =	vshll.u32 v60, $0x10;
	[tilespmem:s29+$0x0] =	vst.add.f32.msk $0xffff, v6  }
0x11e: {  	v6 =	vand.u32 $0xFFFF0000, v60;
	v61 =	vld [tilespmem:s31+$0xFFFFBEA0];
	v4 =	vadd.f32 v5, v4;
	v5 =	vand.u32 $0xFFFF0000, v59  }
0x11f: {  	s29 =	sadd.s32 $0x100, s28;
	s28 =	sor.u32 $0x20, s5;
	v5 =	vadd.f32 v6, v5;
	v6 =	vld [tilespmem:s31+$0xFFFFFE20]  }
0x120: {  	[tilespmem:s28+$0x0] =	vst.add.f32.msk $0xffff, v4;
	s28 =	sor.u32 $0x30, s5  }
0x121: {  	s25 =	sadd.s32 s25, s1;
	[tilespmem:s28+$0x0] =	vst.add.f32.msk $0xffff, v5  }
0x122: {  	s9 =	sor.u32 $0x20, s2;
	s24 =	sor.u32 $0x30, s2;
	s12 =	sor.u32 $0x40, s2;
	v4 =	vld [tilespmem:s31+$0xFFFFBFB0]  }
0x123: {  	s11 =	sor.u32 $0x60, s2;
	s17 =	sor.u32 $0x50, s2;
	s2 =	sor.u32 $0x70, s2;
	v5 =	vld [tilespmem:s31+$0xFFFFFFB0]  }
0x124: {  	[smem:$0x7F0] =	sst s2;
	s2 =	sor.u32 $0x450, s25;
	v62 =	vld [tilespmem:s31+$0xFFFFFEA0]  }
0x125: {  	[tilespmem:s15+$0x11C00] =	vst.add.f32.msk $0xffff, v2;
	[dreg:$0x10] =	wrdreg s2;
	s2 =	sor.u32 $0x460, s29  }
0x126: {  	v63 =	vld [tilespmem:s31+$0xFFFFBF20];
	[dreg:$0x15] =	wrdreg s2;
	v8 =	vshll.u32 v7, $0x10;
	v2 =	vshll.u32 v6, $0x10  }
0x127: {  	v16 =	vld [tilespmem:s31+$0xFFFFFF20];
	s2 =	rddreg [dreg:$0x2];
	v7 =	vand.u32 $0xFFFF0000, v7;
	v6 =	vand.u32 $0xFFFF0000, v6;
	v2 =	vadd.f32 v2, v8  }
0x128: {  	s8 =	sor.u32 $0x20, s3;
	[tilespmem:s2+$0x11C00] =	vst.add.f32.msk $0xffff, v3;
	v6 =	vadd.f32 v6, v7;
	v17 =	vshll.u32 v4, $0x10;
	v18 =	vshll.u32 v5, $0x10  }
0x129: {  	s6 =	sor.u32 $0x30, s3;
	s19 =	sor.u32 $0x60, s10;
	v4 =	vand.u32 $0xFFFF0000, v4;
	v5 =	vand.u32 $0xFFFF0000, v5;
	[tilespmem:s8+$0x0] =	vst.add.f32.msk $0xffff, v2;
	v13 =	vadd.f32 v18, v17  }
0x12a: {  	[smem:$0x7EF] =	sst s19;
	s15 =	sor.u32 $0x40, s5;
	s19 =	sor.u32 $0x400, s29;
	v3 =	vshll.u32 v61, $0x10;
	v4 =	vadd.f32 v5, v4;
	v5 =	vshll.u32 v62, $0x10;
	[tilespmem:s6+$0x0] =	vst.add.f32.msk $0xffff, v6  }
0x12b: {  	[smem:$0x7F3] =	sst s19;
	s19 =	sor.u32 $0x410, s29;
	s2 =	sor.u32 $0x50, s5;
	v3 =	vadd.f32 v5, v3;
	[tilespmem:s15+$0x0] =	vst.add.f32.msk $0xffff, v13  }
0x12c: {  	s23 =	sor.u32 $0x20, s10;
	[smem:$0x7F4] =	sst s19;
	s19 =	sor.u32 $0x400, s25;
	[tilespmem:s2+$0x0] =	vst.add.f32.msk $0xffff, v4  }
0x12d: {  	[smem:$0x7F1] =	sst s19;
	s19 =	sor.u32 $0x410, s25;
	v9 =	vand.u32 $0xFFFF0000, v61;
	v10 =	vand.u32 $0xFFFF0000, v62;
	[tilespmem:s23+$0x0] =	vst.add.f32.msk $0xffff, v3  }
0x12e: {  	s28 =	sor.u32 $0x420, s25;
	[smem:$0x7F2] =	sst s19;
	v2 =	vadd.f32 v10, v9;
	v20 =	vld [tilespmem:s31+$0xFFFFBFC0]  }
0x12f: {  	s16 =	sor.u32 $0x30, s10;
	s19 =	sor.u32 $0x420, s29;
	[dreg:$0x1d] =	wrdreg s28;
	v5 =	vld [tilespmem:s31+$0xFFFFFFC0]  }
0x130: {  	s28 =	sor.u32 $0x430, s29;
	[dreg:$0x17] =	wrdreg s19;
	v19 =	vshll.u32 v63, $0x10;
	v4 =	vshll.u32 v16, $0x10;
	[tilespmem:s16+$0x0] =	vst.add.f32.msk $0xffff, v2  }
0x131: {  	s19 =	sor.u32 $0x430, s25;
	[dreg:$0x19] =	wrdreg s28;
	v11 =	vand.u32 $0xFFFF0000, v63;
	v8 =	vand.u32 $0xFFFF0000, v16;
	v4 =	vadd.f32 v4, v19;
	v7 =	vld [tilespmem:s31+$0xFFFFBEB0]  }
0x132: {  	[dreg:$0x1b] =	wrdreg s19;
	s19 =	sor.u32 $0x440, s25;
	v6 =	vadd.f32 v8, v11;
	v8 =	vld [tilespmem:s31+$0xFFFFFEB0]  }
0x133: {  	s28 =	sor.u32 $0x450, s29;
	[dreg:$0xe] =	wrdreg s19;
	[tilespmem:s9+$0x0] =	vst.add.f32.msk $0xffff, v4  }
0x134: {  	s19 =	smov.u32 s30;
	s30 =	sor.u32 $0x440, s29;
	s29 =	sor.u32 $0x470, s29;
	[tilespmem:s24+$0x0] =	vst.add.f32.msk $0xffff, v6;
	v2 =	vshll.u32 v20, $0x10;
	v3 =	vshll.u32 v5, $0x10  }
0x135: {  	[dreg:$0x14] =	wrdreg s29;
	s29 =	sor.u32 $0x460, s25;
	v4 =	vand.u32 $0xFFFF0000, v5;
	v5 =	vld [tilespmem:s31+$0xFFFFBE30];
	v2 =	vadd.f32 v3, v2;
	v3 =	vand.u32 $0xFFFF0000, v20  }
0x136: {  	[smem:$0x7F5] =	sst s29;
	s29 =	sor.u32 $0x470, s25;
	s25 =	sor.u32 $0x60, s5;
	v3 =	vadd.f32 v4, v3;
	v4 =	vld [tilespmem:s31+$0xFFFFFE30]  }
0x137: {  	s5 =	sor.u32 $0x70, s5;
	[tilespmem:s25+$0x0] =	vst.add.f32.msk $0xffff, v2  }
0x138: {  	[tilespmem:s5+$0x0] =	vst.add.f32.msk $0xffff, v3  }
0x139: {  	v2 =	vld [tilespmem:s31+$0xFFFFBFD0]  }
0x13a: {  	v3 =	vld [tilespmem:s31+$0xFFFFFFD0]  }
0x13b: {  	v21 =	vld [tilespmem:s31+$0xFFFFBF30]  }
0x13c: {  	s7 =	sadd.s32 $0x4, s7;
	[dreg:$0x1f] =	wrdreg s29;
	s29 =	smov.u32 s30;
	v22 =	vld [tilespmem:s31+$0xFFFFFF30];
	v6 =	vshll.u32 v5, $0x10  }
0x13d: {  	[dreg:$0x2] =	wrdreg s29;
	s29 =	sand.u32 $0x7, s7;
	[tilespmem:s19+$0x11C00] =	vst.add.f32.msk $0xffff, v1;
	v5 =	vand.u32 $0xFFFF0000, v5;
	v1 =	vshll.u32 v4, $0x10;
	v4 =	vand.u32 $0xFFFF0000, v4  }
0x13e: {  	v25 =	vshll.u32 v7, $0x10;
	v26 =	vshll.u32 v8, $0x10;
	s5 =	sshll.u32 s29, $0x7;
	v4 =	vadd.f32 v4, v5  }
0x13f: {  	s5 =	sadd.s32 s1, s5;
	v5 =	vadd.f32 v26, v25;
	v23 =	vshll.u32 v2, $0x10;
	v24 =	vshll.u32 v3, $0x10  }
0x140: {  	s18 =	sor.u32 $0x40, s10;
	s25 =	sadd.s32 $0x180, s5;
	v2 =	vand.u32 $0xFFFF0000, v2;
	v3 =	vand.u32 $0xFFFF0000, v3;
	v11 =	vadd.f32 v24, v23  }
0x141: {  	s2 =	sadd.s32 $0x80, s5;
	s5 =	sor.u32 $0x400, s25;
	[tilespmem:s18+$0x0] =	vst.add.f32.msk $0xffff, v5;
	v2 =	vadd.f32 v3, v2  }
0x142: {  	s30 =	smov.u32 s28;
	s28 =	sor.u32 $0x410, s25;
	[tilespmem:s5+$0x11C00] =	vst.add.f32.msk $0xffff, v11  }
0x143: {  	[tilespmem:s28+$0x11C00] =	vst.add.f32.msk $0xffff, v2  }
0x144: {  	v28 =	vld [tilespmem:s31+$0xFFFFBFE0]  }
0x145: {  	v1 =	vadd.f32 v1, v6;
	v29 =	vld [tilespmem:s31+$0xFFFFFFE0]  }
0x146: {  	s22 =	sor.u32 $0x40, s3;
	v7 =	vand.u32 $0xFFFF0000, v7;
	v8 =	vand.u32 $0xFFFF0000, v8;
	v3 =	vld [tilespmem:s21+$0xFFFFBE80]  }
0x147: {  	s13 =	sor.u32 $0x50, s3;
	v27 =	vshll.u32 v21, $0x10;
	[tilespmem:s22+$0x0] =	vst.add.f32.msk $0xffff, v1;
	v1 =	vadd.f32 v8, v7;
	v2 =	vshll.u32 v22, $0x10  }
0x148: {  	s4 =	sor.u32 $0x50, s10;
	v9 =	vand.u32 $0xFFFF0000, v21;
	v6 =	vand.u32 $0xFFFF0000, v22;
	[tilespmem:s13+$0x0] =	vst.add.f32.msk $0xffff, v4;
	v2 =	vadd.f32 v2, v27  }
0x149: {  	v4 =	vadd.f32 v6, v9;
	[tilespmem:s4+$0x0] =	vst.add.f32.msk $0xffff, v1  }
0x14a: {  	s24 =	sor.u32 $0x400, s2;
	[tilespmem:s12+$0x0] =	vst.add.f32.msk $0xffff, v2;
	v1 =	vshll.u32 v28, $0x10;
	v2 =	vshll.u32 v29, $0x10  }
0x14b: {  	s23 =	sor.u32 $0x410, s2;
	s9 =	sor.u32 $0x420, s2;
	s6 =	sor.u32 $0x430, s2;
	[tilespmem:s17+$0x0] =	vst.add.f32.msk $0xffff, v4;
	v4 =	vand.u32 $0xFFFF0000, v29;
	v1 =	vadd.f32 v2, v1;
	v2 =	vand.u32 $0xFFFF0000, v28  }
0x14c: {  	s8 =	sor.u32 $0x440, s2;
	s15 =	sor.u32 $0x450, s2;
	s29 =	sor.u32 $0x420, s25;
	v5 =	vld [tilespmem:s31+$0xFFFFBE40];
	v2 =	vadd.f32 v4, v2  }
0x14d: {  	s16 =	sor.u32 $0x460, s2;
	s5 =	sor.u32 $0x470, s2;
	s2 =	sor.u32 $0x430, s25;
	[tilespmem:s29+$0x11C00] =	vst.add.f32.msk $0xffff, v1  }
0x14e: {  	[tilespmem:s2+$0x11C00] =	vst.add.f32.msk $0xffff, v2  }
0x14f: {  	v1 =	vld [tilespmem:s31+$0xFFFFBFF0]  }
0x150: {  	v2 =	vld [tilespmem:s31+$0xFFFFFFF0]  }
0x151: {  	v35 =	vld [tilespmem:s21+$0xFFFFFE80]  }
0x152: {  	v8 =	vld [tilespmem:s31+$0xFFFFBEC0]  }
0x153: {  	v30 =	vld [tilespmem:s31+$0xFFFFFEC0]  }
0x154: {  	v4 =	vld [tilespmem:s31+$0xFFFFFE40]  }
0x155: {  	v31 =	vld [tilespmem:s31+$0xFFFFBF40];
	v33 =	vshll.u32 v1, $0x10;
	v34 =	vshll.u32 v2, $0x10  }
0x156: {  	v32 =	vld [tilespmem:s31+$0xFFFFFF40];
	v1 =	vand.u32 $0xFFFF0000, v1;
	v2 =	vand.u32 $0xFFFF0000, v2;
	v12 =	vadd.f32 v34, v33  }
0x157: {  	s12 =	sor.u32 $0x440, s25;
	v1 =	vadd.f32 v2, v1;
	v2 =	vld [tilespmem:s21+$0xFFFFBF00]  }
0x158: {  	s13 =	sor.u32 $0x450, s25;
	[tilespmem:s12+$0x11C00] =	vst.add.f32.msk $0xffff, v12  }
0x159: {  	v6 =	vshll.u32 v5, $0x10;
	v36 =	vshll.u32 v4, $0x10;
	[tilespmem:s13+$0x11C00] =	vst.add.f32.msk $0xffff, v1  }
0x15a: {  	v5 =	vand.u32 $0xFFFF0000, v5;
	v4 =	vand.u32 $0xFFFF0000, v4;
	v1 =	vadd.f32 v36, v6;
	v39 =	vld [tilespmem:s31+$0xFFFFC000]  }
0x15b: {  	s14 =	sor.u32 $0x60, s3;
	v38 =	vshll.u32 v31, $0x10;
	v4 =	vadd.f32 v4, v5;
	v6 =	vshll.u32 v32, $0x10;
	v40 =	vld [tilespmem:s31+$0x0]  }
0x15c: {  	s3 =	sor.u32 $0x70, s3;
	v37 =	vshll.u32 v8, $0x10;
	v16 =	vshll.u32 v30, $0x10;
	v6 =	vadd.f32 v6, v38;
	[tilespmem:s14+$0x0] =	vst.add.f32.msk $0xffff, v1;
	s14 =	sld [smem:$0x7EF]  }
0x15d: {  	s17 =	sld [smem:$0x7F0];
	v10 =	vand.u32 $0xFFFF0000, v31;
	v11 =	vand.u32 $0xFFFF0000, v32;
	v5 =	vadd.f32 v16, v37;
	[tilespmem:s3+$0x0] =	vst.add.f32.msk $0xffff, v4  }
0x15e: {  	v8 =	vand.u32 $0xFFFF0000, v8;
	v9 =	vand.u32 $0xFFFF0000, v30;
	v4 =	vadd.f32 v11, v10;
	[tilespmem:s11+$0x0] =	vst.add.f32.msk $0xffff, v6  }
0x15f: {  	v1 =	vadd.f32 v9, v8;
	[tilespmem:s14+$0x0] =	vst.add.f32.msk $0xffff, v5  }
0x160: {  	s10 =	sor.u32 $0x70, s10;
	v7 =	vshll.u32 v3, $0x10;
	v3 =	vand.u32 $0xFFFF0000, v3;
	[tilespmem:s17+$0x0] =	vst.add.f32.msk $0xffff, v4  }
0x161: {  	v41 =	vshll.u32 v35, $0x10;
	[tilespmem:s10+$0x0] =	vst.add.f32.msk $0xffff, v1;
	v1 =	vshll.u32 v39, $0x10;
	v6 =	vshll.u32 v40, $0x10  }
0x162: {  	v8 =	vand.u32 $0xFFFF0000, v35;
	v5 =	vadd.f32 v41, v7;
	v7 =	vld [tilespmem:s31+$0xFFFFBE50];
	v1 =	vadd.f32 v6, v1  }
0x163: {  	s18 =	sor.u32 $0x460, s25;
	v3 =	vadd.f32 v8, v3;
	v4 =	vand.u32 $0xFFFF0000, v39;
	v6 =	vand.u32 $0xFFFF0000, v40;
	v8 =	vld [tilespmem:s31+$0xFFFFFED0]  }
0x164: {  	v4 =	vadd.f32 v6, v4;
	[tilespmem:s18+$0x11C00] =	vst.add.f32.msk $0xffff, v1  }
0x165: {  	s19 =	sor.u32 $0x470, s25;
	v1 =	vld [tilespmem:s31+$0xFFFFFE50]  }
0x166: {  	[tilespmem:s19+$0x11C00] =	vst.add.f32.msk $0xffff, v4  }
0x167: {  	v4 =	vld [tilespmem:s31+$0xFFFFBED0]  }
0x168: {  	v43 =	vld [tilespmem:s31+$0xFFFFBF50]  }
0x169: {  	v44 =	vld [tilespmem:s31+$0xFFFFFF50]  }
0x16a: {  	s22 =	sld [smem:$0x7F1];
	v48 =	vld [tilespmem:s21+$0xFFFFBF80];
	v6 =	vshll.u32 v7, $0x10;
	v45 =	vshll.u32 v1, $0x10  }
0x16b: {  	s25 =	sld [smem:$0x7F2];
	v49 =	vld [tilespmem:s21+$0xFFFFFF80];
	v7 =	vand.u32 $0xFFFF0000, v7;
	v1 =	vand.u32 $0xFFFF0000, v1;
	v6 =	vadd.f32 v45, v6  }
0x16c: {  	v46 =	vld [tilespmem:s21+$0xFFFFFF00];
	v47 =	vshll.u32 v4, $0x10;
	v1 =	vadd.f32 v1, v7;
	v7 =	vshll.u32 v8, $0x10  }
0x16d: {  	v4 =	vand.u32 $0xFFFF0000, v4;
	v8 =	vand.u32 $0xFFFF0000, v8;
	[tilespmem:s22+$0x11C00] =	vst.add.f32.msk $0xffff, v6;
	v6 =	vadd.f32 v7, v47  }
0x16e: {  	s28 =	sld [smem:$0x7F3];
	v7 =	vshll.u32 v43, $0x10;
	[tilespmem:s25+$0x11C00] =	vst.add.f32.msk $0xffff, v1;
	v1 =	vadd.f32 v8, v4;
	v4 =	vshll.u32 v44, $0x10  }
0x16f: {  	s29 =	sld [smem:$0x7F4];
	v10 =	vand.u32 $0xFFFF0000, v43;
	v8 =	vand.u32 $0xFFFF0000, v44;
	[tilespmem:s24+$0x11C00] =	vst.add.f32.msk $0xffff, v6;
	v4 =	vadd.f32 v4, v7  }
0x170: {  	v6 =	vadd.f32 v8, v10;
	[tilespmem:s23+$0x11C00] =	vst.add.f32.msk $0xffff, v1  }
0x171: {  	v42 =	vshll.u32 v2, $0x10;
	[tilespmem:s28+$0x11C00] =	vst.add.f32.msk $0xffff, v4  }
0x172: {  	v2 =	vand.u32 $0xFFFF0000, v2;
	v7 =	vshll.u32 v46, $0x10;
	v8 =	vshll.u32 v48, $0x10;
	[tilespmem:s29+$0x11C00] =	vst.add.f32.msk $0xffff, v6  }
0x173: {  	v1 =	vand.u32 $0xFFFF0000, v46;
	v4 =	vadd.f32 v7, v42;
	v7 =	vshll.u32 v49, $0x10;
	v6 =	vld [tilespmem:s31+$0xFFFFBE60]  }
0x174: {  	v1 =	vadd.f32 v1, v2;
	v2 =	vadd.f32 v7, v8;
	v8 =	vld [tilespmem:s31+$0xFFFFFE60]  }
0x175: {  	v52 =	vld [tilespmem:s31+$0xFFFFBEE0]  }
0x176: {  	s3 =	rddreg [dreg:$0xc];
	v53 =	vld [tilespmem:s31+$0xFFFFFEE0]  }
0x177: {  	[tilespmem:s3+$0x11C00] =	vst.add.f32.msk $0xffff, v5  }
0x178: {  	s12 =	rddreg [dreg:$0x1f];
	v54 =	vld [tilespmem:s31+$0xFFFFBF60]  }
0x179: {  	s11 =	rddreg [dreg:$0xb];
	v56 =	vld [tilespmem:s31+$0xFFFFFF60];
	v55 =	vshll.u32 v6, $0x10;
	v57 =	vshll.u32 v8, $0x10  }
0x17a: {  	s13 =	rddreg [dreg:$0x12];
	[tilespmem:s11+$0x11C00] =	vst.add.f32.msk $0xffff, v3;
	v6 =	vand.u32 $0xFFFF0000, v6;
	v8 =	vand.u32 $0xFFFF0000, v8;
	v5 =	vadd.f32 v57, v55  }
0x17b: {  	s14 =	rddreg [dreg:$0x1d];
	[tilespmem:s13+$0x11C00] =	vst.add.f32.msk $0xffff, v4;
	v58 =	vshll.u32 v52, $0x10;
	v3 =	vadd.f32 v8, v6;
	v6 =	vshll.u32 v53, $0x10  }
0x17c: {  	s11 =	smov.u32 s12;
	s12 =	smov.u32 s16;
	s16 =	rddreg [dreg:$0x1b];
	v9 =	vand.u32 $0xFFFF0000, v52;
	v8 =	vand.u32 $0xFFFF0000, v53;
	v4 =	vadd.f32 v6, v58;
	[tilespmem:s14+$0x11C00] =	vst.add.f32.msk $0xffff, v5  }
0x17d: {  	[tilespmem:s16+$0x11C00] =	vst.add.f32.msk $0xffff, v3;
	v3 =	vadd.f32 v8, v9  }
0x17e: {  	v5 =	vshll.u32 v54, $0x10;
	v8 =	vshll.u32 v56, $0x10;
	[tilespmem:s9+$0x11C00] =	vst.add.f32.msk $0xffff, v4  }
0x17f: {  	v4 =	vadd.f32 v8, v5;
	[tilespmem:s6+$0x11C00] =	vst.add.f32.msk $0xffff, v3  }
0x180: {  	s17 =	rddreg [dreg:$0x17];
	v59 =	vand.u32 $0xFFFF0000, v56;
	v6 =	vand.u32 $0xFFFF0000, v54;
	v3 =	vld [tilespmem:s31+$0xFFFFBE70]  }
0x181: {  	v5 =	vadd.f32 v59, v6;
	[tilespmem:s17+$0x11C00] =	vst.add.f32.msk $0xffff, v4  }
0x182: {  	s18 =	rddreg [dreg:$0x19];
	v4 =	vld [tilespmem:s31+$0xFFFFFE70]  }
0x183: {  	[tilespmem:s18+$0x11C00] =	vst.add.f32.msk $0xffff, v5  }
0x184: {  	s4 =	sld [smem:$0x7F5];
	v5 =	vld [tilespmem:s31+$0xFFFFBEF0]  }
0x185: {  	s19 =	rddreg [dreg:$0x6];
	v6 =	vld [tilespmem:s31+$0xFFFFFEF0]  }
0x186: {  	s26 =	sadd.s32 $0x4, s26;
	v50 =	vand.u32 $0xFFFF0000, v48;
	v51 =	vand.u32 $0xFFFF0000, v49;
	s22 =	rddreg [dreg:$0x8];
	v8 =	vld [tilespmem:s31+$0xFFFFBF70]  }
0x187: {  	p2 =	slt.u32 s26, $0x7C;
	s25 =	rddreg [dreg:$0x14];
	v7 =	vadd.f32 v51, v50;
	v61 =	vld [tilespmem:s31+$0xFFFFFF70];
	v60 =	vshll.u32 v3, $0x10  }
.Ltmp7:
0x188: {  	s24 =	rddreg [dreg:$0x4];
	[tilespmem:s19+$0x11C00] =	vst.add.f32.msk $0xffff, v1;
	v3 =	vand.u32 $0xFFFF0000, v3;
	v62 =	vshll.u32 v4, $0x10;
	v4 =	vand.u32 $0xFFFF0000, v4;
	(pc) =	sbr.rel @p2 .LBB2_6-.Ltmp7, $4  }
0x189: {  	s23 =	rddreg [dreg:$0x15];
	[tilespmem:s22+$0x11C00] =	vst.add.f32.msk $0xffff, v2;
	v1 =	vadd.f32 v62, v60;
	v63 =	vshll.u32 v5, $0x10;
	v5 =	vand.u32 $0xFFFF0000, v5  }
0x18a: {  	s2 =	smov.u32 s5;
	s28 =	rddreg [dreg:$0xe];
	[tilespmem:s24+$0x11C00] =	vst.add.f32.msk $0xffff, v7;
	v2 =	vadd.f32 v4, v3;
	v3 =	vshll.u32 v6, $0x10;
	v6 =	vand.u32 $0xFFFF0000, v6  }
0x18b: {  	s10 =	smov.u32 s4;
	s21 =	smov.u32 s31;
	s29 =	rddreg [dreg:$0x10];
	v4 =	vadd.f32 v3, v63;
	v3 =	vshll.u32 v8, $0x10;
	[tilespmem:s28+$0x11C00] =	vst.add.f32.msk $0xffff, v1;
	v1 =	vand.u32 $0xFFFF0000, v8  }
0x18c: {  	s3 =	smov.u32 s25;
	s9 =	smov.u32 s23;
	s31 =	sadd.s32 $0x200, s31;
	[tilespmem:s29+$0x11C00] =	vst.add.f32.msk $0xffff, v2;
	v2 =	vadd.f32 v6, v5;
	v6 =	vshll.u32 v61, $0x10;
	v5 =	vand.u32 $0xFFFF0000, v61  }
0x18d: {  	[tilespmem:s8+$0x11C00] =	vst.add.f32.msk $0xffff, v4  }
0x18e: {  	v3 =	vadd.f32 v6, v3;
	[tilespmem:s15+$0x11C00] =	vst.add.f32.msk $0xffff, v2  }
0x18f: {  	v1 =	vadd.f32 v5, v1;
	v2 =	vld [tilespmem:s21+$0xFFFFFE80];
	s0 =	rddreg [dreg:$0x2]  }
0x190: {  	[tilespmem:s0+$0x11C00] =	vst.add.f32.msk $0xffff, v3  }
0x191: {  	[tilespmem:s30+$0x11C00] =	vst.add.f32.msk $0xffff, v1  }
0x192: {  	v1 =	vld [tilespmem:s21+$0xFFFFBE80]  }
0x193: {  	v4 =	vld [tilespmem:s21+$0xFFFFFF00]  }
0x194: {  	v3 =	vld [tilespmem:s21+$0xFFFFBF00];
	_ =	sdelay $0x1  }
0x195: {  	v57 =	vld [tilespmem:s21+$0xFFFFBF80]  }
0x196: {  	v58 =	vld [tilespmem:s21+$0xFFFFFF80];
	v8 =	vshll.u32 v2, $0x10;
	v7 =	vshll.u32 v1, $0x10  }
0x197: {  	v2 =	vand.u32 $0xFFFF0000, v2;
	v1 =	vand.u32 $0xFFFF0000, v1;
	v7 =	vadd.f32 v8, v7  }
0x198: {  	v59 =	vshll.u32 v3, $0x10;
	v1 =	vadd.f32 v2, v1;
	v2 =	vshll.u32 v4, $0x10  }
0x199: {  	v2 =	vadd.f32 v2, v59;
	[tilespmem:s10+$0x11C00] =	vst.add.f32.msk $0xffff, v7  }
0x19a: {  	v3 =	vand.u32 $0xFFFF0000, v3;
	v4 =	vand.u32 $0xFFFF0000, v4;
	[tilespmem:s11+$0x11C00] =	vst.add.f32.msk $0xffff, v1  }
0x19b: {  	v60 =	vshll.u32 v57, $0x10;
	v61 =	vshll.u32 v58, $0x10;
	v3 =	vadd.f32 v4, v3;
	[tilespmem:s12+$0x11C00] =	vst.add.f32.msk $0xffff, v2  }
0x19c: {  	v62 =	vand.u32 $0xFFFF0000, v58;
	v63 =	vadd.f32 v61, v60;
	v1 =	vand.u32 $0xFFFF0000, v57;
	s5 =	sld [smem:$0x7F6]  }
0x19d: {  	v1 =	vadd.f32 v62, v1;
	[tilespmem:s2+$0x11C00] =	vst.add.f32.msk $0xffff, v3  }
0x19e: {  	[tilespmem:s9+$0x11C00] =	vst.add.f32.msk $0xffff, v63  }
0x19f: {  	[tilespmem:s3+$0x11C00] =	vst.add.f32.msk $0xffff, v1;
	p1 =	seq.s32 s5, $0xC  }
0x1a0: {  	s4 =	sld [smem:$0x7FA];
	s0 =	sshll.u32 @!p1 s5, $0x9  }
.Ltmp8:
0x1a1: {  	s0 =	sand.u32 @!p1 $0x3FFFFE00, s0;
	(pc) =	sbr.rel @p0 .LBB2_11-.Ltmp8, $4  }
0x1a2: {  	s2 =	simm.s32 @!p1 $0x80;
	s3 =	simm.s32 @!p1 $0x1C00;
	s1 =	sadd.s32 @!p1 $0x200, s0  }
0x1a3: {  	[tilespmem:s3], [sflag:$0x1] =	stream.indirect.gather @!p1 [hbm4b:s4+s2], $0x80, s1, s2, $0xb8;
	[tilespmem:$0x19C00] =	vst v63  }
0x1a4: {  	s0 =	sadd.s32 @!p1 $0x280, s0;
	s1 =	simm.s32 @!p1 $0x5C00  }
0x1a5: {  	[tilespmem:s1], [sflag:$0x1] =	stream.indirect.gather @!p1 [hbm4b:s4+s2], $0x80, s0, s2, $0xb8;
	[tilespmem:$0x19C00] =	vst v63  }
0x1a6: {  	s0 =	simm.s32 $0x2  }
0x1a7: {  	_ =	swait.ge [sflag:s0], $0x4000  }
0x1a8: {  	[sflag:s0] =	ssyncset.done $0x0  }
0x1a9: {  	[sflag:s0] =	ssyncadd.s32 $0xFFFFC000  }
0x1aa: {  	_ =	swait.ge [sflag:s0], $0x4000  }
0x1ab: {  	[sflag:s0] =	ssyncset.done $0x0  }
0x1ac: {  	s19 =	simm.s32 $0xDDF0;
	[sflag:s0] =	ssyncadd.s32 $0xFFFFC000  }
0x1ad: {  	v1 =	vld [tilespmem:s19+$0xFFFFBF90]  }
0x1ae: {  	v2 =	vld [tilespmem:s19+$0xFFFFFF90];
	_ =	sdelay $0x1  }
0x1af: {  	v3 =	vld [tilespmem:s19+$0xFFFFBE10]  }
0x1b0: {  	v4 =	vld [tilespmem:s19+$0xFFFFFE10]  }
0x1b1: {  	s20 =	simm.s32 $0x0;
	v5 =	vld [tilespmem:s19+$0xFFFFBE90]  }
0x1b2: {  	s21 =	simm.s32 $0x180;
	s11 =	sand.u32 $0x7800, s20;
	v6 =	vld [tilespmem:s19+$0xFFFFFE90];
	v7 =	vshll.u32 v1, $0x10;
	v8 =	vshll.u32 v2, $0x10  }
0x1b3: {  	s12 =	sand.u32 $0x380, s21;
	s3 =	sadd.s32 $0x11C00, s11;
	v9 =	vld [tilespmem:s19+$0xFFFFBF10];
	v1 =	vand.u32 $0xFFFF0000, v1;
	v2 =	vand.u32 $0xFFFF0000, v2;
	v7 =	vadd.f32 v8, v7  }
0x1b4: {  	s0 =	sor.u32 s12, s3;
	v8 =	vld [tilespmem:s19+$0xFFFFFF10];
	v1 =	vadd.f32 v2, v1  }
0x1b5: {  	s1 =	sor.u32 $0x10, s0;
	[tilespmem:s0+$0x0] =	vst.add.f32.msk $0xffff, v7  }
0x1b6: {  	[tilespmem:s1+$0x0] =	vst.add.f32.msk $0xffff, v1  }
0x1b7: {  	v1 =	vld [tilespmem:s19+$0xFFFFBFA0]  }
0x1b8: {  	s13 =	simm.s32 $0x0;
	v2 =	vshll.u32 v3, $0x10;
	v7 =	vshll.u32 v4, $0x10;
	v10 =	vld [tilespmem:s19+$0xFFFFFFA0]  }
0x1b9: {  	v3 =	vand.u32 $0xFFFF0000, v3;
	v4 =	vand.u32 $0xFFFF0000, v4;
	s1 =	sand.u32 $0x200, s13;
	v2 =	vadd.f32 v7, v2  }
0x1ba: {  	s2 =	simm.s32 $0x80;
	v11 =	vshll.u32 v6, $0x10;
	v7 =	vshll.u32 v5, $0x10;
	v3 =	vadd.f32 v4, v3;
	s1 =	sor.u32 s1, s3  }
0x1bb: {  	s2 =	sand.u32 $0x280, s2;
	v4 =	vand.u32 $0xFFFF0000, v5;
	v5 =	vand.u32 $0xFFFF0000, v6;
	s4 =	sor.u32 $0x10, s1;
	[tilespmem:s1+$0x0] =	vst.add.f32.msk $0xffff, v2;
	v2 =	vadd.f32 v11, v7  }
0x1bc: {  	s5 =	simm.s32 $0x100;
	s2 =	sor.u32 s2, s3;
	v6 =	vshll.u32 v9, $0x10;
	v4 =	vadd.f32 v5, v4;
	v7 =	vshll.u32 v8, $0x10;
	[tilespmem:s4+$0x0] =	vst.add.f32.msk $0xffff, v3  }
0x1bd: {  	s14 =	sand.u32 $0x300, s5;
	s15 =	sor.u32 $0x10, s2;
	v3 =	vadd.f32 v7, v6;
	[tilespmem:s2+$0x0] =	vst.add.f32.msk $0xffff, v2;
	v2 =	vshll.u32 v1, $0x10;
	v5 =	vshll.u32 v10, $0x10  }
0x1be: {  	s3 =	sor.u32 s14, s3;
	[tilespmem:s15+$0x0] =	vst.add.f32.msk $0xffff, v4;
	v1 =	vand.u32 $0xFFFF0000, v1;
	v4 =	vand.u32 $0xFFFF0000, v10;
	v2 =	vadd.f32 v5, v2  }
0x1bf: {  	s16 =	sor.u32 $0x20, s0;
	[tilespmem:s3+$0x0] =	vst.add.f32.msk $0xffff, v3;
	v1 =	vadd.f32 v4, v1  }
0x1c0: {  	s17 =	sor.u32 $0x30, s0;
	[tilespmem:s16+$0x0] =	vst.add.f32.msk $0xffff, v2  }
0x1c1: {  	v3 =	vand.u32 $0xFFFF0000, v8;
	v2 =	vand.u32 $0xFFFF0000, v9;
	[tilespmem:s17+$0x0] =	vst.add.f32.msk $0xffff, v1  }
0x1c2: {  	v1 =	vadd.f32 v3, v2;
	v2 =	vld [tilespmem:s19+$0xFFFFBFB0]  }
0x1c3: {  	v3 =	vld [tilespmem:s19+$0xFFFFFFB0]  }
0x1c4: {  	v6 =	vld [tilespmem:s19+$0xFFFFFEA0]  }
0x1c5: {  	v4 =	vld [tilespmem:s19+$0xFFFFFE20]  }
0x1c6: {  	s18 =	sor.u32 $0x10, s3;
	v5 =	vld [tilespmem:s19+$0xFFFFBEA0]  }
0x1c7: {  	[tilespmem:s18+$0x0] =	vst.add.f32.msk $0xffff, v1  }
0x1c8: {  	v1 =	vld [tilespmem:s19+$0xFFFFBE20];
	v7 =	vshll.u32 v2, $0x10;
	v8 =	vshll.u32 v3, $0x10  }
0x1c9: {  	v47 =	vld [tilespmem:s19+$0xFFFFBF20];
	v2 =	vand.u32 $0xFFFF0000, v2;
	v3 =	vand.u32 $0xFFFF0000, v3;
	v7 =	vadd.f32 v8, v7  }
0x1ca: {  	s22 =	sor.u32 $0x40, s0;
	v8 =	vld [tilespmem:s19+$0xFFFFFF20];
	v2 =	vadd.f32 v3, v2  }
0x1cb: {  	s23 =	sor.u32 $0x50, s0;
	[tilespmem:s22+$0x0] =	vst.add.f32.msk $0xffff, v7  }
0x1cc: {  	[tilespmem:s23+$0x0] =	vst.add.f32.msk $0xffff, v2  }
0x1cd: {  	v2 =	vld [tilespmem:s19+$0xFFFFBFC0]  }
0x1ce: {  	v3 =	vshll.u32 v1, $0x10;
	v7 =	vshll.u32 v4, $0x10;
	v48 =	vld [tilespmem:s19+$0xFFFFFFC0]  }
0x1cf: {  	v1 =	vand.u32 $0xFFFF0000, v1;
	v4 =	vand.u32 $0xFFFF0000, v4;
	v3 =	vadd.f32 v7, v3  }
0x1d0: {  	s24 =	sor.u32 $0x20, s1;
	v49 =	vshll.u32 v6, $0x10;
	v7 =	vshll.u32 v5, $0x10;
	v1 =	vadd.f32 v4, v1  }
0x1d1: {  	s25 =	sor.u32 $0x30, s1;
	v4 =	vand.u32 $0xFFFF0000, v5;
	v5 =	vand.u32 $0xFFFF0000, v6;
	v6 =	vadd.f32 v49, v7;
	[tilespmem:s24+$0x0] =	vst.add.f32.msk $0xffff, v3  }
0x1d2: {  	s26 =	sor.u32 $0x20, s2;
	v4 =	vadd.f32 v5, v4;
	v3 =	vshll.u32 v47, $0x10;
	v7 =	vshll.u32 v8, $0x10;
	[tilespmem:s25+$0x0] =	vst.add.f32.msk $0xffff, v1  }
0x1d3: {  	s28 =	sor.u32 $0x30, s2;
	v1 =	vadd.f32 v7, v3;
	[tilespmem:s26+$0x0] =	vst.add.f32.msk $0xffff, v6;
	v3 =	vshll.u32 v2, $0x10;
	v5 =	vshll.u32 v48, $0x10  }
0x1d4: {  	s29 =	sor.u32 $0x20, s3;
	[tilespmem:s28+$0x0] =	vst.add.f32.msk $0xffff, v4;
	v2 =	vand.u32 $0xFFFF0000, v2;
	v4 =	vand.u32 $0xFFFF0000, v48;
	v3 =	vadd.f32 v5, v3  }
0x1d5: {  	s5 =	sor.u32 $0x60, s0;
	[tilespmem:s29+$0x0] =	vst.add.f32.msk $0xffff, v1;
	v1 =	vadd.f32 v4, v2  }
0x1d6: {  	s0 =	sor.u32 $0x70, s0;
	[tilespmem:s5+$0x0] =	vst.add.f32.msk $0xffff, v3  }
0x1d7: {  	v2 =	vand.u32 $0xFFFF0000, v47;
	v3 =	vand.u32 $0xFFFF0000, v8;
	[tilespmem:s0+$0x0] =	vst.add.f32.msk $0xffff, v1  }
0x1d8: {  	v1 =	vadd.f32 v3, v2;
	v2 =	vld [tilespmem:s19+$0xFFFFBFD0]  }
0x1d9: {  	v3 =	vld [tilespmem:s19+$0xFFFFFFD0]  }
0x1da: {  	v6 =	vld [tilespmem:s19+$0xFFFFFEB0]  }
0x1db: {  	s6 =	sor.u32 $0x30, s3;
	v4 =	vld [tilespmem:s19+$0xFFFFFE30]  }
0x1dc: {  	s7 =	sand.u32 $0x7, s20;
	[tilespmem:s6+$0x0] =	vst.add.f32.msk $0xffff, v1  }
0x1dd: {  	s0 =	sshll.u32 s7, $0x7;
	v1 =	vld [tilespmem:s19+$0xFFFFBE30]  }
0x1de: {  	v5 =	vld [tilespmem:s19+$0xFFFFBEB0];
	s8 =	sadd.s32 $0x0, s0;
	v7 =	vshll.u32 v2, $0x10;
	v8 =	vshll.u32 v3, $0x10  }
0x1df: {  	s0 =	sadd.s32 $0x180, s8;
	v50 =	vld [tilespmem:s19+$0xFFFFBF30];
	v2 =	vand.u32 $0xFFFF0000, v2;
	v3 =	vand.u32 $0xFFFF0000, v3;
	v7 =	vadd.f32 v8, v7  }
0x1e0: {  	s9 =	sor.u32 $0x400, s0;
	v8 =	vld [tilespmem:s19+$0xFFFFFF30];
	v2 =	vadd.f32 v3, v2  }
0x1e1: {  	s10 =	sor.u32 $0x410, s0;
	[tilespmem:s9+$0x11C00] =	vst.add.f32.msk $0xffff, v7  }
0x1e2: {  	v3 =	vshll.u32 v1, $0x10;
	v7 =	vshll.u32 v4, $0x10;
	[tilespmem:s10+$0x11C00] =	vst.add.f32.msk $0xffff, v2  }
0x1e3: {  	v1 =	vand.u32 $0xFFFF0000, v1;
	v2 =	vand.u32 $0xFFFF0000, v4;
	v3 =	vadd.f32 v7, v3;
	v4 =	vld [tilespmem:s19+$0xFFFFBFE0]  }
0x1e4: {  	s11 =	sor.u32 $0x40, s1;
	v51 =	vshll.u32 v6, $0x10;
	v7 =	vshll.u32 v5, $0x10;
	v1 =	vadd.f32 v2, v1;
	v2 =	vld [tilespmem:s19+$0xFFFFFFE0]  }
0x1e5: {  	v6 =	vand.u32 $0xFFFF0000, v6;
	s6 =	sor.u32 $0x50, s1;
	v5 =	vand.u32 $0xFFFF0000, v5;
	v7 =	vadd.f32 v51, v7;
	[tilespmem:s11+$0x0] =	vst.add.f32.msk $0xffff, v3  }
0x1e6: {  	s12 =	sor.u32 $0x40, s2;
	v5 =	vadd.f32 v6, v5;
	v3 =	vshll.u32 v50, $0x10;
	v52 =	vshll.u32 v8, $0x10;
	[tilespmem:s6+$0x0] =	vst.add.f32.msk $0xffff, v1  }
0x1e7: {  	s13 =	sor.u32 $0x50, s2;
	v3 =	vadd.f32 v52, v3;
	[tilespmem:s12+$0x0] =	vst.add.f32.msk $0xffff, v7  }
0x1e8: {  	s14 =	sor.u32 $0x40, s3;
	v6 =	vand.u32 $0xFFFF0000, v8;
	v1 =	vand.u32 $0xFFFF0000, v50;
	[tilespmem:s13+$0x0] =	vst.add.f32.msk $0xffff, v5  }
0x1e9: {  	v1 =	vadd.f32 v6, v1;
	[tilespmem:s14+$0x0] =	vst.add.f32.msk $0xffff, v3  }
0x1ea: {  	s15 =	sor.u32 $0x50, s3;
	v6 =	vld [tilespmem:s19+$0xFFFFFEC0];
	v3 =	vshll.u32 v4, $0x10;
	v5 =	vshll.u32 v2, $0x10  }
0x1eb: {  	[tilespmem:s15+$0x0] =	vst.add.f32.msk $0xffff, v1;
	v1 =	vadd.f32 v5, v3  }
0x1ec: {  	s16 =	sor.u32 $0x420, s0;
	v3 =	vld [tilespmem:s19+$0xFFFFBE40]  }
0x1ed: {  	[tilespmem:s16+$0x11C00] =	vst.add.f32.msk $0xffff, v1  }
0x1ee: {  	v1 =	vld [tilespmem:s19+$0xFFFFFE40]  }
0x1ef: {  	v4 =	vand.u32 $0xFFFF0000, v4;
	v2 =	vand.u32 $0xFFFF0000, v2;
	v5 =	vld [tilespmem:s19+$0xFFFFBEC0]  }
0x1f0: {  	v2 =	vadd.f32 v2, v4;
	v4 =	vld [tilespmem:s19+$0xFFFFBF40]  }
0x1f1: {  	s17 =	sor.u32 $0x430, s0;
	v7 =	vld [tilespmem:s19+$0xFFFFFF40]  }
0x1f2: {  	[tilespmem:s17+$0x11C00] =	vst.add.f32.msk $0xffff, v2;
	v55 =	vshll.u32 v6, $0x10;
	v2 =	vshll.u32 v3, $0x10  }
0x1f3: {  	v3 =	vand.u32 $0xFFFF0000, v3;
	v8 =	vshll.u32 v1, $0x10;
	v1 =	vand.u32 $0xFFFF0000, v1  }
0x1f4: {  	v53 =	vld [tilespmem:s19+$0xFFFFBFF0];
	v54 =	vshll.u32 v5, $0x10;
	v2 =	vadd.f32 v8, v2;
	v1 =	vadd.f32 v1, v3  }
0x1f5: {  	s18 =	sor.u32 $0x60, s1;
	v8 =	vld [tilespmem:s19+$0xFFFFFFF0];
	v3 =	vand.u32 $0xFFFF0000, v5;
	v5 =	vand.u32 $0xFFFF0000, v6;
	v6 =	vadd.f32 v55, v54  }
0x1f6: {  	s22 =	sor.u32 $0x60, s2;
	[tilespmem:s18+$0x0] =	vst.add.f32.msk $0xffff, v2  }
0x1f7: {  	s1 =	sor.u32 $0x70, s1;
	v56 =	vshll.u32 v7, $0x10;
	v3 =	vadd.f32 v5, v3;
	v2 =	vshll.u32 v4, $0x10;
	[tilespmem:s22+$0x0] =	vst.add.f32.msk $0xffff, v6  }
0x1f8: {  	s23 =	sor.u32 $0x70, s2;
	[tilespmem:s1+$0x0] =	vst.add.f32.msk $0xffff, v1;
	v2 =	vadd.f32 v56, v2  }
0x1f9: {  	s24 =	sor.u32 $0x60, s3;
	v1 =	vand.u32 $0xFFFF0000, v4;
	v4 =	vand.u32 $0xFFFF0000, v7;
	[tilespmem:s23+$0x0] =	vst.add.f32.msk $0xffff, v3  }
0x1fa: {  	v1 =	vadd.f32 v4, v1;
	[tilespmem:s24+$0x0] =	vst.add.f32.msk $0xffff, v2  }
0x1fb: {  	s25 =	sor.u32 $0x70, s3;
	v2 =	vld [tilespmem:s19+$0xFFFFFE50]  }
0x1fc: {  	[tilespmem:s25+$0x0] =	vst.add.f32.msk $0xffff, v1  }
0x1fd: {  	v1 =	vld [tilespmem:s19+$0xFFFFBE50]  }
0x1fe: {  	v3 =	vld [tilespmem:s19+$0xFFFFBED0]  }
0x1ff: {  	v4 =	vld [tilespmem:s19+$0xFFFFFED0]  }
0x200: {  	p0 =	por $0x0, $0x0;
	s1 =	simm.s32 $0x1  }
0x201: {  	v6 =	vshll.u32 v53, $0x10;
	s1 =	simm.s32 @!p0 $0x0;
	v7 =	vshll.u32 v8, $0x10;
	v5 =	vld [tilespmem:s19+$0xFFFFBF50]  }
0x202: {  	s1 =	sshll.u32 s1, $0x9;
	v6 =	vadd.f32 v7, v6;
	v57 =	vld [tilespmem:s19+$0xFFFFFF50];
	v58 =	vshll.u32 v2, $0x10;
	v7 =	vshll.u32 v1, $0x10  }
0x203: {  	s26 =	sor.u32 $0x440, s0;
	s1 =	sadd.s32 $0x0, s1;
	v2 =	vand.u32 $0xFFFF0000, v2;
	v1 =	vand.u32 $0xFFFF0000, v1;
	v7 =	vadd.f32 v58, v7  }
0x204: {  	s29 =	sor.u32 $0x400, s1;
	[tilespmem:s26+$0x11C00] =	vst.add.f32.msk $0xffff, v6;
	v6 =	vshll.u32 v3, $0x10;
	v1 =	vadd.f32 v2, v1;
	v2 =	vshll.u32 v4, $0x10  }
0x205: {  	s28 =	sand.u32 $0x3, s20;
	s7 =	sadd.s32 $0x80, s8;
	s2 =	sor.u32 $0x410, s1;
	v3 =	vand.u32 $0xFFFF0000, v3;
	v4 =	vand.u32 $0xFFFF0000, v4;
	v2 =	vadd.f32 v2, v6;
	[tilespmem:s29+$0x11C00] =	vst.add.f32.msk $0xffff, v7  }
0x206: {  	s3 =	sshll.u32 s28, $0x8;
	s4 =	sor.u32 $0x400, s7;
	[tilespmem:s2+$0x11C00] =	vst.add.f32.msk $0xffff, v1;
	v1 =	vadd.f32 v4, v3  }
0x207: {  	s3 =	sadd.s32 $0x0, s3;
	s12 =	sor.u32 $0x410, s7;
	v6 =	vshll.u32 v5, $0x10;
	v3 =	vshll.u32 v57, $0x10;
	[tilespmem:s4+$0x11C00] =	vst.add.f32.msk $0xffff, v2  }
0x208: {  	s3 =	sadd.s32 $0x100, s3;
	v2 =	vadd.f32 v3, v6;
	[tilespmem:s12+$0x11C00] =	vst.add.f32.msk $0xffff, v1  }
0x209: {  	s13 =	sor.u32 $0x400, s3;
	v1 =	vld [tilespmem:s19+$0xFFFFBE60]  }
0x20a: {  	v4 =	vand.u32 $0xFFFF0000, v5;
	v5 =	vand.u32 $0xFFFF0000, v57;
	[tilespmem:s13+$0x11C00] =	vst.add.f32.msk $0xffff, v2  }
0x20b: {  	v3 =	vadd.f32 v5, v4;
	v2 =	vld [tilespmem:s19+$0xFFFFFE60]  }
0x20c: {  	s14 =	sor.u32 $0x410, s3;
	v4 =	vand.u32 $0xFFFF0000, v53;
	v5 =	vand.u32 $0xFFFF0000, v8;
	v6 =	vld [tilespmem:s19+$0xFFFFFEE0]  }
0x20d: {  	v4 =	vadd.f32 v5, v4;
	[tilespmem:s14+$0x11C00] =	vst.add.f32.msk $0xffff, v3  }
0x20e: {  	s15 =	sor.u32 $0x450, s0;
	v3 =	vld [tilespmem:s19+$0xFFFFBEE0]  }
0x20f: {  	[tilespmem:s15+$0x11C00] =	vst.add.f32.msk $0xffff, v4  }
0x210: {  	v5 =	vld [tilespmem:s19+$0xFFFFBF60]  }
0x211: {  	v7 =	vld [tilespmem:s19+$0xFFFFFF60];
	v4 =	vshll.u32 v1, $0x10;
	v8 =	vshll.u32 v2, $0x10  }
0x212: {  	v59 =	vld [tilespmem:s19+$0xFFFFC000];
	v1 =	vand.u32 $0xFFFF0000, v1;
	v2 =	vand.u32 $0xFFFF0000, v2;
	v4 =	vadd.f32 v8, v4  }
0x213: {  	s16 =	sor.u32 $0x420, s1;
	v8 =	vld [tilespmem:s19+$0x0];
	v60 =	vshll.u32 v3, $0x10;
	v1 =	vadd.f32 v2, v1;
	v2 =	vshll.u32 v6, $0x10  }
0x214: {  	s17 =	sor.u32 $0x430, s1;
	v3 =	vand.u32 $0xFFFF0000, v3;
	v6 =	vand.u32 $0xFFFF0000, v6;
	v2 =	vadd.f32 v2, v60;
	[tilespmem:s16+$0x11C00] =	vst.add.f32.msk $0xffff, v4  }
0x215: {  	s18 =	sor.u32 $0x420, s7;
	[tilespmem:s17+$0x11C00] =	vst.add.f32.msk $0xffff, v1;
	v1 =	vadd.f32 v6, v3  }
0x216: {  	s22 =	sor.u32 $0x430, s7;
	v4 =	vshll.u32 v5, $0x10;
	v3 =	vshll.u32 v7, $0x10;
	[tilespmem:s18+$0x11C00] =	vst.add.f32.msk $0xffff, v2  }
0x217: {  	v2 =	vadd.f32 v3, v4;
	[tilespmem:s22+$0x11C00] =	vst.add.f32.msk $0xffff, v1  }
0x218: {  	s23 =	sor.u32 $0x420, s3;
	v5 =	vand.u32 $0xFFFF0000, v5;
	v6 =	vand.u32 $0xFFFF0000, v7;
	v1 =	vld [tilespmem:s19+$0xFFFFBE70]  }
0x219: {  	v3 =	vadd.f32 v6, v5;
	[tilespmem:s23+$0x11C00] =	vst.add.f32.msk $0xffff, v2  }
0x21a: {  	s24 =	sor.u32 $0x430, s3;
	v2 =	vld [tilespmem:s19+$0xFFFFFE70]  }
0x21b: {  	[tilespmem:s24+$0x11C00] =	vst.add.f32.msk $0xffff, v3  }
0x21c: {  	v3 =	vld [tilespmem:s19+$0xFFFFBEF0]  }
0x21d: {  	s26 =	sor.u32 $0x440, s3;
	v7 =	vand.u32 $0xFFFF0000, v59;
	v5 =	vld [tilespmem:s19+$0xFFFFFEF0]  }
0x21e: {  	v4 =	vshll.u32 v59, $0x10;
	v6 =	vshll.u32 v8, $0x10;
	v8 =	vand.u32 $0xFFFF0000, v8;
	v61 =	vld [tilespmem:s19+$0xFFFFBF70];
	[dreg:$0x3] =	wrdreg s26  }
0x21f: {  	s30 =	simm.s32 $0x0;
	s31 =	sor.u32 $0x450, s3;
	v4 =	vadd.f32 v6, v4;
	v6 =	vadd.f32 v8, v7;
	v8 =	vld [tilespmem:s19+$0xFFFFFF70];
	v7 =	vshll.u32 v1, $0x10  }
0x220: {  	s8 =	sor.u32 $0x440, s7;
	s9 =	sor.u32 $0x460, s3;
	s29 =	sor.u32 $0x460, s0;
	v1 =	vand.u32 $0xFFFF0000, v1;
	v62 =	vshll.u32 v2, $0x10;
	v2 =	vand.u32 $0xFFFF0000, v2  }
0x221: {  	s25 =	sor.u32 $0x440, s1;
	s28 =	sor.u32 $0x450, s1;
	s0 =	sor.u32 $0x470, s0;
	[tilespmem:s29+$0x11C00] =	vst.add.f32.msk $0xffff, v4;
	v4 =	vadd.f32 v62, v7;
	v7 =	vshll.u32 v3, $0x10;
	v63 =	vand.u32 $0xFFFF0000, v3  }
0x222: {  	s11 =	sor.u32 $0x460, s1;
	s10 =	sor.u32 $0x470, s1;
	s1 =	simm.s32 $0x0;
	[tilespmem:s0+$0x11C00] =	vst.add.f32.msk $0xffff, v6;
	v2 =	vadd.f32 v2, v1;
	v1 =	vshll.u32 v5, $0x10;
	v5 =	vand.u32 $0xFFFF0000, v5  }
0x223: {  	s3 =	sor.u32 $0x470, s3;
	s2 =	sor.u32 $0x470, s7;
	s12 =	sor.u32 $0x460, s7;
	v3 =	vshll.u32 v61, $0x10;
	[tilespmem:s25+$0x11C00] =	vst.add.f32.msk $0xffff, v4;
	v4 =	vadd.f32 v1, v7;
	v1 =	vand.u32 $0xFFFF0000, v61  }
0x224: {  	s15 =	sor.u32 $0x450, s7;
	s7 =	simm.s32 $0x0;
	s0 =	simm.s32 $0xDFF0;
	v6 =	vshll.u32 v8, $0x10;
	[tilespmem:s28+$0x11C00] =	vst.add.f32.msk $0xffff, v2;
	v2 =	vadd.f32 v5, v63;
	v5 =	vand.u32 $0xFFFF0000, v8  }
.LBB2_9:
0x225: {  	v7 =	vld [tilespmem:s0+$0xFFFFBF90]  }
0x226: {  	v1 =	vadd.f32 v5, v1;
	v5 =	vld [tilespmem:s0+$0xFFFFFF90]  }
0x227: {  	v3 =	vadd.f32 v6, v3;
	v6 =	vld [tilespmem:s0+$0xFFFFBE10]  }
0x228: {  	[dreg:$0xa] =	wrdreg s10;
	v8 =	vld [tilespmem:s0+$0xFFFFFE10]  }
0x229: {  	[dreg:$0x9] =	wrdreg s9;
	s20 =	sadd.s32 $0x2, s20;
	v9 =	vld [tilespmem:s0+$0xFFFFBE90]  }
0x22a: {  	[dreg:$0x7] =	wrdreg s2;
	v10 =	vld [tilespmem:s0+$0xFFFFFE90];
	s1 =	sadd.s32 $0x400, s1;
	s9 =	sand.u32 $0x3, s20  }
0x22b: {  	v11 =	vld [tilespmem:s0+$0xFFFFBF10];
	s21 =	sadd.s32 $0x200, s21;
	s10 =	sand.u32 $0x7800, s1;
	s2 =	sshll.u32 s9, $0x8;
	v12 =	vshll.u32 v7, $0x10;
	v13 =	vshll.u32 v5, $0x10  }
0x22c: {  	v14 =	vld [tilespmem:s0+$0xFFFFFF10];
	s4 =	sand.u32 $0x380, s21;
	s28 =	sadd.s32 s1, s2;
	s2 =	sadd.s32 $0x11C00, s10;
	v7 =	vand.u32 $0xFFFF0000, v7;
	v5 =	vand.u32 $0xFFFF0000, v5;
	v12 =	vadd.f32 v13, v12  }
0x22d: {  	[dreg:$0x5] =	wrdreg s3;
	[tilespmem:s8+$0x11C00] =	vst.add.f32.msk $0xffff, v4;
	s5 =	sor.u32 s4, s2;
	v5 =	vadd.f32 v5, v7  }
0x22e: {  	p0 =	por !p0, !p0;
	s3 =	simm.s32 $0x1;
	s14 =	sor.u32 $0x10, s5;
	[tilespmem:s5+$0x0] =	vst.add.f32.msk $0xffff, v12  }
0x22f: {  	[dreg:$0xd] =	wrdreg s11;
	s3 =	simm.s32 @!p0 $0x0;
	s11 =	sadd.s32 $0xFFFFFE80, s21;
	v57 =	vshll.u32 v6, $0x10;
	v15 =	vshll.u32 v8, $0x10;
	[tilespmem:s14+$0x0] =	vst.add.f32.msk $0xffff, v5  }
0x230: {  	[dreg:$0x13] =	wrdreg s12;
	s26 =	sshll.u32 s3, $0x9;
	s3 =	sand.u32 $0x200, s11;
	v4 =	vand.u32 $0xFFFF0000, v6;
	v6 =	vand.u32 $0xFFFF0000, v8;
	v5 =	vadd.f32 v15, v57;
	v59 =	vld [tilespmem:s0+$0xFFFFBFA0]  }
0x231: {  	s6 =	sadd.s32 $0xFFFFFF00, s21;
	s12 =	sadd.s32 $0xFFFFFF80, s21;
	s3 =	sor.u32 s3, s2;
	v8 =	vshll.u32 v10, $0x10;
	v7 =	vshll.u32 v9, $0x10;
	v4 =	vadd.f32 v6, v4;
	v60 =	vld [tilespmem:s0+$0xFFFFFFA0]  }
0x232: {  	s13 =	sand.u32 $0x280, s6;
	s16 =	sand.u32 $0x300, s12;
	v10 =	vand.u32 $0xFFFF0000, v10;
	s18 =	sor.u32 $0x10, s3;
	v9 =	vand.u32 $0xFFFF0000, v9;
	[tilespmem:s3+$0x0] =	vst.add.f32.msk $0xffff, v5;
	v5 =	vadd.f32 v8, v7  }
0x233: {  	s10 =	sor.u32 s13, s2;
	s2 =	sor.u32 s16, s2;
	v58 =	vshll.u32 v11, $0x10;
	v6 =	vshll.u32 v14, $0x10;
	v7 =	vadd.f32 v10, v9;
	[tilespmem:s18+$0x0] =	vst.add.f32.msk $0xffff, v4  }
0x234: {  	s17 =	sor.u32 $0x10, s10;
	v11 =	vand.u32 $0xFFFF0000, v11;
	s29 =	sor.u32 $0x10, s2;
	v14 =	vand.u32 $0xFFFF0000, v14;
	v4 =	vadd.f32 v6, v58;
	[tilespmem:s10+$0x0] =	vst.add.f32.msk $0xffff, v5  }
0x235: {  	s9 =	sor.u32 $0x20, s2;
	s25 =	sor.u32 $0x30, s2;
	s22 =	sor.u32 $0x60, s10;
	v6 =	vadd.f32 v14, v11;
	[tilespmem:s17+$0x0] =	vst.add.f32.msk $0xffff, v7  }
0x236: {  	s12 =	sor.u32 $0x40, s2;
	s11 =	sor.u32 $0x60, s2;
	[smem:$0x7E7] =	sst s22;
	[tilespmem:s2+$0x0] =	vst.add.f32.msk $0xffff, v4  }
0x237: {  	s17 =	sor.u32 $0x50, s2;
	s2 =	sor.u32 $0x70, s2;
	[tilespmem:s29+$0x0] =	vst.add.f32.msk $0xffff, v6;
	s29 =	sadd.s32 $0x100, s28  }
0x238: {  	v4 =	vshll.u32 v59, $0x10;
	v5 =	vshll.u32 v60, $0x10;
	[smem:$0x7E8] =	sst s2;
	s22 =	sor.u32 $0x400, s29  }
0x239: {  	s26 =	sadd.s32 s26, s1;
	v7 =	vld [tilespmem:s0+$0xFFFFBE20];
	v6 =	vand.u32 $0xFFFF0000, v60;
	v4 =	vadd.f32 v5, v4;
	v5 =	vand.u32 $0xFFFF0000, v59;
	[smem:$0x7EB] =	sst s22;
	s22 =	sor.u32 $0x410, s29  }
0x23a: {  	s28 =	sor.u32 $0x20, s5;
	v5 =	vadd.f32 v6, v5;
	v6 =	vld [tilespmem:s0+$0xFFFFFE20];
	[smem:$0x7EC] =	sst s22;
	s22 =	sor.u32 $0x400, s26  }
0x23b: {  	[tilespmem:s28+$0x0] =	vst.add.f32.msk $0xffff, v4;
	s28 =	sor.u32 $0x30, s5;
	[smem:$0x7E9] =	sst s22;
	s22 =	sor.u32 $0x410, s26  }
0x23c: {  	[tilespmem:s28+$0x0] =	vst.add.f32.msk $0xffff, v5;
	s28 =	sor.u32 $0x430, s26;
	[smem:$0x7EA] =	sst s22  }
0x23d: {  	v61 =	vld [tilespmem:s0+$0xFFFFBEA0];
	s22 =	sor.u32 $0x420, s29;
	[dreg:$0x1c] =	wrdreg s28  }
0x23e: {  	v4 =	vld [tilespmem:s0+$0xFFFFBFB0];
	s28 =	sor.u32 $0x440, s26;
	[dreg:$0x18] =	wrdreg s22  }
0x23f: {  	s8 =	sor.u32 $0x20, s3;
	v5 =	vld [tilespmem:s0+$0xFFFFFFB0];
	s22 =	sor.u32 $0x420, s26;
	[dreg:$0xf] =	wrdreg s28  }
0x240: {  	s2 =	smov.u32 s31;
	v62 =	vld [tilespmem:s0+$0xFFFFFEA0];
	[dreg:$0x1e] =	wrdreg s22;
	s22 =	sor.u32 $0x430, s29  }
0x241: {  	[tilespmem:s15+$0x11C00] =	vst.add.f32.msk $0xffff, v2;
	s31 =	sor.u32 $0x440, s29;
	v8 =	vshll.u32 v7, $0x10;
	v2 =	vshll.u32 v6, $0x10;
	[dreg:$0x1a] =	wrdreg s22;
	s22 =	sor.u32 $0x450, s26  }
0x242: {  	v63 =	vld [tilespmem:s0+$0xFFFFBF20];
	v7 =	vand.u32 $0xFFFF0000, v7;
	s28 =	sor.u32 $0x450, s29;
	v6 =	vand.u32 $0xFFFF0000, v6;
	v2 =	vadd.f32 v2, v8;
	[dreg:$0x11] =	wrdreg s22;
	s22 =	sor.u32 $0x460, s29  }
0x243: {  	v16 =	vld [tilespmem:s0+$0xFFFFFF20];
	v6 =	vadd.f32 v6, v7;
	[dreg:$0x16] =	wrdreg s22;
	s22 =	sor.u32 $0x470, s29;
	s29 =	sor.u32 $0x460, s26  }
0x244: {  	s6 =	sor.u32 $0x30, s3;
	v17 =	vshll.u32 v4, $0x10;
	v18 =	vshll.u32 v5, $0x10;
	[tilespmem:s8+$0x0] =	vst.add.f32.msk $0xffff, v2;
	[smem:$0x7ED] =	sst s29  }
0x245: {  	v4 =	vand.u32 $0xFFFF0000, v4;
	v5 =	vand.u32 $0xFFFF0000, v5;
	v13 =	vadd.f32 v18, v17;
	s29 =	rddreg [dreg:$0x3];
	[tilespmem:s6+$0x0] =	vst.add.f32.msk $0xffff, v6  }
0x246: {  	s15 =	sor.u32 $0x40, s5;
	v4 =	vadd.f32 v5, v4;
	[tilespmem:s29+$0x11C00] =	vst.add.f32.msk $0xffff, v3;
	s29 =	smov.u32 s31  }
0x247: {  	[dreg:$0x3] =	wrdreg s29;
	[tilespmem:s15+$0x0] =	vst.add.f32.msk $0xffff, v13;
	s29 =	sor.u32 $0x50, s5  }
0x248: {  	v5 =	vshll.u32 v62, $0x10;
	v3 =	vshll.u32 v61, $0x10;
	[tilespmem:s29+$0x0] =	vst.add.f32.msk $0xffff, v4  }
0x249: {  	v9 =	vand.u32 $0xFFFF0000, v61;
	v10 =	vand.u32 $0xFFFF0000, v62;
	v3 =	vadd.f32 v5, v3;
	v20 =	vld [tilespmem:s0+$0xFFFFBFC0]  }
0x24a: {  	s24 =	sor.u32 $0x20, s10;
	v19 =	vshll.u32 v63, $0x10;
	v2 =	vadd.f32 v10, v9;
	v4 =	vshll.u32 v16, $0x10;
	v5 =	vld [tilespmem:s0+$0xFFFFFFC0]  }
0x24b: {  	s16 =	sor.u32 $0x30, s10;
	v4 =	vadd.f32 v4, v19;
	[tilespmem:s24+$0x0] =	vst.add.f32.msk $0xffff, v3  }
0x24c: {  	[tilespmem:s16+$0x0] =	vst.add.f32.msk $0xffff, v2  }
0x24d: {  	v11 =	vand.u32 $0xFFFF0000, v63;
	v8 =	vand.u32 $0xFFFF0000, v16;
	[tilespmem:s9+$0x0] =	vst.add.f32.msk $0xffff, v4  }
0x24e: {  	v6 =	vadd.f32 v8, v11;
	v7 =	vld [tilespmem:s0+$0xFFFFBEB0]  }
0x24f: {  	v8 =	vld [tilespmem:s0+$0xFFFFFEB0]  }
0x250: {  	[tilespmem:s25+$0x0] =	vst.add.f32.msk $0xffff, v6  }
0x251: {  	v21 =	vld [tilespmem:s0+$0xFFFFBF30];
	v2 =	vshll.u32 v20, $0x10;
	v3 =	vshll.u32 v5, $0x10  }
0x252: {  	s26 =	sor.u32 $0x470, s26;
	v4 =	vand.u32 $0xFFFF0000, v5;
	v5 =	vld [tilespmem:s0+$0xFFFFBE30];
	v2 =	vadd.f32 v3, v2;
	v3 =	vand.u32 $0xFFFF0000, v20  }
0x253: {  	[smem:$0x7EE] =	sst s26;
	s26 =	sor.u32 $0x60, s5;
	v3 =	vadd.f32 v4, v3;
	v4 =	vld [tilespmem:s0+$0xFFFFFE30]  }
0x254: {  	s5 =	sor.u32 $0x70, s5;
	[tilespmem:s26+$0x0] =	vst.add.f32.msk $0xffff, v2  }
0x255: {  	[tilespmem:s5+$0x0] =	vst.add.f32.msk $0xffff, v3  }
0x256: {  	v2 =	vld [tilespmem:s0+$0xFFFFBFD0]  }
0x257: {  	v3 =	vld [tilespmem:s0+$0xFFFFFFD0]  }
0x258: {  	v22 =	vld [tilespmem:s0+$0xFFFFFF30];
	v25 =	vshll.u32 v7, $0x10;
	v26 =	vshll.u32 v8, $0x10;
	v6 =	vshll.u32 v5, $0x10  }
0x259: {  	[tilespmem:s2+$0x11C00] =	vst.add.f32.msk $0xffff, v1;
	v5 =	vand.u32 $0xFFFF0000, v5;
	v1 =	vshll.u32 v4, $0x10;
	v4 =	vand.u32 $0xFFFF0000, v4  }
0x25a: {  	s7 =	sadd.s32 $0x4, s7;
	v4 =	vadd.f32 v4, v5;
	v5 =	vadd.f32 v26, v25  }
0x25b: {  	s18 =	sor.u32 $0x40, s10;
	s29 =	sand.u32 $0x7, s7;
	v1 =	vadd.f32 v1, v6;
	v23 =	vshll.u32 v2, $0x10  }
0x25c: {  	s5 =	sshll.u32 s29, $0x7;
	v24 =	vshll.u32 v3, $0x10;
	v2 =	vand.u32 $0xFFFF0000, v2;
	v3 =	vand.u32 $0xFFFF0000, v3;
	[tilespmem:s18+$0x0] =	vst.add.f32.msk $0xffff, v5  }
0x25d: {  	s23 =	sor.u32 $0x40, s3;
	s5 =	sadd.s32 s1, s5;
	v2 =	vadd.f32 v3, v2;
	v3 =	vld [tilespmem:s19+$0xFFFFBE80]  }
0x25e: {  	s13 =	sor.u32 $0x50, s3;
	s26 =	sadd.s32 $0x180, s5;
	v11 =	vadd.f32 v24, v23;
	[tilespmem:s23+$0x0] =	vst.add.f32.msk $0xffff, v1  }
0x25f: {  	s29 =	sadd.s32 $0x80, s5;
	s5 =	sor.u32 $0x400, s26;
	[tilespmem:s13+$0x0] =	vst.add.f32.msk $0xffff, v4  }
0x260: {  	s2 =	sor.u32 $0x410, s26;
	[tilespmem:s5+$0x11C00] =	vst.add.f32.msk $0xffff, v11  }
0x261: {  	v7 =	vand.u32 $0xFFFF0000, v7;
	v8 =	vand.u32 $0xFFFF0000, v8;
	[tilespmem:s2+$0x11C00] =	vst.add.f32.msk $0xffff, v2  }
0x262: {  	v1 =	vadd.f32 v8, v7;
	v28 =	vld [tilespmem:s0+$0xFFFFBFE0]  }
0x263: {  	s4 =	sor.u32 $0x50, s10;
	v29 =	vld [tilespmem:s0+$0xFFFFFFE0]  }
0x264: {  	[tilespmem:s4+$0x0] =	vst.add.f32.msk $0xffff, v1  }
0x265: {  	v27 =	vshll.u32 v21, $0x10;
	v5 =	vld [tilespmem:s0+$0xFFFFBE40];
	v2 =	vshll.u32 v22, $0x10  }
0x266: {  	v9 =	vand.u32 $0xFFFF0000, v21;
	v6 =	vand.u32 $0xFFFF0000, v22;
	v8 =	vld [tilespmem:s0+$0xFFFFBEC0];
	v2 =	vadd.f32 v2, v27  }
0x267: {  	v4 =	vadd.f32 v6, v9;
	v30 =	vld [tilespmem:s0+$0xFFFFFEC0]  }
0x268: {  	s31 =	smov.u32 s28;
	s25 =	sor.u32 $0x400, s29;
	[tilespmem:s12+$0x0] =	vst.add.f32.msk $0xffff, v2;
	v1 =	vshll.u32 v28, $0x10;
	v2 =	vshll.u32 v29, $0x10  }
0x269: {  	s24 =	sor.u32 $0x410, s29;
	s9 =	sor.u32 $0x420, s29;
	s6 =	sor.u32 $0x430, s29;
	[tilespmem:s17+$0x0] =	vst.add.f32.msk $0xffff, v4;
	v4 =	vand.u32 $0xFFFF0000, v29;
	v1 =	vadd.f32 v2, v1;
	v2 =	vand.u32 $0xFFFF0000, v28  }
0x26a: {  	s8 =	sor.u32 $0x440, s29;
	s15 =	sor.u32 $0x450, s29;
	s28 =	sor.u32 $0x420, s26;
	v2 =	vadd.f32 v4, v2;
	v4 =	vld [tilespmem:s0+$0xFFFFFE40]  }
0x26b: {  	s16 =	sor.u32 $0x460, s29;
	s5 =	sor.u32 $0x470, s29;
	s29 =	sor.u32 $0x430, s26;
	[tilespmem:s28+$0x11C00] =	vst.add.f32.msk $0xffff, v1  }
0x26c: {  	[tilespmem:s29+$0x11C00] =	vst.add.f32.msk $0xffff, v2  }
0x26d: {  	v1 =	vld [tilespmem:s0+$0xFFFFBFF0]  }
0x26e: {  	v2 =	vld [tilespmem:s0+$0xFFFFFFF0];
	_ =	sdelay $0x1  }
0x26f: {  	v6 =	vshll.u32 v5, $0x10;
	v5 =	vand.u32 $0xFFFF0000, v5;
	v37 =	vshll.u32 v8, $0x10  }
0x270: {  	v35 =	vld [tilespmem:s19+$0xFFFFFE80];
	v16 =	vshll.u32 v30, $0x10;
	v36 =	vshll.u32 v4, $0x10;
	v4 =	vand.u32 $0xFFFF0000, v4  }
0x271: {  	s13 =	sld [smem:$0x7E7];
	v31 =	vld [tilespmem:s0+$0xFFFFBF40];
	v4 =	vadd.f32 v4, v5;
	v5 =	vadd.f32 v16, v37;
	v33 =	vshll.u32 v1, $0x10  }
0x272: {  	v32 =	vld [tilespmem:s0+$0xFFFFFF40];
	v34 =	vshll.u32 v2, $0x10;
	v1 =	vand.u32 $0xFFFF0000, v1;
	v2 =	vand.u32 $0xFFFF0000, v2  }
0x273: {  	v12 =	vadd.f32 v34, v33;
	v1 =	vadd.f32 v2, v1;
	v2 =	vld [tilespmem:s19+$0xFFFFBF00]  }
0x274: {  	s2 =	sor.u32 $0x440, s26;
	[tilespmem:s13+$0x0] =	vst.add.f32.msk $0xffff, v5  }
0x275: {  	s12 =	sor.u32 $0x450, s26;
	[tilespmem:s2+$0x11C00] =	vst.add.f32.msk $0xffff, v12  }
0x276: {  	[tilespmem:s12+$0x11C00] =	vst.add.f32.msk $0xffff, v1  }
0x277: {  	v1 =	vadd.f32 v36, v6;
	v39 =	vld [tilespmem:s0+$0xFFFFC000]  }
0x278: {  	s14 =	sor.u32 $0x60, s3;
	v38 =	vshll.u32 v31, $0x10;
	v6 =	vshll.u32 v32, $0x10;
	v40 =	vld [tilespmem:s0+$0x0]  }
0x279: {  	s3 =	sor.u32 $0x70, s3;
	v8 =	vand.u32 $0xFFFF0000, v8;
	v9 =	vand.u32 $0xFFFF0000, v30;
	v6 =	vadd.f32 v6, v38;
	[tilespmem:s14+$0x0] =	vst.add.f32.msk $0xffff, v1  }
0x27a: {  	v1 =	vadd.f32 v9, v8;
	[tilespmem:s3+$0x0] =	vst.add.f32.msk $0xffff, v4  }
0x27b: {  	s10 =	sor.u32 $0x70, s10;
	v10 =	vand.u32 $0xFFFF0000, v31;
	v11 =	vand.u32 $0xFFFF0000, v32;
	s14 =	sld [smem:$0x7E8];
	[tilespmem:s11+$0x0] =	vst.add.f32.msk $0xffff, v6  }
0x27c: {  	v7 =	vshll.u32 v3, $0x10;
	v41 =	vshll.u32 v35, $0x10;
	v4 =	vadd.f32 v11, v10;
	[tilespmem:s10+$0x0] =	vst.add.f32.msk $0xffff, v1  }
0x27d: {  	v5 =	vadd.f32 v41, v7;
	v7 =	vld [tilespmem:s0+$0xFFFFBE50];
	v1 =	vshll.u32 v39, $0x10;
	v6 =	vshll.u32 v40, $0x10  }
0x27e: {  	v3 =	vand.u32 $0xFFFF0000, v3;
	v8 =	vand.u32 $0xFFFF0000, v35;
	[tilespmem:s14+$0x0] =	vst.add.f32.msk $0xffff, v4;
	v1 =	vadd.f32 v6, v1  }
0x27f: {  	s17 =	sor.u32 $0x460, s26;
	v3 =	vadd.f32 v8, v3;
	v8 =	vld [tilespmem:s0+$0xFFFFFED0];
	v4 =	vand.u32 $0xFFFF0000, v39;
	v6 =	vand.u32 $0xFFFF0000, v40  }
0x280: {  	v4 =	vadd.f32 v6, v4;
	[tilespmem:s17+$0x11C00] =	vst.add.f32.msk $0xffff, v1  }
0x281: {  	s18 =	sor.u32 $0x470, s26;
	v1 =	vld [tilespmem:s0+$0xFFFFFE50]  }
0x282: {  	[tilespmem:s18+$0x11C00] =	vst.add.f32.msk $0xffff, v4  }
0x283: {  	v4 =	vld [tilespmem:s0+$0xFFFFBED0]  }
0x284: {  	v43 =	vld [tilespmem:s0+$0xFFFFBF50]  }
0x285: {  	v44 =	vld [tilespmem:s0+$0xFFFFFF50]  }
0x286: {  	s23 =	sld [smem:$0x7E9];
	v46 =	vld [tilespmem:s19+$0xFFFFFF00];
	v6 =	vshll.u32 v7, $0x10;
	v45 =	vshll.u32 v1, $0x10  }
0x287: {  	s26 =	sld [smem:$0x7EA];
	v48 =	vld [tilespmem:s19+$0xFFFFBF80];
	v7 =	vand.u32 $0xFFFF0000, v7;
	v1 =	vand.u32 $0xFFFF0000, v1;
	v6 =	vadd.f32 v45, v6  }
0x288: {  	v49 =	vld [tilespmem:s19+$0xFFFFFF80];
	v47 =	vshll.u32 v4, $0x10;
	v1 =	vadd.f32 v1, v7;
	v7 =	vshll.u32 v8, $0x10  }
0x289: {  	v4 =	vand.u32 $0xFFFF0000, v4;
	v8 =	vand.u32 $0xFFFF0000, v8;
	[tilespmem:s23+$0x11C00] =	vst.add.f32.msk $0xffff, v6;
	v6 =	vadd.f32 v7, v47  }
0x28a: {  	s28 =	sld [smem:$0x7EB];
	v7 =	vshll.u32 v43, $0x10;
	[tilespmem:s26+$0x11C00] =	vst.add.f32.msk $0xffff, v1;
	v1 =	vadd.f32 v8, v4;
	v4 =	vshll.u32 v44, $0x10  }
0x28b: {  	s29 =	sld [smem:$0x7EC];
	v10 =	vand.u32 $0xFFFF0000, v43;
	v8 =	vand.u32 $0xFFFF0000, v44;
	[tilespmem:s25+$0x11C00] =	vst.add.f32.msk $0xffff, v6;
	v4 =	vadd.f32 v4, v7  }
0x28c: {  	v6 =	vadd.f32 v8, v10;
	[tilespmem:s24+$0x11C00] =	vst.add.f32.msk $0xffff, v1  }
0x28d: {  	v42 =	vshll.u32 v2, $0x10;
	[tilespmem:s28+$0x11C00] =	vst.add.f32.msk $0xffff, v4  }
0x28e: {  	v2 =	vand.u32 $0xFFFF0000, v2;
	v7 =	vshll.u32 v46, $0x10;
	v8 =	vshll.u32 v48, $0x10;
	[tilespmem:s29+$0x11C00] =	vst.add.f32.msk $0xffff, v6  }
0x28f: {  	v1 =	vand.u32 $0xFFFF0000, v46;
	v4 =	vadd.f32 v7, v42;
	v7 =	vshll.u32 v49, $0x10;
	v6 =	vld [tilespmem:s0+$0xFFFFBE60]  }
0x290: {  	v1 =	vadd.f32 v1, v2;
	v2 =	vadd.f32 v7, v8;
	v8 =	vld [tilespmem:s0+$0xFFFFFE60]  }
0x291: {  	v52 =	vld [tilespmem:s0+$0xFFFFBEE0]  }
0x292: {  	s3 =	rddreg [dreg:$0xd];
	v53 =	vld [tilespmem:s0+$0xFFFFFEE0]  }
0x293: {  	[tilespmem:s3+$0x11C00] =	vst.add.f32.msk $0xffff, v5  }
0x294: {  	s12 =	sld [smem:$0x7EE];
	v54 =	vld [tilespmem:s0+$0xFFFFBF60]  }
0x295: {  	s10 =	rddreg [dreg:$0xa];
	v56 =	vld [tilespmem:s0+$0xFFFFFF60];
	v55 =	vshll.u32 v6, $0x10;
	v57 =	vshll.u32 v8, $0x10  }
0x296: {  	s13 =	rddreg [dreg:$0x13];
	[tilespmem:s10+$0x11C00] =	vst.add.f32.msk $0xffff, v3;
	v6 =	vand.u32 $0xFFFF0000, v6;
	v8 =	vand.u32 $0xFFFF0000, v8;
	v5 =	vadd.f32 v57, v55  }
0x297: {  	s14 =	rddreg [dreg:$0x1e];
	[tilespmem:s13+$0x11C00] =	vst.add.f32.msk $0xffff, v4;
	v58 =	vshll.u32 v52, $0x10;
	v3 =	vadd.f32 v8, v6;
	v6 =	vshll.u32 v53, $0x10  }
0x298: {  	s10 =	smov.u32 s12;
	s12 =	smov.u32 s16;
	s16 =	rddreg [dreg:$0x1c];
	v9 =	vand.u32 $0xFFFF0000, v52;
	v8 =	vand.u32 $0xFFFF0000, v53;
	v4 =	vadd.f32 v6, v58;
	[tilespmem:s14+$0x11C00] =	vst.add.f32.msk $0xffff, v5  }
0x299: {  	[tilespmem:s16+$0x11C00] =	vst.add.f32.msk $0xffff, v3;
	v3 =	vadd.f32 v8, v9  }
0x29a: {  	v5 =	vshll.u32 v54, $0x10;
	v8 =	vshll.u32 v56, $0x10;
	[tilespmem:s9+$0x11C00] =	vst.add.f32.msk $0xffff, v4  }
0x29b: {  	v4 =	vadd.f32 v8, v5;
	[tilespmem:s6+$0x11C00] =	vst.add.f32.msk $0xffff, v3  }
0x29c: {  	s17 =	rddreg [dreg:$0x18];
	v59 =	vand.u32 $0xFFFF0000, v56;
	v6 =	vand.u32 $0xFFFF0000, v54;
	v3 =	vld [tilespmem:s0+$0xFFFFBE70]  }
0x29d: {  	v5 =	vadd.f32 v59, v6;
	[tilespmem:s17+$0x11C00] =	vst.add.f32.msk $0xffff, v4  }
0x29e: {  	s18 =	rddreg [dreg:$0x1a];
	v4 =	vld [tilespmem:s0+$0xFFFFFE70]  }
0x29f: {  	[tilespmem:s18+$0x11C00] =	vst.add.f32.msk $0xffff, v5  }
0x2a0: {  	v5 =	vld [tilespmem:s0+$0xFFFFBEF0]  }
0x2a1: {  	s4 =	sld [smem:$0x7ED];
	v6 =	vld [tilespmem:s0+$0xFFFFFEF0]  }
0x2a2: {  	s30 =	sadd.s32 $0x4, s30;
	v50 =	vand.u32 $0xFFFF0000, v48;
	v51 =	vand.u32 $0xFFFF0000, v49;
	s23 =	rddreg [dreg:$0x7];
	v8 =	vld [tilespmem:s0+$0xFFFFBF70]  }
0x2a3: {  	p1 =	slt.u32 s30, $0x7C;
	s26 =	rddreg [dreg:$0x5];
	v7 =	vadd.f32 v51, v50;
	v61 =	vld [tilespmem:s0+$0xFFFFFF70];
	v60 =	vshll.u32 v3, $0x10  }
.Ltmp9:
0x2a4: {  	s24 =	rddreg [dreg:$0x9];
	[tilespmem:s23+$0x11C00] =	vst.add.f32.msk $0xffff, v1;
	v3 =	vand.u32 $0xFFFF0000, v3;
	v62 =	vshll.u32 v4, $0x10;
	v4 =	vand.u32 $0xFFFF0000, v4;
	(pc) =	sbr.rel @p1 .LBB2_9-.Ltmp9, $4  }
0x2a5: {  	s25 =	rddreg [dreg:$0x16];
	[tilespmem:s24+$0x11C00] =	vst.add.f32.msk $0xffff, v2;
	v1 =	vadd.f32 v62, v60;
	v63 =	vshll.u32 v5, $0x10;
	v5 =	vand.u32 $0xFFFF0000, v5  }
0x2a6: {  	s2 =	smov.u32 s5;
	s28 =	rddreg [dreg:$0xf];
	[tilespmem:s26+$0x11C00] =	vst.add.f32.msk $0xffff, v7;
	v2 =	vadd.f32 v4, v3;
	v3 =	vshll.u32 v6, $0x10;
	v6 =	vand.u32 $0xFFFF0000, v6  }
0x2a7: {  	s11 =	smov.u32 s4;
	s19 =	smov.u32 s0;
	s29 =	rddreg [dreg:$0x11];
	v4 =	vadd.f32 v3, v63;
	v3 =	vshll.u32 v8, $0x10;
	[tilespmem:s28+$0x11C00] =	vst.add.f32.msk $0xffff, v1;
	v1 =	vand.u32 $0xFFFF0000, v8  }
0x2a8: {  	s3 =	smov.u32 s22;
	s9 =	smov.u32 s25;
	s0 =	sadd.s32 $0x200, s0;
	[tilespmem:s29+$0x11C00] =	vst.add.f32.msk $0xffff, v2;
	v2 =	vadd.f32 v6, v5;
	v6 =	vshll.u32 v61, $0x10;
	v5 =	vand.u32 $0xFFFF0000, v61  }
.Ltmp10:
0x2a9: {  	_ = 	snop;
	(pc) =	sbr.rel .LBB2_10-.Ltmp10, $1  }
0x2aa: {  	_ =	sdelay $0x3  }
.LBB2_14:
0x2ab: {  	_ =	sfence.sel $0x180000  }
0x2ac: {  	[bflag:$0x0] =	sbarrier.arrive $0xFFFF  }
0x2ad: {  	_ =	strace $0x90000047  }
0x2ae: {  	s0 =	stileid.u32;
	[bflag:$0x2] =	sbarrier.arrive $0xFFFF  }
0x2af: {  	p0 =	sne.s32 s0, $0x0;
	s0 =	rddreg [dreg:$0x1]  }
0x2b0: {  	s0 =	sadd.s32 @!p0 $0x100000, s0  }
0x2b1: {  	[sflag:s0] =	ssyncadd.tile.s32 @!p0 $0x1;
	_ =	shalt  }
.Lfunc_end2:
_tile_overlayer_lowered:
.L_overlay_start_2:
0x2b2: {  	(tag) =	ssettag $0x2  }
0x2b3: {  	s0 =	rddreg [dreg:$0x0];
	s2 =	stileid.u32  }
0x2b4: {  	s1 =	rddreg [dreg:$0x1];
	p0 =	sne.s32 s2, $0x0  }
0x2b5: {  	s3 =	rddreg [dreg:$0x2];
	[bflag:$0x3] =	sbarrier.arrive $0xFFFF;
	s2 =	simm.s32 @!p0 $0x1C03  }
0x2b6: {  	[timem:s3], [sflag:s2] =	dma.local @!p0 [hbm:s0], s1  }
0x2b7: {  	s0 =	simm.s32 @!p0 $0x3  }
0x2b8: {  	_ =	swait.ge @!p0 [sflag:s0], s1  }
0x2b9: {  	s1 =	ssub.s32 @!p0 $0x0, s1;
	[sflag:s0] =	ssyncset.done @!p0 $0x0  }
0x2ba: {  	[sflag:s0] =	ssyncadd.s32 @!p0 s1  }
0x2bb: {  	[bflag:$0x3] =	sbarrier.arrive $0xFFFF  }
0x2bc: {  	_ =	shalt  }

</sc_bundles>
